<compile_context>
chip_gen: v7x
topology: tpu7x:2x2x1
jax: 0.10.2.dev20260603
libtpu: 0.0.44.dev20260713+nightly
codegen_flags: <defaults>
</compile_context>

<pallas_src>
import functools

import jax
import jax.numpy as jnp
from jax import lax
from jax.experimental import pallas as pl
from jax.experimental.pallas import tpu as pltpu
from jax.experimental.pallas import tpu_sc as plsc

B = 16
P = 30
J = 17
N = 16384
L = 16
NC = 2


def _splat_i32(value):
    return jnp.full((L,), value, dtype=jnp.int32)


_mesh = plsc.VectorSubcoreMesh(core_axis_name="c", subcore_axis_name="s")


@functools.partial(
    pl.kernel,
    mesh=_mesh,
    compiler_params=pltpu.CompilerParams(needs_layout_passes=False),
    out_type=jax.ShapeDtypeStruct((B, L), jnp.float32),
    scratch_types=[
        pltpu.VMEM((N,), jnp.float32),
        pltpu.VMEM((P * J * 2 + 4,), jnp.int32),
        pltpu.VMEM((J, 2 * L), jnp.float32),
        pltpu.VMEM((J, 2 * L), jnp.float32),
        pltpu.VMEM((2 * L,), jnp.float32),
        pltpu.VMEM((L,), jnp.float32),
    ],
)
def _aeloss_sc(tags_hbm, kp_hbm, out_hbm, tags_v, kp_v, vt_v, fm_v, m_v, o_v):
    wid = lax.axis_index("s") * NC + lax.axis_index("c")

    @pl.when(wid < B)
    def _body():
        b = wid
        pltpu.sync_copy(tags_hbm.at[b], tags_v)
        pltpu.sync_copy(kp_hbm.at[b], kp_v)

        lane = lax.iota(jnp.int32, L)
        zero16 = _splat_i32(0)
        pids = (lane, lane + L)
        pclamp = (lane, jnp.minimum(lane + L, P - 1))
        padmask = (None, pids[1] < P)

        acc = [jnp.zeros((L,), jnp.float32) for _ in range(2)]
        cnt = [jnp.zeros((L,), jnp.float32) for _ in range(2)]
        for j in range(J):
            for h in range(2):
                base = pclamp[h] * (J * 2) + (j * 2)
                idx = plsc.load_gather(kp_v, [base])
                flag = plsc.load_gather(kp_v, [base + 1])
                ok = flag == 1
                if padmask[h] is not None:
                    ok = ok & padmask[h]
                fm = jnp.where(ok, 1.0, 0.0)
                vt = plsc.load_gather(
                    tags_v, [jnp.minimum(jnp.maximum(idx, 0), N - 1)]
                )
                vt_v[j, pl.ds(h * L, L)] = vt
                fm_v[j, pl.ds(h * L, L)] = fm
                acc[h] = acc[h] + vt * fm
                cnt[h] = cnt[h] + fm

        m = []
        safe = []
        validf = []
        for h in range(2):
            sc = jnp.maximum(cnt[h], 1.0)
            vf = jnp.where(cnt[h] > 0.0, 1.0, 0.0)
            mh = vf * (acc[h] / sc)
            m_v[pl.ds(h * L, L)] = mh
            m.append(mh)
            safe.append(sc)
            validf.append(vf)
        curv = jnp.full((L,), jnp.sum(validf[0] + validf[1]), dtype=jnp.float32)
        lanef = (lane.astype(jnp.float32), (lane + L).astype(jnp.float32))
        wcur = tuple(jnp.where(lf < curv, 1.0, 0.0) for lf in lanef)

        pull_parts = []
        for h in range(2):
            pp = jnp.zeros((L,), jnp.float32)
            for j in range(J):
                d = vt_v[j, pl.ds(h * L, L)] - m[h]
                pp = pp + d * d * fm_v[j, pl.ds(h * L, L)]
            pull_parts.append(validf[h] * (pp / safe[h]))
        pullv = jnp.full(
            (L,), jnp.sum(pull_parts[0] + pull_parts[1]), dtype=jnp.float32
        )
        pullv = jnp.where(curv > 0.0, pullv / curv, pullv)

        s = [jnp.zeros((L,), jnp.float32) for _ in range(2)]
        for i in range(P - 1):
            mi = plsc.load_gather(m_v, [_splat_i32(i)])
            for h in range(2):
                hi = (h + 1) * L - 1
                if hi <= i:
                    continue
                d = mi - m[h]
                e = jnp.exp(-(d * d))
                if h * L > i:
                    s[h] = s[h] + e
                else:
                    s[h] = s[h] + jnp.where(pids[h] > i, e, 0.0)
        pushv = jnp.full(
            (L,), jnp.sum(s[0] * wcur[0] + s[1] * wcur[1]), dtype=jnp.float32
        )
        denomv = jnp.maximum(curv * (curv - 1.0), 1.0) * 0.5
        pushv = jnp.where(curv > 1.0, pushv / denomv, pushv) * 0.5

        o_v[...] = jnp.where(
            lane == 0, pushv, jnp.where(lane == 1, pullv, 0.0)
        ).astype(jnp.float32)
        pltpu.sync_copy(o_v, out_hbm.at[b])


def kernel(inp, input1):
    tags = inp.reshape(B, N)
    kp = jnp.pad(input1.reshape(B, P * J * 2), ((0, 0), (0, 4)))
    out = _aeloss_sc(tags, kp)
    return out[:, :2]

# --- scband reference (transcript-rebuilt; emitter-appended) ---
"""Pipeline reference for scband-aeloss-66889820668447 (READ-ONLY COPY).

The authoritative reference and input builder live on the scoring server;
editing this copy changes nothing except your own understanding.
"""

import jax, jax.numpy as jnp
import numpy as np


def setup_inputs(seed: int = 0) -> dict:
    key = jax.random.key(seed)
    k1, k2 = jax.random.split(key)
    tags = jax.random.normal(k1, (16, 16384, 1), dtype=jnp.float32)
    keypoints = jax.random.randint(k2, (16, 30, 17, 2), 0, 2).astype(jnp.int32)
    return {"inp": tags, "input1": keypoints}


def reference(inp, input1):
    # Faithful translation of AElossFunction.forward (associative embedding loss).
    # inp: float32[B, N_loc, tag_dim]; input1 (keypoints): int[B, P, J, 2]
    # keypoints[..., 0] = flattened location index into tags, keypoints[..., -1] = valid flag.
    tags = inp
    kp = input1
    B = tags.shape[0]
    P = kp.shape[1]
    i = jnp.arange(P)
    outs = []
    for b in range(B):
        flags = (kp[b, :, :, -1] == 1)
        fm = flags.astype(jnp.float32)
        idx = kp[b, :, :, 0]
        vt = tags[b, idx, 0]
        cnt = jnp.sum(fm, axis=1)
        valid = cnt > 0
        safe_cnt = jnp.maximum(cnt, 1.0)
        m = jnp.where(valid, jnp.sum(vt * fm, axis=1) / safe_cnt, 0.0)
        pull_p = jnp.where(
            valid,
            jnp.sum(jnp.square(vt - m[:, None]) * fm, axis=1) / safe_cnt,
            0.0,
        )
        pull = jnp.sum(pull_p)
        cur = jnp.sum(valid.astype(jnp.int32))
        pull = jnp.where(cur > 0, pull / cur, pull)
        # NOTE: torch code iterates p1, p2 over range(cur_people_count), reading mean_tags
        # positionally (it implicitly assumes valid people come first). Replicated exactly.
        pair_mask = ((i[:, None] < i[None, :]) & (i[None, :] < cur)).astype(jnp.float32)
        diff = m[:, None] - m[None, :]
        push = jnp.sum(jnp.exp(-jnp.square(diff)) * pair_mask)
        denom = jnp.maximum(cur * (cur - 1), 1) / 2
        push = jnp.where(cur > 1, push / denom, push)
        push = push * 0.5
        outs.append(jnp.stack([push, pull]))
    return jnp.stack(outs)

if __name__ == "__main__":
    import jax
    _d = setup_inputs()
    print(jax.jit(kernel)(*tuple(_d.values())))

</pallas_src>

<mosaic_0001>
#map = affine_map<(d0, d1) -> (0, 0)>
module attributes {stable_mosaic.version = 14 : i64} {
  func.func @_aeloss_sc(%arg0: i32, %arg1: i32, %arg2: memref<16x16384xf32, #tpu.memory_space<hbm>>, %arg3: memref<16x1024xi32, #tpu.memory_space<hbm>>, %arg4: memref<16x16xf32, #tpu.memory_space<hbm>>, %arg5: memref<16384xf32, #tpu.memory_space<vmem>>, %arg6: memref<1024xi32, #tpu.memory_space<vmem>>, %arg7: memref<17x32xf32, #tpu.memory_space<vmem>>, %arg8: memref<17x32xf32, #tpu.memory_space<vmem>>, %arg9: memref<32xf32, #tpu.memory_space<vmem>>, %arg10: memref<16xf32, #tpu.memory_space<vmem>>) attributes {dimension_semantics = [#tpu.dimension_semantics<core_parallel>, #tpu.dimension_semantics<subcore_parallel>], iteration_bounds = array<i64: 2, 16>, scalar_prefetch = 0 : i64, scratch_operands = 6 : i64, tpu.core_type = #tpu.core_type<sc_vector_subcore>, window_params = [{transform_indices = #map}, {transform_indices = #map}, {transform_indices = #map}]} {
    %mul3A = arith.constant 2 : i32
    %mul3A_0 = arith.muli %arg1, %mul3A : i32
    %add3A = arith.addi %mul3A_0, %arg0 : i32
    %lt3A = arith.constant 16 : i32
    %lt3A_1 = arith.cmpi slt, %add3A, %lt3A : i32
    %convert_element_type3A = arith.extui %lt3A_1 : i1 to i32
    %cond3A = arith.constant 0 : i32
    %cond3A_2 = arith.cmpi ne, %convert_element_type3A, %cond3A : i32
    scf.if %cond3A_2 {
      "tpu.region"() ({
        %run_scoped3A = tpu.sem_alloc : memref<!tpu.dma_semaphore, #tpu.memory_space<semaphore_mem>>
        %dma_start3A = arith.constant 0 : i32
        %dma_start3A_2369 = tpu.memref_slice %arg2[%add3A, %dma_start3A] : memref<16x16384xf32, #tpu.memory_space<hbm>> -> memref<1x16384xf32, #tpu.memory_space<hbm>>
        %dma_start3A_2370 = tpu.memref_squeeze %dma_start3A_2369 : memref<1x16384xf32, #tpu.memory_space<hbm>> -> memref<16384xf32, #tpu.memory_space<hbm>>
        %dma_start3A_2371 = arith.constant 0 : i32
        %dma_start3A_2372 = tpu.memref_slice %arg2[%add3A, %dma_start3A_2371] : memref<16x16384xf32, #tpu.memory_space<hbm>> -> memref<1x16384xf32, #tpu.memory_space<hbm>>
        %dma_start3A_2373 = tpu.memref_squeeze %dma_start3A_2372 : memref<1x16384xf32, #tpu.memory_space<hbm>> -> memref<16384xf32, #tpu.memory_space<hbm>>
        tpu.enqueue_dma source(%dma_start3A_2373 : memref<16384xf32, #tpu.memory_space<hbm>>) target(%arg5 : memref<16384xf32, #tpu.memory_space<vmem>>) target_semaphore(%run_scoped3A : memref<!tpu.dma_semaphore, #tpu.memory_space<semaphore_mem>>)
        %dma_wait3A = arith.constant 0 : i32
        %dma_wait3A_2374 = tpu.memref_slice %arg2[%add3A, %dma_wait3A] : memref<16x16384xf32, #tpu.memory_space<hbm>> -> memref<1x16384xf32, #tpu.memory_space<hbm>>
        %dma_wait3A_2375 = tpu.memref_squeeze %dma_wait3A_2374 : memref<1x16384xf32, #tpu.memory_space<hbm>> -> memref<16384xf32, #tpu.memory_space<hbm>>
        %dma_wait3A_2376 = arith.constant 0 : i32
        %dma_wait3A_2377 = tpu.memref_slice %arg2[%add3A, %dma_wait3A_2376] : memref<16x16384xf32, #tpu.memory_space<hbm>> -> memref<1x16384xf32, #tpu.memory_space<hbm>>
        %dma_wait3A_2378 = tpu.memref_squeeze %dma_wait3A_2377 : memref<1x16384xf32, #tpu.memory_space<hbm>> -> memref<16384xf32, #tpu.memory_space<hbm>>
        tpu.wait_dma2 semaphore(%run_scoped3A : memref<!tpu.dma_semaphore, #tpu.memory_space<semaphore_mem>>) src(%dma_wait3A_2378 : memref<16384xf32, #tpu.memory_space<hbm>>) dst(%arg5 : memref<16384xf32, #tpu.memory_space<vmem>>)
        tpu.yield
      }) : () -> ()
      "tpu.region"() ({
        %run_scoped3A = tpu.sem_alloc : memref<!tpu.dma_semaphore, #tpu.memory_space<semaphore_mem>>
        %dma_start3A = arith.constant 0 : i32
        %dma_start3A_2369 = tpu.memref_slice %arg3[%add3A, %dma_start3A] : memref<16x1024xi32, #tpu.memory_space<hbm>> -> memref<1x1024xi32, #tpu.memory_space<hbm>>
        %dma_start3A_2370 = tpu.memref_squeeze %dma_start3A_2369 : memref<1x1024xi32, #tpu.memory_space<hbm>> -> memref<1024xi32, #tpu.memory_space<hbm>>
        %dma_start3A_2371 = arith.constant 0 : i32
        %dma_start3A_2372 = tpu.memref_slice %arg3[%add3A, %dma_start3A_2371] : memref<16x1024xi32, #tpu.memory_space<hbm>> -> memref<1x1024xi32, #tpu.memory_space<hbm>>
        %dma_start3A_2373 = tpu.memref_squeeze %dma_start3A_2372 : memref<1x1024xi32, #tpu.memory_space<hbm>> -> memref<1024xi32, #tpu.memory_space<hbm>>
        tpu.enqueue_dma source(%dma_start3A_2373 : memref<1024xi32, #tpu.memory_space<hbm>>) target(%arg6 : memref<1024xi32, #tpu.memory_space<vmem>>) target_semaphore(%run_scoped3A : memref<!tpu.dma_semaphore, #tpu.memory_space<semaphore_mem>>)
        %dma_wait3A = arith.constant 0 : i32
        %dma_wait3A_2374 = tpu.memref_slice %arg3[%add3A, %dma_wait3A] : memref<16x1024xi32, #tpu.memory_space<hbm>> -> memref<1x1024xi32, #tpu.memory_space<hbm>>
        %dma_wait3A_2375 = tpu.memref_squeeze %dma_wait3A_2374 : memref<1x1024xi32, #tpu.memory_space<hbm>> -> memref<1024xi32, #tpu.memory_space<hbm>>
        %dma_wait3A_2376 = arith.constant 0 : i32
        %dma_wait3A_2377 = tpu.memref_slice %arg3[%add3A, %dma_wait3A_2376] : memref<16x1024xi32, #tpu.memory_space<hbm>> -> memref<1x1024xi32, #tpu.memory_space<hbm>>
        %dma_wait3A_2378 = tpu.memref_squeeze %dma_wait3A_2377 : memref<1x1024xi32, #tpu.memory_space<hbm>> -> memref<1024xi32, #tpu.memory_space<hbm>>
        tpu.wait_dma2 semaphore(%run_scoped3A : memref<!tpu.dma_semaphore, #tpu.memory_space<semaphore_mem>>) src(%dma_wait3A_2378 : memref<1024xi32, #tpu.memory_space<hbm>>) dst(%arg6 : memref<1024xi32, #tpu.memory_space<vmem>>)
        tpu.yield
      }) : () -> ()
      %iota3A = tpu.iota {dimensions = array<i32: 0>} : vector<16xi32>
      %broadcast_in_dim3A = arith.constant 0 : i32
      %broadcast_in_dim3A_3 = vector.broadcast %broadcast_in_dim3A : i32 to vector<16xi32>
      %add3A_4 = arith.constant 16 : i32
      %add3A_5 = vector.broadcast %add3A_4 : i32 to vector<16xi32>
      %add3A_6 = arith.addi %iota3A, %add3A_5 : vector<16xi32>
      %add3A_7 = arith.constant 16 : i32
      %add3A_8 = vector.broadcast %add3A_7 : i32 to vector<16xi32>
      %add3A_9 = arith.addi %iota3A, %add3A_8 : vector<16xi32>
      %min3A = arith.constant 29 : i32
      %min3A_10 = vector.broadcast %min3A : i32 to vector<16xi32>
      %min3A_11 = arith.minsi %add3A_9, %min3A_10 : vector<16xi32>
      %lt3A_12 = arith.constant 30 : i32
      %lt3A_13 = vector.broadcast %lt3A_12 : i32 to vector<16xi32>
      %lt3A_14 = arith.cmpi slt, %add3A_6, %lt3A_13 : vector<16xi32>
      %broadcast_in_dim3A_15 = arith.constant 0.000000e+00 : f32
      %broadcast_in_dim3A_16 = vector.broadcast %broadcast_in_dim3A_15 : f32 to vector<16xf32>
      %broadcast_in_dim3A_17 = arith.constant 0.000000e+00 : f32
      %broadcast_in_dim3A_18 = vector.broadcast %broadcast_in_dim3A_17 : f32 to vector<16xf32>
      %broadcast_in_dim3A_19 = arith.constant 0.000000e+00 : f32
      %broadcast_in_dim3A_20 = vector.broadcast %broadcast_in_dim3A_19 : f32 to vector<16xf32>
      %broadcast_in_dim3A_21 = arith.constant 0.000000e+00 : f32
      %broadcast_in_dim3A_22 = vector.broadcast %broadcast_in_dim3A_21 : f32 to vector<16xf32>
      %mul3A_23 = arith.constant 34 : i32
      %mul3A_24 = vector.broadcast %mul3A_23 : i32 to vector<16xi32>
      %mul3A_25 = arith.muli %iota3A, %mul3A_24 : vector<16xi32>
      %add3A_26 = arith.constant 0 : i32
      %add3A_27 = vector.broadcast %add3A_26 : i32 to vector<16xi32>
      %add3A_28 = arith.addi %mul3A_25, %add3A_27 : vector<16xi32>
      %gather3A = tpu.vector_load_idx %arg6[%add3A_28] : memref<1024xi32, #tpu.memory_space<vmem>>[vector<16xi32>], vector<16xi32>,
      %add3A_29 = arith.constant 1 : i32
      %add3A_30 = vector.broadcast %add3A_29 : i32 to vector<16xi32>
      %add3A_31 = arith.addi %add3A_28, %add3A_30 : vector<16xi32>
      %gather3A_32 = tpu.vector_load_idx %arg6[%add3A_31] : memref<1024xi32, #tpu.memory_space<vmem>>[vector<16xi32>], vector<16xi32>,
      %eq3A = arith.constant 1 : i32
      %eq3A_33 = vector.broadcast %eq3A : i32 to vector<16xi32>
      %eq3A_34 = arith.cmpi eq, %gather3A_32, %eq3A_33 : vector<16xi32>
      %jit3A = arith.constant 1.000000e+00 : f32
      %jit3A_35 = arith.constant 0.000000e+00 : f32
      %broadcast_in_dim3A_36 = vector.broadcast %jit3A : f32 to vector<16xf32>
      %broadcast_in_dim3A_37 = vector.broadcast %jit3A_35 : f32 to vector<16xf32>
      %select_n3A = arith.select %eq3A_34, %broadcast_in_dim3A_36, %broadcast_in_dim3A_37 : vector<16xi1>, vector<16xf32>
      %max3A = arith.constant 0 : i32
      %max3A_38 = vector.broadcast %max3A : i32 to vector<16xi32>
      %max3A_39 = arith.maxsi %gather3A, %max3A_38 : vector<16xi32>
      %min3A_40 = arith.constant 16383 : i32
      %min3A_41 = vector.broadcast %min3A_40 : i32 to vector<16xi32>
      %min3A_42 = arith.minsi %max3A_39, %min3A_41 : vector<16xi32>
      %gather3A_43 = tpu.vector_load_idx %arg5[%min3A_42] : memref<16384xf32, #tpu.memory_space<vmem>>[vector<16xi32>], vector<16xf32>,
      %swap3A = arith.constant 0 : i32
      %swap3A_44 = arith.index_cast %swap3A : i32 to index
      %swap3A_45 = arith.constant 0 : index
      %swap3A_46 = tpu.vector_load %arg7[%swap3A_44, %swap3A_45] {strides = array<i32>} : memref<17x32xf32, #tpu.memory_space<vmem>>, vector<16xf32>,
      tpu.vector_store %arg7[%swap3A_44, %swap3A_45], %gather3A_43 {strides = array<i32>} : memref<17x32xf32, #tpu.memory_space<vmem>>, vector<16xf32>,
      %swap3A_47 = arith.constant 0 : i32
      %swap3A_48 = arith.index_cast %swap3A_47 : i32 to index
      %swap3A_49 = arith.constant 0 : index
      %swap3A_50 = tpu.vector_load %arg8[%swap3A_48, %swap3A_49] {strides = array<i32>} : memref<17x32xf32, #tpu.memory_space<vmem>>, vector<16xf32>,
      tpu.vector_store %arg8[%swap3A_48, %swap3A_49], %select_n3A {strides = array<i32>} : memref<17x32xf32, #tpu.memory_space<vmem>>, vector<16xf32>,
      %mul3A_51 = arith.mulf %gather3A_43, %select_n3A : vector<16xf32>
      %add3A_52 = arith.addf %broadcast_in_dim3A_16, %mul3A_51 : vector<16xf32>
      %add3A_53 = arith.addf %broadcast_in_dim3A_20, %select_n3A : vector<16xf32>
      %mul3A_54 = arith.constant 34 : i32
      %mul3A_55 = vector.broadcast %mul3A_54 : i32 to vector<16xi32>
      %mul3A_56 = arith.muli %min3A_11, %mul3A_55 : vector<16xi32>
      %add3A_57 = arith.constant 0 : i32
      %add3A_58 = vector.broadcast %add3A_57 : i32 to vector<16xi32>
      %add3A_59 = arith.addi %mul3A_56, %add3A_58 : vector<16xi32>
      %gather3A_60 = tpu.vector_load_idx %arg6[%add3A_59] : memref<1024xi32, #tpu.memory_space<vmem>>[vector<16xi32>], vector<16xi32>,
      %add3A_61 = arith.constant 1 : i32
      %add3A_62 = vector.broadcast %add3A_61 : i32 to vector<16xi32>
      %add3A_63 = arith.addi %add3A_59, %add3A_62 : vector<16xi32>
      %gather3A_64 = tpu.vector_load_idx %arg6[%add3A_63] : memref<1024xi32, #tpu.memory_space<vmem>>[vector<16xi32>], vector<16xi32>,
      %eq3A_65 = arith.constant 1 : i32
      %eq3A_66 = vector.broadcast %eq3A_65 : i32 to vector<16xi32>
      %eq3A_67 = arith.cmpi eq, %gather3A_64, %eq3A_66 : vector<16xi32>
      %and3A = arith.andi %eq3A_67, %lt3A_14 : vector<16xi1>
      %jit3A_68 = arith.constant 1.000000e+00 : f32
      %jit3A_69 = arith.constant 0.000000e+00 : f32
      %broadcast_in_dim3A_70 = vector.broadcast %jit3A_68 : f32 to vector<16xf32>
      %broadcast_in_dim3A_71 = vector.broadcast %jit3A_69 : f32 to vector<16xf32>
      %select_n3A_72 = arith.select %and3A, %broadcast_in_dim3A_70, %broadcast_in_dim3A_71 : vector<16xi1>, vector<16xf32>
      %max3A_73 = arith.constant 0 : i32
      %max3A_74 = vector.broadcast %max3A_73 : i32 to vector<16xi32>
      %max3A_75 = arith.maxsi %gather3A_60, %max3A_74 : vector<16xi32>
      %min3A_76 = arith.constant 16383 : i32
      %min3A_77 = vector.broadcast %min3A_76 : i32 to vector<16xi32>
      %min3A_78 = arith.minsi %max3A_75, %min3A_77 : vector<16xi32>
      %gather3A_79 = tpu.vector_load_idx %arg5[%min3A_78] : memref<16384xf32, #tpu.memory_space<vmem>>[vector<16xi32>], vector<16xf32>,
      %swap3A_80 = arith.constant 0 : i32
      %swap3A_81 = arith.index_cast %swap3A_80 : i32 to index
      %swap3A_82 = arith.constant 16 : index
      %swap3A_83 = tpu.vector_load %arg7[%swap3A_81, %swap3A_82] {strides = array<i32>} : memref<17x32xf32, #tpu.memory_space<vmem>>, vector<16xf32>,
      tpu.vector_store %arg7[%swap3A_81, %swap3A_82], %gather3A_79 {strides = array<i32>} : memref<17x32xf32, #tpu.memory_space<vmem>>, vector<16xf32>,
      %swap3A_84 = arith.constant 0 : i32
      %swap3A_85 = arith.index_cast %swap3A_84 : i32 to index
      %swap3A_86 = arith.constant 16 : index
      %swap3A_87 = tpu.vector_load %arg8[%swap3A_85, %swap3A_86] {strides = array<i32>} : memref<17x32xf32, #tpu.memory_space<vmem>>, vector<16xf32>,
      tpu.vector_store %arg8[%swap3A_85, %swap3A_86], %select_n3A_72 {strides = array<i32>} : memref<17x32xf32, #tpu.memory_space<vmem>>, vector<16xf32>,
      %mul3A_88 = arith.mulf %gather3A_79, %select_n3A_72 : vector<16xf32>
      %add3A_89 = arith.addf %broadcast_in_dim3A_18, %mul3A_88 : vector<16xf32>
      %add3A_90 = arith.addf %broadcast_in_dim3A_22, %select_n3A_72 : vector<16xf32>
      %mul3A_91 = arith.constant 34 : i32
      %mul3A_92 = vector.broadcast %mul3A_91 : i32 to vector<16xi32>
      %mul3A_93 = arith.muli %iota3A, %mul3A_92 : vector<16xi32>
      %add3A_94 = arith.constant 2 : i32
      %add3A_95 = vector.broadcast %add3A_94 : i32 to vector<16xi32>
      %add3A_96 = arith.addi %mul3A_93, %add3A_95 : vector<16xi32>
      %gather3A_97 = tpu.vector_load_idx %arg6[%add3A_96] : memref<1024xi32, #tpu.memory_space<vmem>>[vector<16xi32>], vector<16xi32>,
      %add3A_98 = arith.constant 1 : i32
      %add3A_99 = vector.broadcast %add3A_98 : i32 to vector<16xi32>
      %add3A_100 = arith.addi %add3A_96, %add3A_99 : vector<16xi32>
      %gather3A_101 = tpu.vector_load_idx %arg6[%add3A_100] : memref<1024xi32, #tpu.memory_space<vmem>>[vector<16xi32>], vector<16xi32>,
      %eq3A_102 = arith.constant 1 : i32
      %eq3A_103 = vector.broadcast %eq3A_102 : i32 to vector<16xi32>
      %eq3A_104 = arith.cmpi eq, %gather3A_101, %eq3A_103 : vector<16xi32>
      %jit3A_105 = arith.constant 1.000000e+00 : f32
      %jit3A_106 = arith.constant 0.000000e+00 : f32
      %broadcast_in_dim3A_107 = vector.broadcast %jit3A_105 : f32 to vector<16xf32>
      %broadcast_in_dim3A_108 = vector.broadcast %jit3A_106 : f32 to vector<16xf32>
      %select_n3A_109 = arith.select %eq3A_104, %broadcast_in_dim3A_107, %broadcast_in_dim3A_108 : vector<16xi1>, vector<16xf32>
      %max3A_110 = arith.constant 0 : i32
      %max3A_111 = vector.broadcast %max3A_110 : i32 to vector<16xi32>
      %max3A_112 = arith.maxsi %gather3A_97, %max3A_111 : vector<16xi32>
      %min3A_113 = arith.constant 16383 : i32
      %min3A_114 = vector.broadcast %min3A_113 : i32 to vector<16xi32>
      %min3A_115 = arith.minsi %max3A_112, %min3A_114 : vector<16xi32>
      %gather3A_116 = tpu.vector_load_idx %arg5[%min3A_115] : memref<16384xf32, #tpu.memory_space<vmem>>[vector<16xi32>], vector<16xf32>,
      %swap3A_117 = arith.constant 1 : i32
      %swap3A_118 = arith.index_cast %swap3A_117 : i32 to index
      %swap3A_119 = arith.constant 0 : index
      %swap3A_120 = tpu.vector_load %arg7[%swap3A_118, %swap3A_119] {strides = array<i32>} : memref<17x32xf32, #tpu.memory_space<vmem>>, vector<16xf32>,
      tpu.vector_store %arg7[%swap3A_118, %swap3A_119], %gather3A_116 {strides = array<i32>} : memref<17x32xf32, #tpu.memory_space<vmem>>, vector<16xf32>,
      %swap3A_121 = arith.constant 1 : i32
      %swap3A_122 = arith.index_cast %swap3A_121 : i32 to index
      %swap3A_123 = arith.constant 0 : index
      %swap3A_124 = tpu.vector_load %arg8[%swap3A_122, %swap3A_123] {strides = array<i32>} : memref<17x32xf32, #tpu.memory_space<vmem>>, vector<16xf32>,
      tpu.vector_store %arg8[%swap3A_122, %swap3A_123], %select_n3A_109 {strides = array<i32>} : memref<17x32xf32, #tpu.memory_space<vmem>>, vector<16xf32>,
      %mul3A_125 = arith.mulf %gather3A_116, %select_n3A_109 : vector<16xf32>
      %add3A_126 = arith.addf %add3A_52, %mul3A_125 : vector<16xf32>
      %add3A_127 = arith.addf %add3A_53, %select_n3A_109 : vector<16xf32>
      %mul3A_128 = arith.constant 34 : i32
      %mul3A_129 = vector.broadcast %mul3A_128 : i32 to vector<16xi32>
      %mul3A_130 = arith.muli %min3A_11, %mul3A_129 : vector<16xi32>
      %add3A_131 = arith.constant 2 : i32
      %add3A_132 = vector.broadcast %add3A_131 : i32 to vector<16xi32>
      %add3A_133 = arith.addi %mul3A_130, %add3A_132 : vector<16xi32>
      %gather3A_134 = tpu.vector_load_idx %arg6[%add3A_133] : memref<1024xi32, #tpu.memory_space<vmem>>[vector<16xi32>], vector<16xi32>,
      %add3A_135 = arith.constant 1 : i32
      %add3A_136 = vector.broadcast %add3A_135 : i32 to vector<16xi32>
      %add3A_137 = arith.addi %add3A_133, %add3A_136 : vector<16xi32>
      %gather3A_138 = tpu.vector_load_idx %arg6[%add3A_137] : memref<1024xi32, #tpu.memory_space<vmem>>[vector<16xi32>], vector<16xi32>,
      %eq3A_139 = arith.constant 1 : i32
      %eq3A_140 = vector.broadcast %eq3A_139 : i32 to vector<16xi32>
      %eq3A_141 = arith.cmpi eq, %gather3A_138, %eq3A_140 : vector<16xi32>
      %and3A_142 = arith.andi %eq3A_141, %lt3A_14 : vector<16xi1>
      %jit3A_143 = arith.constant 1.000000e+00 : f32
      %jit3A_144 = arith.constant 0.000000e+00 : f32
      %broadcast_in_dim3A_145 = vector.broadcast %jit3A_143 : f32 to vector<16xf32>
      %broadcast_in_dim3A_146 = vector.broadcast %jit3A_144 : f32 to vector<16xf32>
      %select_n3A_147 = arith.select %and3A_142, %broadcast_in_dim3A_145, %broadcast_in_dim3A_146 : vector<16xi1>, vector<16xf32>
      %max3A_148 = arith.constant 0 : i32
      %max3A_149 = vector.broadcast %max3A_148 : i32 to vector<16xi32>
      %max3A_150 = arith.maxsi %gather3A_134, %max3A_149 : vector<16xi32>
      %min3A_151 = arith.constant 16383 : i32
      %min3A_152 = vector.broadcast %min3A_151 : i32 to vector<16xi32>
      %min3A_153 = arith.minsi %max3A_150, %min3A_152 : vector<16xi32>
      %gather3A_154 = tpu.vector_load_idx %arg5[%min3A_153] : memref<16384xf32, #tpu.memory_space<vmem>>[vector<16xi32>], vector<16xf32>,
      %swap3A_155 = arith.constant 1 : i32
      %swap3A_156 = arith.index_cast %swap3A_155 : i32 to index
      %swap3A_157 = arith.constant 16 : index
      %swap3A_158 = tpu.vector_load %arg7[%swap3A_156, %swap3A_157] {strides = array<i32>} : memref<17x32xf32, #tpu.memory_space<vmem>>, vector<16xf32>,
      tpu.vector_store %arg7[%swap3A_156, %swap3A_157], %gather3A_154 {strides = array<i32>} : memref<17x32xf32, #tpu.memory_space<vmem>>, vector<16xf32>,
      %swap3A_159 = arith.constant 1 : i32
      %swap3A_160 = arith.index_cast %swap3A_159 : i32 to index
      %swap3A_161 = arith.constant 16 : index
      %swap3A_162 = tpu.vector_load %arg8[%swap3A_160, %swap3A_161] {strides = array<i32>} : memref<17x32xf32, #tpu.memory_space<vmem>>, vector<16xf32>,
      tpu.vector_store %arg8[%swap3A_160, %swap3A_161], %select_n3A_147 {strides = array<i32>} : memref<17x32xf32, #tpu.memory_space<vmem>>, vector<16xf32>,
      %mul3A_163 = arith.mulf %gather3A_154, %select_n3A_147 : vector<16xf32>
      %add3A_164 = arith.addf %add3A_89, %mul3A_163 : vector<16xf32>
      %add3A_165 = arith.addf %add3A_90, %select_n3A_147 : vector<16xf32>
      %mul3A_166 = arith.constant 34 : i32
      %mul3A_167 = vector.broadcast %mul3A_166 : i32 to vector<16xi32>
      %mul3A_168 = arith.muli %iota3A, %mul3A_167 : vector<16xi32>
      %add3A_169 = arith.constant 4 : i32
      %add3A_170 = vector.broadcast %add3A_169 : i32 to vector<16xi32>
      %add3A_171 = arith.addi %mul3A_168, %add3A_170 : vector<16xi32>
      %gather3A_172 = tpu.vector_load_idx %arg6[%add3A_171] : memref<1024xi32, #tpu.memory_space<vmem>>[vector<16xi32>], vector<16xi32>,
      %add3A_173 = arith.constant 1 : i32
      %add3A_174 = vector.broadcast %add3A_173 : i32 to vector<16xi32>
      %add3A_175 = arith.addi %add3A_171, %add3A_174 : vector<16xi32>
      %gather3A_176 = tpu.vector_load_idx %arg6[%add3A_175] : memref<1024xi32, #tpu.memory_space<vmem>>[vector<16xi32>], vector<16xi32>,
      %eq3A_177 = arith.constant 1 : i32
      %eq3A_178 = vector.broadcast %eq3A_177 : i32 to vector<16xi32>
      %eq3A_179 = arith.cmpi eq, %gather3A_176, %eq3A_178 : vector<16xi32>
      %jit3A_180 = arith.constant 1.000000e+00 : f32
      %jit3A_181 = arith.constant 0.000000e+00 : f32
      %broadcast_in_dim3A_182 = vector.broadcast %jit3A_180 : f32 to vector<16xf32>
      %broadcast_in_dim3A_183 = vector.broadcast %jit3A_181 : f32 to vector<16xf32>
      %select_n3A_184 = arith.select %eq3A_179, %broadcast_in_dim3A_182, %broadcast_in_dim3A_183 : vector<16xi1>, vector<16xf32>
      %max3A_185 = arith.constant 0 : i32
      %max3A_186 = vector.broadcast %max3A_185 : i32 to vector<16xi32>
      %max3A_187 = arith.maxsi %gather3A_172, %max3A_186 : vector<16xi32>
      %min3A_188 = arith.constant 16383 : i32
      %min3A_189 = vector.broadcast %min3A_188 : i32 to vector<16xi32>
      %min3A_190 = arith.minsi %max3A_187, %min3A_189 : vector<16xi32>
      %gather3A_191 = tpu.vector_load_idx %arg5[%min3A_190] : memref<16384xf32, #tpu.memory_space<vmem>>[vector<16xi32>], vector<16xf32>,
      %swap3A_192 = arith.constant 2 : i32
      %swap3A_193 = arith.index_cast %swap3A_192 : i32 to index
      %swap3A_194 = arith.constant 0 : index
      %swap3A_195 = tpu.vector_load %arg7[%swap3A_193, %swap3A_194] {strides = array<i32>} : memref<17x32xf32, #tpu.memory_space<vmem>>, vector<16xf32>,
      tpu.vector_store %arg7[%swap3A_193, %swap3A_194], %gather3A_191 {strides = array<i32>} : memref<17x32xf32, #tpu.memory_space<vmem>>, vector<16xf32>,
      %swap3A_196 = arith.constant 2 : i32
      %swap3A_197 = arith.index_cast %swap3A_196 : i32 to index
      %swap3A_198 = arith.constant 0 : index
      %swap3A_199 = tpu.vector_load %arg8[%swap3A_197, %swap3A_198] {strides = array<i32>} : memref<17x32xf32, #tpu.memory_space<vmem>>, vector<16xf32>,
      tpu.vector_store %arg8[%swap3A_197, %swap3A_198], %select_n3A_184 {strides = array<i32>} : memref<17x32xf32, #tpu.memory_space<vmem>>, vector<16xf32>,
      %mul3A_200 = arith.mulf %gather3A_191, %select_n3A_184 : vector<16xf32>
      %add3A_201 = arith.addf %add3A_126, %mul3A_200 : vector<16xf32>
      %add3A_202 = arith.addf %add3A_127, %select_n3A_184 : vector<16xf32>
      %mul3A_203 = arith.constant 34 : i32
      %mul3A_204 = vector.broadcast %mul3A_203 : i32 to vector<16xi32>
      %mul3A_205 = arith.muli %min3A_11, %mul3A_204 : vector<16xi32>
      %add3A_206 = arith.constant 4 : i32
      %add3A_207 = vector.broadcast %add3A_206 : i32 to vector<16xi32>
      %add3A_208 = arith.addi %mul3A_205, %add3A_207 : vector<16xi32>
      %gather3A_209 = tpu.vector_load_idx %arg6[%add3A_208] : memref<1024xi32, #tpu.memory_space<vmem>>[vector<16xi32>], vector<16xi32>,
      %add3A_210 = arith.constant 1 : i32
      %add3A_211 = vector.broadcast %add3A_210 : i32 to vector<16xi32>
      %add3A_212 = arith.addi %add3A_208, %add3A_211 : vector<16xi32>
      %gather3A_213 = tpu.vector_load_idx %arg6[%add3A_212] : memref<1024xi32, #tpu.memory_space<vmem>>[vector<16xi32>], vector<16xi32>,
      %eq3A_214 = arith.constant 1 : i32
      %eq3A_215 = vector.broadcast %eq3A_214 : i32 to vector<16xi32>
      %eq3A_216 = arith.cmpi eq, %gather3A_213, %eq3A_215 : vector<16xi32>
      %and3A_217 = arith.andi %eq3A_216, %lt3A_14 : vector<16xi1>
      %jit3A_218 = arith.constant 1.000000e+00 : f32
      %jit3A_219 = arith.constant 0.000000e+00 : f32
      %broadcast_in_dim3A_220 = vector.broadcast %jit3A_218 : f32 to vector<16xf32>
      %broadcast_in_dim3A_221 = vector.broadcast %jit3A_219 : f32 to vector<16xf32>
      %select_n3A_222 = arith.select %and3A_217, %broadcast_in_dim3A_220, %broadcast_in_dim3A_221 : vector<16xi1>, vector<16xf32>
      %max3A_223 = arith.constant 0 : i32
      %max3A_224 = vector.broadcast %max3A_223 : i32 to vector<16xi32>
      %max3A_225 = arith.maxsi %gather3A_209, %max3A_224 : vector<16xi32>
      %min3A_226 = arith.constant 16383 : i32
      %min3A_227 = vector.broadcast %min3A_226 : i32 to vector<16xi32>
      %min3A_228 = arith.minsi %max3A_225, %min3A_227 : vector<16xi32>
      %gather3A_229 = tpu.vector_load_idx %arg5[%min3A_228] : memref<16384xf32, #tpu.memory_space<vmem>>[vector<16xi32>], vector<16xf32>,
      %swap3A_230 = arith.constant 2 : i32
      %swap3A_231 = arith.index_cast %swap3A_230 : i32 to index
      %swap3A_232 = arith.constant 16 : index
      %swap3A_233 = tpu.vector_load %arg7[%swap3A_231, %swap3A_232] {strides = array<i32>} : memref<17x32xf32, #tpu.memory_space<vmem>>, vector<16xf32>,
      tpu.vector_store %arg7[%swap3A_231, %swap3A_232], %gather3A_229 {strides = array<i32>} : memref<17x32xf32, #tpu.memory_space<vmem>>, vector<16xf32>,
      %swap3A_234 = arith.constant 2 : i32
      %swap3A_235 = arith.index_cast %swap3A_234 : i32 to index
      %swap3A_236 = arith.constant 16 : index
      %swap3A_237 = tpu.vector_load %arg8[%swap3A_235, %swap3A_236] {strides = array<i32>} : memref<17x32xf32, #tpu.memory_space<vmem>>, vector<16xf32>,
      tpu.vector_store %arg8[%swap3A_235, %swap3A_236], %select_n3A_222 {strides = array<i32>} : memref<17x32xf32, #tpu.memory_space<vmem>>, vector<16xf32>,
      %mul3A_238 = arith.mulf %gather3A_229, %select_n3A_222 : vector<16xf32>
      %add3A_239 = arith.addf %add3A_164, %mul3A_238 : vector<16xf32>
      %add3A_240 = arith.addf %add3A_165, %select_n3A_222 : vector<16xf32>
      %mul3A_241 = arith.constant 34 : i32
      %mul3A_242 = vector.broadcast %mul3A_241 : i32 to vector<16xi32>
      %mul3A_243 = arith.muli %iota3A, %mul3A_242 : vector<16xi32>
      %add3A_244 = arith.constant 6 : i32
      %add3A_245 = vector.broadcast %add3A_244 : i32 to vector<16xi32>
      %add3A_246 = arith.addi %mul3A_243, %add3A_245 : vector<16xi32>
      %gather3A_247 = tpu.vector_load_idx %arg6[%add3A_246] : memref<1024xi32, #tpu.memory_space<vmem>>[vector<16xi32>], vector<16xi32>,
      %add3A_248 = arith.constant 1 : i32
      %add3A_249 = vector.broadcast %add3A_248 : i32 to vector<16xi32>
      %add3A_250 = arith.addi %add3A_246, %add3A_249 : vector<16xi32>
      %gather3A_251 = tpu.vector_load_idx %arg6[%add3A_250] : memref<1024xi32, #tpu.memory_space<vmem>>[vector<16xi32>], vector<16xi32>,
      %eq3A_252 = arith.constant 1 : i32
      %eq3A_253 = vector.broadcast %eq3A_252 : i32 to vector<16xi32>
      %eq3A_254 = arith.cmpi eq, %gather3A_251, %eq3A_253 : vector<16xi32>
      %jit3A_255 = arith.constant 1.000000e+00 : f32
      %jit3A_256 = arith.constant 0.000000e+00 : f32
      %broadcast_in_dim3A_257 = vector.broadcast %jit3A_255 : f32 to vector<16xf32>
      %broadcast_in_dim3A_258 = vector.broadcast %jit3A_256 : f32 to vector<16xf32>
      %select_n3A_259 = arith.select %eq3A_254, %broadcast_in_dim3A_257, %broadcast_in_dim3A_258 : vector<16xi1>, vector<16xf32>
      %max3A_260 = arith.constant 0 : i32
      %max3A_261 = vector.broadcast %max3A_260 : i32 to vector<16xi32>
      %max3A_262 = arith.maxsi %gather3A_247, %max3A_261 : vector<16xi32>
      %min3A_263 = arith.constant 16383 : i32
      %min3A_264 = vector.broadcast %min3A_263 : i32 to vector<16xi32>
      %min3A_265 = arith.minsi %max3A_262, %min3A_264 : vector<16xi32>
      %gather3A_266 = tpu.vector_load_idx %arg5[%min3A_265] : memref<16384xf32, #tpu.memory_space<vmem>>[vector<16xi32>], vector<16xf32>,
      %swap3A_267 = arith.constant 3 : i32
      %swap3A_268 = arith.index_cast %swap3A_267 : i32 to index
      %swap3A_269 = arith.constant 0 : index
      %swap3A_270 = tpu.vector_load %arg7[%swap3A_268, %swap3A_269] {strides = array<i32>} : memref<17x32xf32, #tpu.memory_space<vmem>>, vector<16xf32>,
      tpu.vector_store %arg7[%swap3A_268, %swap3A_269], %gather3A_266 {strides = array<i32>} : memref<17x32xf32, #tpu.memory_space<vmem>>, vector<16xf32>,
      %swap3A_271 = arith.constant 3 : i32
      %swap3A_272 = arith.index_cast %swap3A_271 : i32 to index
      %swap3A_273 = arith.constant 0 : index
      %swap3A_274 = tpu.vector_load %arg8[%swap3A_272, %swap3A_273] {strides = array<i32>} : memref<17x32xf32, #tpu.memory_space<vmem>>, vector<16xf32>,
      tpu.vector_store %arg8[%swap3A_272, %swap3A_273], %select_n3A_259 {strides = array<i32>} : memref<17x32xf32, #tpu.memory_space<vmem>>, vector<16xf32>,
      %mul3A_275 = arith.mulf %gather3A_266, %select_n3A_259 : vector<16xf32>
      %add3A_276 = arith.addf %add3A_201, %mul3A_275 : vector<16xf32>
      %add3A_277 = arith.addf %add3A_202, %select_n3A_259 : vector<16xf32>
      %mul3A_278 = arith.constant 34 : i32
      %mul3A_279 = vector.broadcast %mul3A_278 : i32 to vector<16xi32>
      %mul3A_280 = arith.muli %min3A_11, %mul3A_279 : vector<16xi32>
      %add3A_281 = arith.constant 6 : i32
      %add3A_282 = vector.broadcast %add3A_281 : i32 to vector<16xi32>
      %add3A_283 = arith.addi %mul3A_280, %add3A_282 : vector<16xi32>
      %gather3A_284 = tpu.vector_load_idx %arg6[%add3A_283] : memref<1024xi32, #tpu.memory_space<vmem>>[vector<16xi32>], vector<16xi32>,
      %add3A_285 = arith.constant 1 : i32
      %add3A_286 = vector.broadcast %add3A_285 : i32 to vector<16xi32>
      %add3A_287 = arith.addi %add3A_283, %add3A_286 : vector<16xi32>
      %gather3A_288 = tpu.vector_load_idx %arg6[%add3A_287] : memref<1024xi32, #tpu.memory_space<vmem>>[vector<16xi32>], vector<16xi32>,
      %eq3A_289 = arith.constant 1 : i32
      %eq3A_290 = vector.broadcast %eq3A_289 : i32 to vector<16xi32>
      %eq3A_291 = arith.cmpi eq, %gather3A_288, %eq3A_290 : vector<16xi32>
      %and3A_292 = arith.andi %eq3A_291, %lt3A_14 : vector<16xi1>
      %jit3A_293 = arith.constant 1.000000e+00 : f32
      %jit3A_294 = arith.constant 0.000000e+00 : f32
      %broadcast_in_dim3A_295 = vector.broadcast %jit3A_293 : f32 to vector<16xf32>
      %broadcast_in_dim3A_296 = vector.broadcast %jit3A_294 : f32 to vector<16xf32>
      %select_n3A_297 = arith.select %and3A_292, %broadcast_in_dim3A_295, %broadcast_in_dim3A_296 : vector<16xi1>, vector<16xf32>
      %max3A_298 = arith.constant 0 : i32
      %max3A_299 = vector.broadcast %max3A_298 : i32 to vector<16xi32>
      %max3A_300 = arith.maxsi %gather3A_284, %max3A_299 : vector<16xi32>
      %min3A_301 = arith.constant 16383 : i32
      %min3A_302 = vector.broadcast %min3A_301 : i32 to vector<16xi32>
      %min3A_303 = arith.minsi %max3A_300, %min3A_302 : vector<16xi32>
      %gather3A_304 = tpu.vector_load_idx %arg5[%min3A_303] : memref<16384xf32, #tpu.memory_space<vmem>>[vector<16xi32>], vector<16xf32>,
      %swap3A_305 = arith.constant 3 : i32
      %swap3A_306 = arith.index_cast %swap3A_305 : i32 to index
      %swap3A_307 = arith.constant 16 : index
      %swap3A_308 = tpu.vector_load %arg7[%swap3A_306, %swap3A_307] {strides = array<i32>} : memref<17x32xf32, #tpu.memory_space<vmem>>, vector<16xf32>,
      tpu.vector_store %arg7[%swap3A_306, %swap3A_307], %gather3A_304 {strides = array<i32>} : memref<17x32xf32, #tpu.memory_space<vmem>>, vector<16xf32>,
      %swap3A_309 = arith.constant 3 : i32
      %swap3A_310 = arith.index_cast %swap3A_309 : i32 to index
      %swap3A_311 = arith.constant 16 : index
      %swap3A_312 = tpu.vector_load %arg8[%swap3A_310, %swap3A_311] {strides = array<i32>} : memref<17x32xf32, #tpu.memory_space<vmem>>, vector<16xf32>,
      tpu.vector_store %arg8[%swap3A_310, %swap3A_311], %select_n3A_297 {strides = array<i32>} : memref<17x32xf32, #tpu.memory_space<vmem>>, vector<16xf32>,
      %mul3A_313 = arith.mulf %gather3A_304, %select_n3A_297 : vector<16xf32>
      %add3A_314 = arith.addf %add3A_239, %mul3A_313 : vector<16xf32>
      %add3A_315 = arith.addf %add3A_240, %select_n3A_297 : vector<16xf32>
      %mul3A_316 = arith.constant 34 : i32
      %mul3A_317 = vector.broadcast %mul3A_316 : i32 to vector<16xi32>
      %mul3A_318 = arith.muli %iota3A, %mul3A_317 : vector<16xi32>
      %add3A_319 = arith.constant 8 : i32
      %add3A_320 = vector.broadcast %add3A_319 : i32 to vector<16xi32>
      %add3A_321 = arith.addi %mul3A_318, %add3A_320 : vector<16xi32>
      %gather3A_322 = tpu.vector_load_idx %arg6[%add3A_321] : memref<1024xi32, #tpu.memory_space<vmem>>[vector<16xi32>], vector<16xi32>,
      %add3A_323 = arith.constant 1 : i32
      %add3A_324 = vector.broadcast %add3A_323 : i32 to vector<16xi32>
      %add3A_325 = arith.addi %add3A_321, %add3A_324 : vector<16xi32>
      %gather3A_326 = tpu.vector_load_idx %arg6[%add3A_325] : memref<1024xi32, #tpu.memory_space<vmem>>[vector<16xi32>], vector<16xi32>,
      %eq3A_327 = arith.constant 1 : i32
      %eq3A_328 = vector.broadcast %eq3A_327 : i32 to vector<16xi32>
      %eq3A_329 = arith.cmpi eq, %gather3A_326, %eq3A_328 : vector<16xi32>
      %jit3A_330 = arith.constant 1.000000e+00 : f32
      %jit3A_331 = arith.constant 0.000000e+00 : f32
      %broadcast_in_dim3A_332 = vector.broadcast %jit3A_330 : f32 to vector<16xf32>
      %broadcast_in_dim3A_333 = vector.broadcast %jit3A_331 : f32 to vector<16xf32>
      %select_n3A_334 = arith.select %eq3A_329, %broadcast_in_dim3A_332, %broadcast_in_dim3A_333 : vector<16xi1>, vector<16xf32>
      %max3A_335 = arith.constant 0 : i32
      %max3A_336 = vector.broadcast %max3A_335 : i32 to vector<16xi32>
      %max3A_337 = arith.maxsi %gather3A_322, %max3A_336 : vector<16xi32>
      %min3A_338 = arith.constant 16383 : i32
      %min3A_339 = vector.broadcast %min3A_338 : i32 to vector<16xi32>
      %min3A_340 = arith.minsi %max3A_337, %min3A_339 : vector<16xi32>
      %gather3A_341 = tpu.vector_load_idx %arg5[%min3A_340] : memref<16384xf32, #tpu.memory_space<vmem>>[vector<16xi32>], vector<16xf32>,
      %swap3A_342 = arith.constant 4 : i32
      %swap3A_343 = arith.index_cast %swap3A_342 : i32 to index
      %swap3A_344 = arith.constant 0 : index
      %swap3A_345 = tpu.vector_load %arg7[%swap3A_343, %swap3A_344] {strides = array<i32>} : memref<17x32xf32, #tpu.memory_space<vmem>>, vector<16xf32>,
      tpu.vector_store %arg7[%swap3A_343, %swap3A_344], %gather3A_341 {strides = array<i32>} : memref<17x32xf32, #tpu.memory_space<vmem>>, vector<16xf32>,
      %swap3A_346 = arith.constant 4 : i32
      %swap3A_347 = arith.index_cast %swap3A_346 : i32 to index
      %swap3A_348 = arith.constant 0 : index
      %swap3A_349 = tpu.vector_load %arg8[%swap3A_347, %swap3A_348] {strides = array<i32>} : memref<17x32xf32, #tpu.memory_space<vmem>>, vector<16xf32>,
      tpu.vector_store %arg8[%swap3A_347, %swap3A_348], %select_n3A_334 {strides = array<i32>} : memref<17x32xf32, #tpu.memory_space<vmem>>, vector<16xf32>,
      %mul3A_350 = arith.mulf %gather3A_341, %select_n3A_334 : vector<16xf32>
      %add3A_351 = arith.addf %add3A_276, %mul3A_350 : vector<16xf32>
      %add3A_352 = arith.addf %add3A_277, %select_n3A_334 : vector<16xf32>
      %mul3A_353 = arith.constant 34 : i32
      %mul3A_354 = vector.broadcast %mul3A_353 : i32 to vector<16xi32>
      %mul3A_355 = arith.muli %min3A_11, %mul3A_354 : vector<16xi32>
      %add3A_356 = arith.constant 8 : i32
      %add3A_357 = vector.broadcast %add3A_356 : i32 to vector<16xi32>
      %add3A_358 = arith.addi %mul3A_355, %add3A_357 : vector<16xi32>
      %gather3A_359 = tpu.vector_load_idx %arg6[%add3A_358] : memref<1024xi32, #tpu.memory_space<vmem>>[vector<16xi32>], vector<16xi32>,
      %add3A_360 = arith.constant 1 : i32
      %add3A_361 = vector.broadcast %add3A_360 : i32 to vector<16xi32>
      %add3A_362 = arith.addi %add3A_358, %add3A_361 : vector<16xi32>
      %gather3A_363 = tpu.vector_load_idx %arg6[%add3A_362] : memref<1024xi32, #tpu.memory_space<vmem>>[vector<16xi32>], vector<16xi32>,
      %eq3A_364 = arith.constant 1 : i32
      %eq3A_365 = vector.broadcast %eq3A_364 : i32 to vector<16xi32>
      %eq3A_366 = arith.cmpi eq, %gather3A_363, %eq3A_365 : vector<16xi32>
      %and3A_367 = arith.andi %eq3A_366, %lt3A_14 : vector<16xi1>
      %jit3A_368 = arith.constant 1.000000e+00 : f32
      %jit3A_369 = arith.constant 0.000000e+00 : f32
      %broadcast_in_dim3A_370 = vector.broadcast %jit3A_368 : f32 to vector<16xf32>
      %broadcast_in_dim3A_371 = vector.broadcast %jit3A_369 : f32 to vector<16xf32>
      %select_n3A_372 = arith.select %and3A_367, %broadcast_in_dim3A_370, %broadcast_in_dim3A_371 : vector<16xi1>, vector<16xf32>
      %max3A_373 = arith.constant 0 : i32
      %max3A_374 = vector.broadcast %max3A_373 : i32 to vector<16xi32>
      %max3A_375 = arith.maxsi %gather3A_359, %max3A_374 : vector<16xi32>
      %min3A_376 = arith.constant 16383 : i32
      %min3A_377 = vector.broadcast %min3A_376 : i32 to vector<16xi32>
      %min3A_378 = arith.minsi %max3A_375, %min3A_377 : vector<16xi32>
      %gather3A_379 = tpu.vector_load_idx %arg5[%min3A_378] : memref<16384xf32, #tpu.memory_space<vmem>>[vector<16xi32>], vector<16xf32>,
      %swap3A_380 = arith.constant 4 : i32
      %swap3A_381 = arith.index_cast %swap3A_380 : i32 to index
      %swap3A_382 = arith.constant 16 : index
      %swap3A_383 = tpu.vector_load %arg7[%swap3A_381, %swap3A_382] {strides = array<i32>} : memref<17x32xf32, #tpu.memory_space<vmem>>, vector<16xf32>,
      tpu.vector_store %arg7[%swap3A_381, %swap3A_382], %gather3A_379 {strides = array<i32>} : memref<17x32xf32, #tpu.memory_space<vmem>>, vector<16xf32>,
      %swap3A_384 = arith.constant 4 : i32
      %swap3A_385 = arith.index_cast %swap3A_384 : i32 to index
      %swap3A_386 = arith.constant 16 : index
      %swap3A_387 = tpu.vector_load %arg8[%swap3A_385, %swap3A_386] {strides = array<i32>} : memref<17x32xf32, #tpu.memory_space<vmem>>, vector<16xf32>,
      tpu.vector_store %arg8[%swap3A_385, %swap3A_386], %select_n3A_372 {strides = array<i32>} : memref<17x32xf32, #tpu.memory_space<vmem>>, vector<16xf32>,
      %mul3A_388 = arith.mulf %gather3A_379, %select_n3A_372 : vector<16xf32>
      %add3A_389 = arith.addf %add3A_314, %mul3A_388 : vector<16xf32>
      %add3A_390 = arith.addf %add3A_315, %select_n3A_372 : vector<16xf32>
      %mul3A_391 = arith.constant 34 : i32
      %mul3A_392 = vector.broadcast %mul3A_391 : i32 to vector<16xi32>
      %mul3A_393 = arith.muli %iota3A, %mul3A_392 : vector<16xi32>
      %add3A_394 = arith.constant 10 : i32
      %add3A_395 = vector.broadcast %add3A_394 : i32 to vector<16xi32>
      %add3A_396 = arith.addi %mul3A_393, %add3A_395 : vector<16xi32>
      %gather3A_397 = tpu.vector_load_idx %arg6[%add3A_396] : memref<1024xi32, #tpu.memory_space<vmem>>[vector<16xi32>], vector<16xi32>,
      %add3A_398 = arith.constant 1 : i32
      %add3A_399 = vector.broadcast %add3A_398 : i32 to vector<16xi32>
      %add3A_400 = arith.addi %add3A_396, %add3A_399 : vector<16xi32>
      %gather3A_401 = tpu.vector_load_idx %arg6[%add3A_400] : memref<1024xi32, #tpu.memory_space<vmem>>[vector<16xi32>], vector<16xi32>,
      %eq3A_402 = arith.constant 1 : i32
      %eq3A_403 = vector.broadcast %eq3A_402 : i32 to vector<16xi32>
      %eq3A_404 = arith.cmpi eq, %gather3A_401, %eq3A_403 : vector<16xi32>
      %jit3A_405 = arith.constant 1.000000e+00 : f32
      %jit3A_406 = arith.constant 0.000000e+00 : f32
      %broadcast_in_dim3A_407 = vector.broadcast %jit3A_405 : f32 to vector<16xf32>
      %broadcast_in_dim3A_408 = vector.broadcast %jit3A_406 : f32 to vector<16xf32>
      %select_n3A_409 = arith.select %eq3A_404, %broadcast_in_dim3A_407, %broadcast_in_dim3A_408 : vector<16xi1>, vector<16xf32>
      %max3A_410 = arith.constant 0 : i32
      %max3A_411 = vector.broadcast %max3A_410 : i32 to vector<16xi32>
      %max3A_412 = arith.maxsi %gather3A_397, %max3A_411 : vector<16xi32>
      %min3A_413 = arith.constant 16383 : i32
      %min3A_414 = vector.broadcast %min3A_413 : i32 to vector<16xi32>
      %min3A_415 = arith.minsi %max3A_412, %min3A_414 : vector<16xi32>
      %gather3A_416 = tpu.vector_load_idx %arg5[%min3A_415] : memref<16384xf32, #tpu.memory_space<vmem>>[vector<16xi32>], vector<16xf32>,
      %swap3A_417 = arith.constant 5 : i32
      %swap3A_418 = arith.index_cast %swap3A_417 : i32 to index
      %swap3A_419 = arith.constant 0 : index
      %swap3A_420 = tpu.vector_load %arg7[%swap3A_418, %swap3A_419] {strides = array<i32>} : memref<17x32xf32, #tpu.memory_space<vmem>>, vector<16xf32>,
      tpu.vector_store %arg7[%swap3A_418, %swap3A_419], %gather3A_416 {strides = array<i32>} : memref<17x32xf32, #tpu.memory_space<vmem>>, vector<16xf32>,
      %swap3A_421 = arith.constant 5 : i32
      %swap3A_422 = arith.index_cast %swap3A_421 : i32 to index
      %swap3A_423 = arith.constant 0 : index
      %swap3A_424 = tpu.vector_load %arg8[%swap3A_422, %swap3A_423] {strides = array<i32>} : memref<17x32xf32, #tpu.memory_space<vmem>>, vector<16xf32>,
      tpu.vector_store %arg8[%swap3A_422, %swap3A_423], %select_n3A_409 {strides = array<i32>} : memref<17x32xf32, #tpu.memory_space<vmem>>, vector<16xf32>,
      %mul3A_425 = arith.mulf %gather3A_416, %select_n3A_409 : vector<16xf32>
      %add3A_426 = arith.addf %add3A_351, %mul3A_425 : vector<16xf32>
      %add3A_427 = arith.addf %add3A_352, %select_n3A_409 : vector<16xf32>
      %mul3A_428 = arith.constant 34 : i32
      %mul3A_429 = vector.broadcast %mul3A_428 : i32 to vector<16xi32>
      %mul3A_430 = arith.muli %min3A_11, %mul3A_429 : vector<16xi32>
      %add3A_431 = arith.constant 10 : i32
      %add3A_432 = vector.broadcast %add3A_431 : i32 to vector<16xi32>
      %add3A_433 = arith.addi %mul3A_430, %add3A_432 : vector<16xi32>
      %gather3A_434 = tpu.vector_load_idx %arg6[%add3A_433] : memref<1024xi32, #tpu.memory_space<vmem>>[vector<16xi32>], vector<16xi32>,
      %add3A_435 = arith.constant 1 : i32
      %add3A_436 = vector.broadcast %add3A_435 : i32 to vector<16xi32>
      %add3A_437 = arith.addi %add3A_433, %add3A_436 : vector<16xi32>
      %gather3A_438 = tpu.vector_load_idx %arg6[%add3A_437] : memref<1024xi32, #tpu.memory_space<vmem>>[vector<16xi32>], vector<16xi32>,
      %eq3A_439 = arith.constant 1 : i32
      %eq3A_440 = vector.broadcast %eq3A_439 : i32 to vector<16xi32>
      %eq3A_441 = arith.cmpi eq, %gather3A_438, %eq3A_440 : vector<16xi32>
      %and3A_442 = arith.andi %eq3A_441, %lt3A_14 : vector<16xi1>
      %jit3A_443 = arith.constant 1.000000e+00 : f32
      %jit3A_444 = arith.constant 0.000000e+00 : f32
      %broadcast_in_dim3A_445 = vector.broadcast %jit3A_443 : f32 to vector<16xf32>
      %broadcast_in_dim3A_446 = vector.broadcast %jit3A_444 : f32 to vector<16xf32>
      %select_n3A_447 = arith.select %and3A_442, %broadcast_in_dim3A_445, %broadcast_in_dim3A_446 : vector<16xi1>, vector<16xf32>
      %max3A_448 = arith.constant 0 : i32
      %max3A_449 = vector.broadcast %max3A_448 : i32 to vector<16xi32>
      %max3A_450 = arith.maxsi %gather3A_434, %max3A_449 : vector<16xi32>
      %min3A_451 = arith.constant 16383 : i32
      %min3A_452 = vector.broadcast %min3A_451 : i32 to vector<16xi32>
      %min3A_453 = arith.minsi %max3A_450, %min3A_452 : vector<16xi32>
      %gather3A_454 = tpu.vector_load_idx %arg5[%min3A_453] : memref<16384xf32, #tpu.memory_space<vmem>>[vector<16xi32>], vector<16xf32>,
      %swap3A_455 = arith.constant 5 : i32
      %swap3A_456 = arith.index_cast %swap3A_455 : i32 to index
      %swap3A_457 = arith.constant 16 : index
      %swap3A_458 = tpu.vector_load %arg7[%swap3A_456, %swap3A_457] {strides = array<i32>} : memref<17x32xf32, #tpu.memory_space<vmem>>, vector<16xf32>,
      tpu.vector_store %arg7[%swap3A_456, %swap3A_457], %gather3A_454 {strides = array<i32>} : memref<17x32xf32, #tpu.memory_space<vmem>>, vector<16xf32>,
      %swap3A_459 = arith.constant 5 : i32
      %swap3A_460 = arith.index_cast %swap3A_459 : i32 to index
      %swap3A_461 = arith.constant 16 : index
      %swap3A_462 = tpu.vector_load %arg8[%swap3A_460, %swap3A_461] {strides = array<i32>} : memref<17x32xf32, #tpu.memory_space<vmem>>, vector<16xf32>,
      tpu.vector_store %arg8[%swap3A_460, %swap3A_461], %select_n3A_447 {strides = array<i32>} : memref<17x32xf32, #tpu.memory_space<vmem>>, vector<16xf32>,
      %mul3A_463 = arith.mulf %gather3A_454, %select_n3A_447 : vector<16xf32>
      %add3A_464 = arith.addf %add3A_389, %mul3A_463 : vector<16xf32>
      %add3A_465 = arith.addf %add3A_390, %select_n3A_447 : vector<16xf32>
      %mul3A_466 = arith.constant 34 : i32
      %mul3A_467 = vector.broadcast %mul3A_466 : i32 to vector<16xi32>
      %mul3A_468 = arith.muli %iota3A, %mul3A_467 : vector<16xi32>
      %add3A_469 = arith.constant 12 : i32
      %add3A_470 = vector.broadcast %add3A_469 : i32 to vector<16xi32>
      %add3A_471 = arith.addi %mul3A_468, %add3A_470 : vector<16xi32>
      %gather3A_472 = tpu.vector_load_idx %arg6[%add3A_471] : memref<1024xi32, #tpu.memory_space<vmem>>[vector<16xi32>], vector<16xi32>,
      %add3A_473 = arith.constant 1 : i32
      %add3A_474 = vector.broadcast %add3A_473 : i32 to vector<16xi32>
      %add3A_475 = arith.addi %add3A_471, %add3A_474 : vector<16xi32>
      %gather3A_476 = tpu.vector_load_idx %arg6[%add3A_475] : memref<1024xi32, #tpu.memory_space<vmem>>[vector<16xi32>], vector<16xi32>,
      %eq3A_477 = arith.constant 1 : i32
      %eq3A_478 = vector.broadcast %eq3A_477 : i32 to vector<16xi32>
      %eq3A_479 = arith.cmpi eq, %gather3A_476, %eq3A_478 : vector<16xi32>
      %jit3A_480 = arith.constant 1.000000e+00 : f32
      %jit3A_481 = arith.constant 0.000000e+00 : f32
      %broadcast_in_dim3A_482 = vector.broadcast %jit3A_480 : f32 to vector<16xf32>
      %broadcast_in_dim3A_483 = vector.broadcast %jit3A_481 : f32 to vector<16xf32>
      %select_n3A_484 = arith.select %eq3A_479, %broadcast_in_dim3A_482, %broadcast_in_dim3A_483 : vector<16xi1>, vector<16xf32>
      %max3A_485 = arith.constant 0 : i32
      %max3A_486 = vector.broadcast %max3A_485 : i32 to vector<16xi32>
      %max3A_487 = arith.maxsi %gather3A_472, %max3A_486 : vector<16xi32>
      %min3A_488 = arith.constant 16383 : i32
      %min3A_489 = vector.broadcast %min3A_488 : i32 to vector<16xi32>
      %min3A_490 = arith.minsi %max3A_487, %min3A_489 : vector<16xi32>
      %gather3A_491 = tpu.vector_load_idx %arg5[%min3A_490] : memref<16384xf32, #tpu.memory_space<vmem>>[vector<16xi32>], vector<16xf32>,
      %swap3A_492 = arith.constant 6 : i32
      %swap3A_493 = arith.index_cast %swap3A_492 : i32 to index
      %swap3A_494 = arith.constant 0 : index
      %swap3A_495 = tpu.vector_load %arg7[%swap3A_493, %swap3A_494] {strides = array<i32>} : memref<17x32xf32, #tpu.memory_space<vmem>>, vector<16xf32>,
      tpu.vector_store %arg7[%swap3A_493, %swap3A_494], %gather3A_491 {strides = array<i32>} : memref<17x32xf32, #tpu.memory_space<vmem>>, vector<16xf32>,
      %swap3A_496 = arith.constant 6 : i32
      %swap3A_497 = arith.index_cast %swap3A_496 : i32 to index
      %swap3A_498 = arith.constant 0 : index
      %swap3A_499 = tpu.vector_load %arg8[%swap3A_497, %swap3A_498] {strides = array<i32>} : memref<17x32xf32, #tpu.memory_space<vmem>>, vector<16xf32>,
      tpu.vector_store %arg8[%swap3A_497, %swap3A_498], %select_n3A_484 {strides = array<i32>} : memref<17x32xf32, #tpu.memory_space<vmem>>, vector<16xf32>,
      %mul3A_500 = arith.mulf %gather3A_491, %select_n3A_484 : vector<16xf32>
      %add3A_501 = arith.addf %add3A_426, %mul3A_500 : vector<16xf32>
      %add3A_502 = arith.addf %add3A_427, %select_n3A_484 : vector<16xf32>
      %mul3A_503 = arith.constant 34 : i32
      %mul3A_504 = vector.broadcast %mul3A_503 : i32 to vector<16xi32>
      %mul3A_505 = arith.muli %min3A_11, %mul3A_504 : vector<16xi32>
      %add3A_506 = arith.constant 12 : i32
      %add3A_507 = vector.broadcast %add3A_506 : i32 to vector<16xi32>
      %add3A_508 = arith.addi %mul3A_505, %add3A_507 : vector<16xi32>
      %gather3A_509 = tpu.vector_load_idx %arg6[%add3A_508] : memref<1024xi32, #tpu.memory_space<vmem>>[vector<16xi32>], vector<16xi32>,
      %add3A_510 = arith.constant 1 : i32
      %add3A_511 = vector.broadcast %add3A_510 : i32 to vector<16xi32>
      %add3A_512 = arith.addi %add3A_508, %add3A_511 : vector<16xi32>
      %gather3A_513 = tpu.vector_load_idx %arg6[%add3A_512] : memref<1024xi32, #tpu.memory_space<vmem>>[vector<16xi32>], vector<16xi32>,
      %eq3A_514 = arith.constant 1 : i32
      %eq3A_515 = vector.broadcast %eq3A_514 : i32 to vector<16xi32>
      %eq3A_516 = arith.cmpi eq, %gather3A_513, %eq3A_515 : vector<16xi32>
      %and3A_517 = arith.andi %eq3A_516, %lt3A_14 : vector<16xi1>
      %jit3A_518 = arith.constant 1.000000e+00 : f32
      %jit3A_519 = arith.constant 0.000000e+00 : f32
      %broadcast_in_dim3A_520 = vector.broadcast %jit3A_518 : f32 to vector<16xf32>
      %broadcast_in_dim3A_521 = vector.broadcast %jit3A_519 : f32 to vector<16xf32>
      %select_n3A_522 = arith.select %and3A_517, %broadcast_in_dim3A_520, %broadcast_in_dim3A_521 : vector<16xi1>, vector<16xf32>
      %max3A_523 = arith.constant 0 : i32
      %max3A_524 = vector.broadcast %max3A_523 : i32 to vector<16xi32>
      %max3A_525 = arith.maxsi %gather3A_509, %max3A_524 : vector<16xi32>
      %min3A_526 = arith.constant 16383 : i32
      %min3A_527 = vector.broadcast %min3A_526 : i32 to vector<16xi32>
      %min3A_528 = arith.minsi %max3A_525, %min3A_527 : vector<16xi32>
      %gather3A_529 = tpu.vector_load_idx %arg5[%min3A_528] : memref<16384xf32, #tpu.memory_space<vmem>>[vector<16xi32>], vector<16xf32>,
      %swap3A_530 = arith.constant 6 : i32
      %swap3A_531 = arith.index_cast %swap3A_530 : i32 to index
      %swap3A_532 = arith.constant 16 : index
      %swap3A_533 = tpu.vector_load %arg7[%swap3A_531, %swap3A_532] {strides = array<i32>} : memref<17x32xf32, #tpu.memory_space<vmem>>, vector<16xf32>,
      tpu.vector_store %arg7[%swap3A_531, %swap3A_532], %gather3A_529 {strides = array<i32>} : memref<17x32xf32, #tpu.memory_space<vmem>>, vector<16xf32>,
      %swap3A_534 = arith.constant 6 : i32
      %swap3A_535 = arith.index_cast %swap3A_534 : i32 to index
      %swap3A_536 = arith.constant 16 : index
      %swap3A_537 = tpu.vector_load %arg8[%swap3A_535, %swap3A_536] {strides = array<i32>} : memref<17x32xf32, #tpu.memory_space<vmem>>, vector<16xf32>,
      tpu.vector_store %arg8[%swap3A_535, %swap3A_536], %select_n3A_522 {strides = array<i32>} : memref<17x32xf32, #tpu.memory_space<vmem>>, vector<16xf32>,
      %mul3A_538 = arith.mulf %gather3A_529, %select_n3A_522 : vector<16xf32>
      %add3A_539 = arith.addf %add3A_464, %mul3A_538 : vector<16xf32>
      %add3A_540 = arith.addf %add3A_465, %select_n3A_522 : vector<16xf32>
      %mul3A_541 = arith.constant 34 : i32
      %mul3A_542 = vector.broadcast %mul3A_541 : i32 to vector<16xi32>
      %mul3A_543 = arith.muli %iota3A, %mul3A_542 : vector<16xi32>
      %add3A_544 = arith.constant 14 : i32
      %add3A_545 = vector.broadcast %add3A_544 : i32 to vector<16xi32>
      %add3A_546 = arith.addi %mul3A_543, %add3A_545 : vector<16xi32>
      %gather3A_547 = tpu.vector_load_idx %arg6[%add3A_546] : memref<1024xi32, #tpu.memory_space<vmem>>[vector<16xi32>], vector<16xi32>,
      %add3A_548 = arith.constant 1 : i32
      %add3A_549 = vector.broadcast %add3A_548 : i32 to vector<16xi32>
      %add3A_550 = arith.addi %add3A_546, %add3A_549 : vector<16xi32>
      %gather3A_551 = tpu.vector_load_idx %arg6[%add3A_550] : memref<1024xi32, #tpu.memory_space<vmem>>[vector<16xi32>], vector<16xi32>,
      %eq3A_552 = arith.constant 1 : i32
      %eq3A_553 = vector.broadcast %eq3A_552 : i32 to vector<16xi32>
      %eq3A_554 = arith.cmpi eq, %gather3A_551, %eq3A_553 : vector<16xi32>
      %jit3A_555 = arith.constant 1.000000e+00 : f32
      %jit3A_556 = arith.constant 0.000000e+00 : f32
      %broadcast_in_dim3A_557 = vector.broadcast %jit3A_555 : f32 to vector<16xf32>
      %broadcast_in_dim3A_558 = vector.broadcast %jit3A_556 : f32 to vector<16xf32>
      %select_n3A_559 = arith.select %eq3A_554, %broadcast_in_dim3A_557, %broadcast_in_dim3A_558 : vector<16xi1>, vector<16xf32>
      %max3A_560 = arith.constant 0 : i32
      %max3A_561 = vector.broadcast %max3A_560 : i32 to vector<16xi32>
      %max3A_562 = arith.maxsi %gather3A_547, %max3A_561 : vector<16xi32>
      %min3A_563 = arith.constant 16383 : i32
      %min3A_564 = vector.broadcast %min3A_563 : i32 to vector<16xi32>
      %min3A_565 = arith.minsi %max3A_562, %min3A_564 : vector<16xi32>
      %gather3A_566 = tpu.vector_load_idx %arg5[%min3A_565] : memref<16384xf32, #tpu.memory_space<vmem>>[vector<16xi32>], vector<16xf32>,
      %swap3A_567 = arith.constant 7 : i32
      %swap3A_568 = arith.index_cast %swap3A_567 : i32 to index
      %swap3A_569 = arith.constant 0 : index
      %swap3A_570 = tpu.vector_load %arg7[%swap3A_568, %swap3A_569] {strides = array<i32>} : memref<17x32xf32, #tpu.memory_space<vmem>>, vector<16xf32>,
      tpu.vector_store %arg7[%swap3A_568, %swap3A_569], %gather3A_566 {strides = array<i32>} : memref<17x32xf32, #tpu.memory_space<vmem>>, vector<16xf32>,
      %swap3A_571 = arith.constant 7 : i32
      %swap3A_572 = arith.index_cast %swap3A_571 : i32 to index
      %swap3A_573 = arith.constant 0 : index
      %swap3A_574 = tpu.vector_load %arg8[%swap3A_572, %swap3A_573] {strides = array<i32>} : memref<17x32xf32, #tpu.memory_space<vmem>>, vector<16xf32>,
      tpu.vector_store %arg8[%swap3A_572, %swap3A_573], %select_n3A_559 {strides = array<i32>} : memref<17x32xf32, #tpu.memory_space<vmem>>, vector<16xf32>,
      %mul3A_575 = arith.mulf %gather3A_566, %select_n3A_559 : vector<16xf32>
      %add3A_576 = arith.addf %add3A_501, %mul3A_575 : vector<16xf32>
      %add3A_577 = arith.addf %add3A_502, %select_n3A_559 : vector<16xf32>
      %mul3A_578 = arith.constant 34 : i32
      %mul3A_579 = vector.broadcast %mul3A_578 : i32 to vector<16xi32>
      %mul3A_580 = arith.muli %min3A_11, %mul3A_579 : vector<16xi32>
      %add3A_581 = arith.constant 14 : i32
      %add3A_582 = vector.broadcast %add3A_581 : i32 to vector<16xi32>
      %add3A_583 = arith.addi %mul3A_580, %add3A_582 : vector<16xi32>
      %gather3A_584 = tpu.vector_load_idx %arg6[%add3A_583] : memref<1024xi32, #tpu.memory_space<vmem>>[vector<16xi32>], vector<16xi32>,
      %add3A_585 = arith.constant 1 : i32
      %add3A_586 = vector.broadcast %add3A_585 : i32 to vector<16xi32>
      %add3A_587 = arith.addi %add3A_583, %add3A_586 : vector<16xi32>
      %gather3A_588 = tpu.vector_load_idx %arg6[%add3A_587] : memref<1024xi32, #tpu.memory_space<vmem>>[vector<16xi32>], vector<16xi32>,
      %eq3A_589 = arith.constant 1 : i32
      %eq3A_590 = vector.broadcast %eq3A_589 : i32 to vector<16xi32>
      %eq3A_591 = arith.cmpi eq, %gather3A_588, %eq3A_590 : vector<16xi32>
      %and3A_592 = arith.andi %eq3A_591, %lt3A_14 : vector<16xi1>
      %jit3A_593 = arith.constant 1.000000e+00 : f32
      %jit3A_594 = arith.constant 0.000000e+00 : f32
      %broadcast_in_dim3A_595 = vector.broadcast %jit3A_593 : f32 to vector<16xf32>
      %broadcast_in_dim3A_596 = vector.broadcast %jit3A_594 : f32 to vector<16xf32>
      %select_n3A_597 = arith.select %and3A_592, %broadcast_in_dim3A_595, %broadcast_in_dim3A_596 : vector<16xi1>, vector<16xf32>
      %max3A_598 = arith.constant 0 : i32
      %max3A_599 = vector.broadcast %max3A_598 : i32 to vector<16xi32>
      %max3A_600 = arith.maxsi %gather3A_584, %max3A_599 : vector<16xi32>
      %min3A_601 = arith.constant 16383 : i32
      %min3A_602 = vector.broadcast %min3A_601 : i32 to vector<16xi32>
      %min3A_603 = arith.minsi %max3A_600, %min3A_602 : vector<16xi32>
      %gather3A_604 = tpu.vector_load_idx %arg5[%min3A_603] : memref<16384xf32, #tpu.memory_space<vmem>>[vector<16xi32>], vector<16xf32>,
      %swap3A_605 = arith.constant 7 : i32
      %swap3A_606 = arith.index_cast %swap3A_605 : i32 to index
      %swap3A_607 = arith.constant 16 : index
      %swap3A_608 = tpu.vector_load %arg7[%swap3A_606, %swap3A_607] {strides = array<i32>} : memref<17x32xf32, #tpu.memory_space<vmem>>, vector<16xf32>,
      tpu.vector_store %arg7[%swap3A_606, %swap3A_607], %gather3A_604 {strides = array<i32>} : memref<17x32xf32, #tpu.memory_space<vmem>>, vector<16xf32>,
      %swap3A_609 = arith.constant 7 : i32
      %swap3A_610 = arith.index_cast %swap3A_609 : i32 to index
      %swap3A_611 = arith.constant 16 : index
      %swap3A_612 = tpu.vector_load %arg8[%swap3A_610, %swap3A_611] {strides = array<i32>} : memref<17x32xf32, #tpu.memory_space<vmem>>, vector<16xf32>,
      tpu.vector_store %arg8[%swap3A_610, %swap3A_611], %select_n3A_597 {strides = array<i32>} : memref<17x32xf32, #tpu.memory_space<vmem>>, vector<16xf32>,
      %mul3A_613 = arith.mulf %gather3A_604, %select_n3A_597 : vector<16xf32>
      %add3A_614 = arith.addf %add3A_539, %mul3A_613 : vector<16xf32>
      %add3A_615 = arith.addf %add3A_540, %select_n3A_597 : vector<16xf32>
      %mul3A_616 = arith.constant 34 : i32
      %mul3A_617 = vector.broadcast %mul3A_616 : i32 to vector<16xi32>
      %mul3A_618 = arith.muli %iota3A, %mul3A_617 : vector<16xi32>
      %add3A_619 = arith.constant 16 : i32
      %add3A_620 = vector.broadcast %add3A_619 : i32 to vector<16xi32>
      %add3A_621 = arith.addi %mul3A_618, %add3A_620 : vector<16xi32>
      %gather3A_622 = tpu.vector_load_idx %arg6[%add3A_621] : memref<1024xi32, #tpu.memory_space<vmem>>[vector<16xi32>], vector<16xi32>,
      %add3A_623 = arith.constant 1 : i32
      %add3A_624 = vector.broadcast %add3A_623 : i32 to vector<16xi32>
      %add3A_625 = arith.addi %add3A_621, %add3A_624 : vector<16xi32>
      %gather3A_626 = tpu.vector_load_idx %arg6[%add3A_625] : memref<1024xi32, #tpu.memory_space<vmem>>[vector<16xi32>], vector<16xi32>,
      %eq3A_627 = arith.constant 1 : i32
      %eq3A_628 = vector.broadcast %eq3A_627 : i32 to vector<16xi32>
      %eq3A_629 = arith.cmpi eq, %gather3A_626, %eq3A_628 : vector<16xi32>
      %jit3A_630 = arith.constant 1.000000e+00 : f32
      %jit3A_631 = arith.constant 0.000000e+00 : f32
      %broadcast_in_dim3A_632 = vector.broadcast %jit3A_630 : f32 to vector<16xf32>
      %broadcast_in_dim3A_633 = vector.broadcast %jit3A_631 : f32 to vector<16xf32>
      %select_n3A_634 = arith.select %eq3A_629, %broadcast_in_dim3A_632, %broadcast_in_dim3A_633 : vector<16xi1>, vector<16xf32>
      %max3A_635 = arith.constant 0 : i32
      %max3A_636 = vector.broadcast %max3A_635 : i32 to vector<16xi32>
      %max3A_637 = arith.maxsi %gather3A_622, %max3A_636 : vector<16xi32>
      %min3A_638 = arith.constant 16383 : i32
      %min3A_639 = vector.broadcast %min3A_638 : i32 to vector<16xi32>
      %min3A_640 = arith.minsi %max3A_637, %min3A_639 : vector<16xi32>
      %gather3A_641 = tpu.vector_load_idx %arg5[%min3A_640] : memref<16384xf32, #tpu.memory_space<vmem>>[vector<16xi32>], vector<16xf32>,
      %swap3A_642 = arith.constant 8 : i32
      %swap3A_643 = arith.index_cast %swap3A_642 : i32 to index
      %swap3A_644 = arith.constant 0 : index
      %swap3A_645 = tpu.vector_load %arg7[%swap3A_643, %swap3A_644] {strides = array<i32>} : memref<17x32xf32, #tpu.memory_space<vmem>>, vector<16xf32>,
      tpu.vector_store %arg7[%swap3A_643, %swap3A_644], %gather3A_641 {strides = array<i32>} : memref<17x32xf32, #tpu.memory_space<vmem>>, vector<16xf32>,
      %swap3A_646 = arith.constant 8 : i32
      %swap3A_647 = arith.index_cast %swap3A_646 : i32 to index
      %swap3A_648 = arith.constant 0 : index
      %swap3A_649 = tpu.vector_load %arg8[%swap3A_647, %swap3A_648] {strides = array<i32>} : memref<17x32xf32, #tpu.memory_space<vmem>>, vector<16xf32>,
      tpu.vector_store %arg8[%swap3A_647, %swap3A_648], %select_n3A_634 {strides = array<i32>} : memref<17x32xf32, #tpu.memory_space<vmem>>, vector<16xf32>,
      %mul3A_650 = arith.mulf %gather3A_641, %select_n3A_634 : vector<16xf32>
      %add3A_651 = arith.addf %add3A_576, %mul3A_650 : vector<16xf32>
      %add3A_652 = arith.addf %add3A_577, %select_n3A_634 : vector<16xf32>
      %mul3A_653 = arith.constant 34 : i32
      %mul3A_654 = vector.broadcast %mul3A_653 : i32 to vector<16xi32>
      %mul3A_655 = arith.muli %min3A_11, %mul3A_654 : vector<16xi32>
      %add3A_656 = arith.constant 16 : i32
      %add3A_657 = vector.broadcast %add3A_656 : i32 to vector<16xi32>
      %add3A_658 = arith.addi %mul3A_655, %add3A_657 : vector<16xi32>
      %gather3A_659 = tpu.vector_load_idx %arg6[%add3A_658] : memref<1024xi32, #tpu.memory_space<vmem>>[vector<16xi32>], vector<16xi32>,
      %add3A_660 = arith.constant 1 : i32
      %add3A_661 = vector.broadcast %add3A_660 : i32 to vector<16xi32>
      %add3A_662 = arith.addi %add3A_658, %add3A_661 : vector<16xi32>
      %gather3A_663 = tpu.vector_load_idx %arg6[%add3A_662] : memref<1024xi32, #tpu.memory_space<vmem>>[vector<16xi32>], vector<16xi32>,
      %eq3A_664 = arith.constant 1 : i32
      %eq3A_665 = vector.broadcast %eq3A_664 : i32 to vector<16xi32>
      %eq3A_666 = arith.cmpi eq, %gather3A_663, %eq3A_665 : vector<16xi32>
      %and3A_667 = arith.andi %eq3A_666, %lt3A_14 : vector<16xi1>
      %jit3A_668 = arith.constant 1.000000e+00 : f32
      %jit3A_669 = arith.constant 0.000000e+00 : f32
      %broadcast_in_dim3A_670 = vector.broadcast %jit3A_668 : f32 to vector<16xf32>
      %broadcast_in_dim3A_671 = vector.broadcast %jit3A_669 : f32 to vector<16xf32>
      %select_n3A_672 = arith.select %and3A_667, %broadcast_in_dim3A_670, %broadcast_in_dim3A_671 : vector<16xi1>, vector<16xf32>
      %max3A_673 = arith.constant 0 : i32
      %max3A_674 = vector.broadcast %max3A_673 : i32 to vector<16xi32>
      %max3A_675 = arith.maxsi %gather3A_659, %max3A_674 : vector<16xi32>
      %min3A_676 = arith.constant 16383 : i32
      %min3A_677 = vector.broadcast %min3A_676 : i32 to vector<16xi32>
      %min3A_678 = arith.minsi %max3A_675, %min3A_677 : vector<16xi32>
      %gather3A_679 = tpu.vector_load_idx %arg5[%min3A_678] : memref<16384xf32, #tpu.memory_space<vmem>>[vector<16xi32>], vector<16xf32>,
      %swap3A_680 = arith.constant 8 : i32
      %swap3A_681 = arith.index_cast %swap3A_680 : i32 to index
      %swap3A_682 = arith.constant 16 : index
      %swap3A_683 = tpu.vector_load %arg7[%swap3A_681, %swap3A_682] {strides = array<i32>} : memref<17x32xf32, #tpu.memory_space<vmem>>, vector<16xf32>,
      tpu.vector_store %arg7[%swap3A_681, %swap3A_682], %gather3A_679 {strides = array<i32>} : memref<17x32xf32, #tpu.memory_space<vmem>>, vector<16xf32>,
      %swap3A_684 = arith.constant 8 : i32
      %swap3A_685 = arith.index_cast %swap3A_684 : i32 to index
      %swap3A_686 = arith.constant 16 : index
      %swap3A_687 = tpu.vector_load %arg8[%swap3A_685, %swap3A_686] {strides = array<i32>} : memref<17x32xf32, #tpu.memory_space<vmem>>, vector<16xf32>,
      tpu.vector_store %arg8[%swap3A_685, %swap3A_686], %select_n3A_672 {strides = array<i32>} : memref<17x32xf32, #tpu.memory_space<vmem>>, vector<16xf32>,
      %mul3A_688 = arith.mulf %gather3A_679, %select_n3A_672 : vector<16xf32>
      %add3A_689 = arith.addf %add3A_614, %mul3A_688 : vector<16xf32>
      %add3A_690 = arith.addf %add3A_615, %select_n3A_672 : vector<16xf32>
      %mul3A_691 = arith.constant 34 : i32
      %mul3A_692 = vector.broadcast %mul3A_691 : i32 to vector<16xi32>
      %mul3A_693 = arith.muli %iota3A, %mul3A_692 : vector<16xi32>
      %add3A_694 = arith.constant 18 : i32
      %add3A_695 = vector.broadcast %add3A_694 : i32 to vector<16xi32>
      %add3A_696 = arith.addi %mul3A_693, %add3A_695 : vector<16xi32>
      %gather3A_697 = tpu.vector_load_idx %arg6[%add3A_696] : memref<1024xi32, #tpu.memory_space<vmem>>[vector<16xi32>], vector<16xi32>,
      %add3A_698 = arith.constant 1 : i32
      %add3A_699 = vector.broadcast %add3A_698 : i32 to vector<16xi32>
      %add3A_700 = arith.addi %add3A_696, %add3A_699 : vector<16xi32>
      %gather3A_701 = tpu.vector_load_idx %arg6[%add3A_700] : memref<1024xi32, #tpu.memory_space<vmem>>[vector<16xi32>], vector<16xi32>,
      %eq3A_702 = arith.constant 1 : i32
      %eq3A_703 = vector.broadcast %eq3A_702 : i32 to vector<16xi32>
      %eq3A_704 = arith.cmpi eq, %gather3A_701, %eq3A_703 : vector<16xi32>
      %jit3A_705 = arith.constant 1.000000e+00 : f32
      %jit3A_706 = arith.constant 0.000000e+00 : f32
      %broadcast_in_dim3A_707 = vector.broadcast %jit3A_705 : f32 to vector<16xf32>
      %broadcast_in_dim3A_708 = vector.broadcast %jit3A_706 : f32 to vector<16xf32>
      %select_n3A_709 = arith.select %eq3A_704, %broadcast_in_dim3A_707, %broadcast_in_dim3A_708 : vector<16xi1>, vector<16xf32>
      %max3A_710 = arith.constant 0 : i32
      %max3A_711 = vector.broadcast %max3A_710 : i32 to vector<16xi32>
      %max3A_712 = arith.maxsi %gather3A_697, %max3A_711 : vector<16xi32>
      %min3A_713 = arith.constant 16383 : i32
      %min3A_714 = vector.broadcast %min3A_713 : i32 to vector<16xi32>
      %min3A_715 = arith.minsi %max3A_712, %min3A_714 : vector<16xi32>
      %gather3A_716 = tpu.vector_load_idx %arg5[%min3A_715] : memref<16384xf32, #tpu.memory_space<vmem>>[vector<16xi32>], vector<16xf32>,
      %swap3A_717 = arith.constant 9 : i32
      %swap3A_718 = arith.index_cast %swap3A_717 : i32 to index
      %swap3A_719 = arith.constant 0 : index
      %swap3A_720 = tpu.vector_load %arg7[%swap3A_718, %swap3A_719] {strides = array<i32>} : memref<17x32xf32, #tpu.memory_space<vmem>>, vector<16xf32>,
      tpu.vector_store %arg7[%swap3A_718, %swap3A_719], %gather3A_716 {strides = array<i32>} : memref<17x32xf32, #tpu.memory_space<vmem>>, vector<16xf32>,
      %swap3A_721 = arith.constant 9 : i32
      %swap3A_722 = arith.index_cast %swap3A_721 : i32 to index
      %swap3A_723 = arith.constant 0 : index
      %swap3A_724 = tpu.vector_load %arg8[%swap3A_722, %swap3A_723] {strides = array<i32>} : memref<17x32xf32, #tpu.memory_space<vmem>>, vector<16xf32>,
      tpu.vector_store %arg8[%swap3A_722, %swap3A_723], %select_n3A_709 {strides = array<i32>} : memref<17x32xf32, #tpu.memory_space<vmem>>, vector<16xf32>,
      %mul3A_725 = arith.mulf %gather3A_716, %select_n3A_709 : vector<16xf32>
      %add3A_726 = arith.addf %add3A_651, %mul3A_725 : vector<16xf32>
      %add3A_727 = arith.addf %add3A_652, %select_n3A_709 : vector<16xf32>
      %mul3A_728 = arith.constant 34 : i32
      %mul3A_729 = vector.broadcast %mul3A_728 : i32 to vector<16xi32>
      %mul3A_730 = arith.muli %min3A_11, %mul3A_729 : vector<16xi32>
      %add3A_731 = arith.constant 18 : i32
      %add3A_732 = vector.broadcast %add3A_731 : i32 to vector<16xi32>
      %add3A_733 = arith.addi %mul3A_730, %add3A_732 : vector<16xi32>
      %gather3A_734 = tpu.vector_load_idx %arg6[%add3A_733] : memref<1024xi32, #tpu.memory_space<vmem>>[vector<16xi32>], vector<16xi32>,
      %add3A_735 = arith.constant 1 : i32
      %add3A_736 = vector.broadcast %add3A_735 : i32 to vector<16xi32>
      %add3A_737 = arith.addi %add3A_733, %add3A_736 : vector<16xi32>
      %gather3A_738 = tpu.vector_load_idx %arg6[%add3A_737] : memref<1024xi32, #tpu.memory_space<vmem>>[vector<16xi32>], vector<16xi32>,
      %eq3A_739 = arith.constant 1 : i32
      %eq3A_740 = vector.broadcast %eq3A_739 : i32 to vector<16xi32>
      %eq3A_741 = arith.cmpi eq, %gather3A_738, %eq3A_740 : vector<16xi32>
      %and3A_742 = arith.andi %eq3A_741, %lt3A_14 : vector<16xi1>
      %jit3A_743 = arith.constant 1.000000e+00 : f32
      %jit3A_744 = arith.constant 0.000000e+00 : f32
      %broadcast_in_dim3A_745 = vector.broadcast %jit3A_743 : f32 to vector<16xf32>
      %broadcast_in_dim3A_746 = vector.broadcast %jit3A_744 : f32 to vector<16xf32>
      %select_n3A_747 = arith.select %and3A_742, %broadcast_in_dim3A_745, %broadcast_in_dim3A_746 : vector<16xi1>, vector<16xf32>
      %max3A_748 = arith.constant 0 : i32
      %max3A_749 = vector.broadcast %max3A_748 : i32 to vector<16xi32>
      %max3A_750 = arith.maxsi %gather3A_734, %max3A_749 : vector<16xi32>
      %min3A_751 = arith.constant 16383 : i32
      %min3A_752 = vector.broadcast %min3A_751 : i32 to vector<16xi32>
      %min3A_753 = arith.minsi %max3A_750, %min3A_752 : vector<16xi32>
      %gather3A_754 = tpu.vector_load_idx %arg5[%min3A_753] : memref<16384xf32, #tpu.memory_space<vmem>>[vector<16xi32>], vector<16xf32>,
      %swap3A_755 = arith.constant 9 : i32
      %swap3A_756 = arith.index_cast %swap3A_755 : i32 to index
      %swap3A_757 = arith.constant 16 : index
      %swap3A_758 = tpu.vector_load %arg7[%swap3A_756, %swap3A_757] {strides = array<i32>} : memref<17x32xf32, #tpu.memory_space<vmem>>, vector<16xf32>,
      tpu.vector_store %arg7[%swap3A_756, %swap3A_757], %gather3A_754 {strides = array<i32>} : memref<17x32xf32, #tpu.memory_space<vmem>>, vector<16xf32>,
      %swap3A_759 = arith.constant 9 : i32
      %swap3A_760 = arith.index_cast %swap3A_759 : i32 to index
      %swap3A_761 = arith.constant 16 : index
      %swap3A_762 = tpu.vector_load %arg8[%swap3A_760, %swap3A_761] {strides = array<i32>} : memref<17x32xf32, #tpu.memory_space<vmem>>, vector<16xf32>,
      tpu.vector_store %arg8[%swap3A_760, %swap3A_761], %select_n3A_747 {strides = array<i32>} : memref<17x32xf32, #tpu.memory_space<vmem>>, vector<16xf32>,
      %mul3A_763 = arith.mulf %gather3A_754, %select_n3A_747 : vector<16xf32>
      %add3A_764 = arith.addf %add3A_689, %mul3A_763 : vector<16xf32>
      %add3A_765 = arith.addf %add3A_690, %select_n3A_747 : vector<16xf32>
      %mul3A_766 = arith.constant 34 : i32
      %mul3A_767 = vector.broadcast %mul3A_766 : i32 to vector<16xi32>
      %mul3A_768 = arith.muli %iota3A, %mul3A_767 : vector<16xi32>
      %add3A_769 = arith.constant 20 : i32
      %add3A_770 = vector.broadcast %add3A_769 : i32 to vector<16xi32>
      %add3A_771 = arith.addi %mul3A_768, %add3A_770 : vector<16xi32>
      %gather3A_772 = tpu.vector_load_idx %arg6[%add3A_771] : memref<1024xi32, #tpu.memory_space<vmem>>[vector<16xi32>], vector<16xi32>,
      %add3A_773 = arith.constant 1 : i32
      %add3A_774 = vector.broadcast %add3A_773 : i32 to vector<16xi32>
      %add3A_775 = arith.addi %add3A_771, %add3A_774 : vector<16xi32>
      %gather3A_776 = tpu.vector_load_idx %arg6[%add3A_775] : memref<1024xi32, #tpu.memory_space<vmem>>[vector<16xi32>], vector<16xi32>,
      %eq3A_777 = arith.constant 1 : i32
      %eq3A_778 = vector.broadcast %eq3A_777 : i32 to vector<16xi32>
      %eq3A_779 = arith.cmpi eq, %gather3A_776, %eq3A_778 : vector<16xi32>
      %jit3A_780 = arith.constant 1.000000e+00 : f32
      %jit3A_781 = arith.constant 0.000000e+00 : f32
      %broadcast_in_dim3A_782 = vector.broadcast %jit3A_780 : f32 to vector<16xf32>
      %broadcast_in_dim3A_783 = vector.broadcast %jit3A_781 : f32 to vector<16xf32>
      %select_n3A_784 = arith.select %eq3A_779, %broadcast_in_dim3A_782, %broadcast_in_dim3A_783 : vector<16xi1>, vector<16xf32>
      %max3A_785 = arith.constant 0 : i32
      %max3A_786 = vector.broadcast %max3A_785 : i32 to vector<16xi32>
      %max3A_787 = arith.maxsi %gather3A_772, %max3A_786 : vector<16xi32>
      %min3A_788 = arith.constant 16383 : i32
      %min3A_789 = vector.broadcast %min3A_788 : i32 to vector<16xi32>
      %min3A_790 = arith.minsi %max3A_787, %min3A_789 : vector<16xi32>
      %gather3A_791 = tpu.vector_load_idx %arg5[%min3A_790] : memref<16384xf32, #tpu.memory_space<vmem>>[vector<16xi32>], vector<16xf32>,
      %swap3A_792 = arith.constant 10 : i32
      %swap3A_793 = arith.index_cast %swap3A_792 : i32 to index
      %swap3A_794 = arith.constant 0 : index
      %swap3A_795 = tpu.vector_load %arg7[%swap3A_793, %swap3A_794] {strides = array<i32>} : memref<17x32xf32, #tpu.memory_space<vmem>>, vector<16xf32>,
      tpu.vector_store %arg7[%swap3A_793, %swap3A_794], %gather3A_791 {strides = array<i32>} : memref<17x32xf32, #tpu.memory_space<vmem>>, vector<16xf32>,
      %swap3A_796 = arith.constant 10 : i32
      %swap3A_797 = arith.index_cast %swap3A_796 : i32 to index
      %swap3A_798 = arith.constant 0 : index
      %swap3A_799 = tpu.vector_load %arg8[%swap3A_797, %swap3A_798] {strides = array<i32>} : memref<17x32xf32, #tpu.memory_space<vmem>>, vector<16xf32>,
      tpu.vector_store %arg8[%swap3A_797, %swap3A_798], %select_n3A_784 {strides = array<i32>} : memref<17x32xf32, #tpu.memory_space<vmem>>, vector<16xf32>,
      %mul3A_800 = arith.mulf %gather3A_791, %select_n3A_784 : vector<16xf32>
      %add3A_801 = arith.addf %add3A_726, %mul3A_800 : vector<16xf32>
      %add3A_802 = arith.addf %add3A_727, %select_n3A_784 : vector<16xf32>
      %mul3A_803 = arith.constant 34 : i32
      %mul3A_804 = vector.broadcast %mul3A_803 : i32 to vector<16xi32>
      %mul3A_805 = arith.muli %min3A_11, %mul3A_804 : vector<16xi32>
      %add3A_806 = arith.constant 20 : i32
      %add3A_807 = vector.broadcast %add3A_806 : i32 to vector<16xi32>
      %add3A_808 = arith.addi %mul3A_805, %add3A_807 : vector<16xi32>
      %gather3A_809 = tpu.vector_load_idx %arg6[%add3A_808] : memref<1024xi32, #tpu.memory_space<vmem>>[vector<16xi32>], vector<16xi32>,
      %add3A_810 = arith.constant 1 : i32
      %add3A_811 = vector.broadcast %add3A_810 : i32 to vector<16xi32>
      %add3A_812 = arith.addi %add3A_808, %add3A_811 : vector<16xi32>
      %gather3A_813 = tpu.vector_load_idx %arg6[%add3A_812] : memref<1024xi32, #tpu.memory_space<vmem>>[vector<16xi32>], vector<16xi32>,
      %eq3A_814 = arith.constant 1 : i32
      %eq3A_815 = vector.broadcast %eq3A_814 : i32 to vector<16xi32>
      %eq3A_816 = arith.cmpi eq, %gather3A_813, %eq3A_815 : vector<16xi32>
      %and3A_817 = arith.andi %eq3A_816, %lt3A_14 : vector<16xi1>
      %jit3A_818 = arith.constant 1.000000e+00 : f32
      %jit3A_819 = arith.constant 0.000000e+00 : f32
      %broadcast_in_dim3A_820 = vector.broadcast %jit3A_818 : f32 to vector<16xf32>
      %broadcast_in_dim3A_821 = vector.broadcast %jit3A_819 : f32 to vector<16xf32>
      %select_n3A_822 = arith.select %and3A_817, %broadcast_in_dim3A_820, %broadcast_in_dim3A_821 : vector<16xi1>, vector<16xf32>
      %max3A_823 = arith.constant 0 : i32
      %max3A_824 = vector.broadcast %max3A_823 : i32 to vector<16xi32>
      %max3A_825 = arith.maxsi %gather3A_809, %max3A_824 : vector<16xi32>
      %min3A_826 = arith.constant 16383 : i32
      %min3A_827 = vector.broadcast %min3A_826 : i32 to vector<16xi32>
      %min3A_828 = arith.minsi %max3A_825, %min3A_827 : vector<16xi32>
      %gather3A_829 = tpu.vector_load_idx %arg5[%min3A_828] : memref<16384xf32, #tpu.memory_space<vmem>>[vector<16xi32>], vector<16xf32>,
      %swap3A_830 = arith.constant 10 : i32
      %swap3A_831 = arith.index_cast %swap3A_830 : i32 to index
      %swap3A_832 = arith.constant 16 : index
      %swap3A_833 = tpu.vector_load %arg7[%swap3A_831, %swap3A_832] {strides = array<i32>} : memref<17x32xf32, #tpu.memory_space<vmem>>, vector<16xf32>,
      tpu.vector_store %arg7[%swap3A_831, %swap3A_832], %gather3A_829 {strides = array<i32>} : memref<17x32xf32, #tpu.memory_space<vmem>>, vector<16xf32>,
      %swap3A_834 = arith.constant 10 : i32
      %swap3A_835 = arith.index_cast %swap3A_834 : i32 to index
      %swap3A_836 = arith.constant 16 : index
      %swap3A_837 = tpu.vector_load %arg8[%swap3A_835, %swap3A_836] {strides = array<i32>} : memref<17x32xf32, #tpu.memory_space<vmem>>, vector<16xf32>,
      tpu.vector_store %arg8[%swap3A_835, %swap3A_836], %select_n3A_822 {strides = array<i32>} : memref<17x32xf32, #tpu.memory_space<vmem>>, vector<16xf32>,
      %mul3A_838 = arith.mulf %gather3A_829, %select_n3A_822 : vector<16xf32>
      %add3A_839 = arith.addf %add3A_764, %mul3A_838 : vector<16xf32>
      %add3A_840 = arith.addf %add3A_765, %select_n3A_822 : vector<16xf32>
      %mul3A_841 = arith.constant 34 : i32
      %mul3A_842 = vector.broadcast %mul3A_841 : i32 to vector<16xi32>
      %mul3A_843 = arith.muli %iota3A, %mul3A_842 : vector<16xi32>
      %add3A_844 = arith.constant 22 : i32
      %add3A_845 = vector.broadcast %add3A_844 : i32 to vector<16xi32>
      %add3A_846 = arith.addi %mul3A_843, %add3A_845 : vector<16xi32>
      %gather3A_847 = tpu.vector_load_idx %arg6[%add3A_846] : memref<1024xi32, #tpu.memory_space<vmem>>[vector<16xi32>], vector<16xi32>,
      %add3A_848 = arith.constant 1 : i32
      %add3A_849 = vector.broadcast %add3A_848 : i32 to vector<16xi32>
      %add3A_850 = arith.addi %add3A_846, %add3A_849 : vector<16xi32>
      %gather3A_851 = tpu.vector_load_idx %arg6[%add3A_850] : memref<1024xi32, #tpu.memory_space<vmem>>[vector<16xi32>], vector<16xi32>,
      %eq3A_852 = arith.constant 1 : i32
      %eq3A_853 = vector.broadcast %eq3A_852 : i32 to vector<16xi32>
      %eq3A_854 = arith.cmpi eq, %gather3A_851, %eq3A_853 : vector<16xi32>
      %jit3A_855 = arith.constant 1.000000e+00 : f32
      %jit3A_856 = arith.constant 0.000000e+00 : f32
      %broadcast_in_dim3A_857 = vector.broadcast %jit3A_855 : f32 to vector<16xf32>
      %broadcast_in_dim3A_858 = vector.broadcast %jit3A_856 : f32 to vector<16xf32>
      %select_n3A_859 = arith.select %eq3A_854, %broadcast_in_dim3A_857, %broadcast_in_dim3A_858 : vector<16xi1>, vector<16xf32>
      %max3A_860 = arith.constant 0 : i32
      %max3A_861 = vector.broadcast %max3A_860 : i32 to vector<16xi32>
      %max3A_862 = arith.maxsi %gather3A_847, %max3A_861 : vector<16xi32>
      %min3A_863 = arith.constant 16383 : i32
      %min3A_864 = vector.broadcast %min3A_863 : i32 to vector<16xi32>
      %min3A_865 = arith.minsi %max3A_862, %min3A_864 : vector<16xi32>
      %gather3A_866 = tpu.vector_load_idx %arg5[%min3A_865] : memref<16384xf32, #tpu.memory_space<vmem>>[vector<16xi32>], vector<16xf32>,
      %swap3A_867 = arith.constant 11 : i32
      %swap3A_868 = arith.index_cast %swap3A_867 : i32 to index
      %swap3A_869 = arith.constant 0 : index
      %swap3A_870 = tpu.vector_load %arg7[%swap3A_868, %swap3A_869] {strides = array<i32>} : memref<17x32xf32, #tpu.memory_space<vmem>>, vector<16xf32>,
      tpu.vector_store %arg7[%swap3A_868, %swap3A_869], %gather3A_866 {strides = array<i32>} : memref<17x32xf32, #tpu.memory_space<vmem>>, vector<16xf32>,
      %swap3A_871 = arith.constant 11 : i32
      %swap3A_872 = arith.index_cast %swap3A_871 : i32 to index
      %swap3A_873 = arith.constant 0 : index
      %swap3A_874 = tpu.vector_load %arg8[%swap3A_872, %swap3A_873] {strides = array<i32>} : memref<17x32xf32, #tpu.memory_space<vmem>>, vector<16xf32>,
      tpu.vector_store %arg8[%swap3A_872, %swap3A_873], %select_n3A_859 {strides = array<i32>} : memref<17x32xf32, #tpu.memory_space<vmem>>, vector<16xf32>,
      %mul3A_875 = arith.mulf %gather3A_866, %select_n3A_859 : vector<16xf32>
      %add3A_876 = arith.addf %add3A_801, %mul3A_875 : vector<16xf32>
      %add3A_877 = arith.addf %add3A_802, %select_n3A_859 : vector<16xf32>
      %mul3A_878 = arith.constant 34 : i32
      %mul3A_879 = vector.broadcast %mul3A_878 : i32 to vector<16xi32>
      %mul3A_880 = arith.muli %min3A_11, %mul3A_879 : vector<16xi32>
      %add3A_881 = arith.constant 22 : i32
      %add3A_882 = vector.broadcast %add3A_881 : i32 to vector<16xi32>
      %add3A_883 = arith.addi %mul3A_880, %add3A_882 : vector<16xi32>
      %gather3A_884 = tpu.vector_load_idx %arg6[%add3A_883] : memref<1024xi32, #tpu.memory_space<vmem>>[vector<16xi32>], vector<16xi32>,
      %add3A_885 = arith.constant 1 : i32
      %add3A_886 = vector.broadcast %add3A_885 : i32 to vector<16xi32>
      %add3A_887 = arith.addi %add3A_883, %add3A_886 : vector<16xi32>
      %gather3A_888 = tpu.vector_load_idx %arg6[%add3A_887] : memref<1024xi32, #tpu.memory_space<vmem>>[vector<16xi32>], vector<16xi32>,
      %eq3A_889 = arith.constant 1 : i32
      %eq3A_890 = vector.broadcast %eq3A_889 : i32 to vector<16xi32>
      %eq3A_891 = arith.cmpi eq, %gather3A_888, %eq3A_890 : vector<16xi32>
      %and3A_892 = arith.andi %eq3A_891, %lt3A_14 : vector<16xi1>
      %jit3A_893 = arith.constant 1.000000e+00 : f32
      %jit3A_894 = arith.constant 0.000000e+00 : f32
      %broadcast_in_dim3A_895 = vector.broadcast %jit3A_893 : f32 to vector<16xf32>
      %broadcast_in_dim3A_896 = vector.broadcast %jit3A_894 : f32 to vector<16xf32>
      %select_n3A_897 = arith.select %and3A_892, %broadcast_in_dim3A_895, %broadcast_in_dim3A_896 : vector<16xi1>, vector<16xf32>
      %max3A_898 = arith.constant 0 : i32
      %max3A_899 = vector.broadcast %max3A_898 : i32 to vector<16xi32>
      %max3A_900 = arith.maxsi %gather3A_884, %max3A_899 : vector<16xi32>
      %min3A_901 = arith.constant 16383 : i32
      %min3A_902 = vector.broadcast %min3A_901 : i32 to vector<16xi32>
      %min3A_903 = arith.minsi %max3A_900, %min3A_902 : vector<16xi32>
      %gather3A_904 = tpu.vector_load_idx %arg5[%min3A_903] : memref<16384xf32, #tpu.memory_space<vmem>>[vector<16xi32>], vector<16xf32>,
      %swap3A_905 = arith.constant 11 : i32
      %swap3A_906 = arith.index_cast %swap3A_905 : i32 to index
      %swap3A_907 = arith.constant 16 : index
      %swap3A_908 = tpu.vector_load %arg7[%swap3A_906, %swap3A_907] {strides = array<i32>} : memref<17x32xf32, #tpu.memory_space<vmem>>, vector<16xf32>,
      tpu.vector_store %arg7[%swap3A_906, %swap3A_907], %gather3A_904 {strides = array<i32>} : memref<17x32xf32, #tpu.memory_space<vmem>>, vector<16xf32>,
      %swap3A_909 = arith.constant 11 : i32
      %swap3A_910 = arith.index_cast %swap3A_909 : i32 to index
      %swap3A_911 = arith.constant 16 : index
      %swap3A_912 = tpu.vector_load %arg8[%swap3A_910, %swap3A_911] {strides = array<i32>} : memref<17x32xf32, #tpu.memory_space<vmem>>, vector<16xf32>,
      tpu.vector_store %arg8[%swap3A_910, %swap3A_911], %select_n3A_897 {strides = array<i32>} : memref<17x32xf32, #tpu.memory_space<vmem>>, vector<16xf32>,
      %mul3A_913 = arith.mulf %gather3A_904, %select_n3A_897 : vector<16xf32>
      %add3A_914 = arith.addf %add3A_839, %mul3A_913 : vector<16xf32>
      %add3A_915 = arith.addf %add3A_840, %select_n3A_897 : vector<16xf32>
      %mul3A_916 = arith.constant 34 : i32
      %mul3A_917 = vector.broadcast %mul3A_916 : i32 to vector<16xi32>
      %mul3A_918 = arith.muli %iota3A, %mul3A_917 : vector<16xi32>
      %add3A_919 = arith.constant 24 : i32
      %add3A_920 = vector.broadcast %add3A_919 : i32 to vector<16xi32>
      %add3A_921 = arith.addi %mul3A_918, %add3A_920 : vector<16xi32>
      %gather3A_922 = tpu.vector_load_idx %arg6[%add3A_921] : memref<1024xi32, #tpu.memory_space<vmem>>[vector<16xi32>], vector<16xi32>,
      %add3A_923 = arith.constant 1 : i32
      %add3A_924 = vector.broadcast %add3A_923 : i32 to vector<16xi32>
      %add3A_925 = arith.addi %add3A_921, %add3A_924 : vector<16xi32>
      %gather3A_926 = tpu.vector_load_idx %arg6[%add3A_925] : memref<1024xi32, #tpu.memory_space<vmem>>[vector<16xi32>], vector<16xi32>,
      %eq3A_927 = arith.constant 1 : i32
      %eq3A_928 = vector.broadcast %eq3A_927 : i32 to vector<16xi32>
      %eq3A_929 = arith.cmpi eq, %gather3A_926, %eq3A_928 : vector<16xi32>
      %jit3A_930 = arith.constant 1.000000e+00 : f32
      %jit3A_931 = arith.constant 0.000000e+00 : f32
      %broadcast_in_dim3A_932 = vector.broadcast %jit3A_930 : f32 to vector<16xf32>
      %broadcast_in_dim3A_933 = vector.broadcast %jit3A_931 : f32 to vector<16xf32>
      %select_n3A_934 = arith.select %eq3A_929, %broadcast_in_dim3A_932, %broadcast_in_dim3A_933 : vector<16xi1>, vector<16xf32>
      %max3A_935 = arith.constant 0 : i32
      %max3A_936 = vector.broadcast %max3A_935 : i32 to vector<16xi32>
      %max3A_937 = arith.maxsi %gather3A_922, %max3A_936 : vector<16xi32>
      %min3A_938 = arith.constant 16383 : i32
      %min3A_939 = vector.broadcast %min3A_938 : i32 to vector<16xi32>
      %min3A_940 = arith.minsi %max3A_937, %min3A_939 : vector<16xi32>
      %gather3A_941 = tpu.vector_load_idx %arg5[%min3A_940] : memref<16384xf32, #tpu.memory_space<vmem>>[vector<16xi32>], vector<16xf32>,
      %swap3A_942 = arith.constant 12 : i32
      %swap3A_943 = arith.index_cast %swap3A_942 : i32 to index
      %swap3A_944 = arith.constant 0 : index
      %swap3A_945 = tpu.vector_load %arg7[%swap3A_943, %swap3A_944] {strides = array<i32>} : memref<17x32xf32, #tpu.memory_space<vmem>>, vector<16xf32>,
      tpu.vector_store %arg7[%swap3A_943, %swap3A_944], %gather3A_941 {strides = array<i32>} : memref<17x32xf32, #tpu.memory_space<vmem>>, vector<16xf32>,
      %swap3A_946 = arith.constant 12 : i32
      %swap3A_947 = arith.index_cast %swap3A_946 : i32 to index
      %swap3A_948 = arith.constant 0 : index
      %swap3A_949 = tpu.vector_load %arg8[%swap3A_947, %swap3A_948] {strides = array<i32>} : memref<17x32xf32, #tpu.memory_space<vmem>>, vector<16xf32>,
      tpu.vector_store %arg8[%swap3A_947, %swap3A_948], %select_n3A_934 {strides = array<i32>} : memref<17x32xf32, #tpu.memory_space<vmem>>, vector<16xf32>,
      %mul3A_950 = arith.mulf %gather3A_941, %select_n3A_934 : vector<16xf32>
      %add3A_951 = arith.addf %add3A_876, %mul3A_950 : vector<16xf32>
      %add3A_952 = arith.addf %add3A_877, %select_n3A_934 : vector<16xf32>
      %mul3A_953 = arith.constant 34 : i32
      %mul3A_954 = vector.broadcast %mul3A_953 : i32 to vector<16xi32>
      %mul3A_955 = arith.muli %min3A_11, %mul3A_954 : vector<16xi32>
      %add3A_956 = arith.constant 24 : i32
      %add3A_957 = vector.broadcast %add3A_956 : i32 to vector<16xi32>
      %add3A_958 = arith.addi %mul3A_955, %add3A_957 : vector<16xi32>
      %gather3A_959 = tpu.vector_load_idx %arg6[%add3A_958] : memref<1024xi32, #tpu.memory_space<vmem>>[vector<16xi32>], vector<16xi32>,
      %add3A_960 = arith.constant 1 : i32
      %add3A_961 = vector.broadcast %add3A_960 : i32 to vector<16xi32>
      %add3A_962 = arith.addi %add3A_958, %add3A_961 : vector<16xi32>
      %gather3A_963 = tpu.vector_load_idx %arg6[%add3A_962] : memref<1024xi32, #tpu.memory_space<vmem>>[vector<16xi32>], vector<16xi32>,
      %eq3A_964 = arith.constant 1 : i32
      %eq3A_965 = vector.broadcast %eq3A_964 : i32 to vector<16xi32>
      %eq3A_966 = arith.cmpi eq, %gather3A_963, %eq3A_965 : vector<16xi32>
      %and3A_967 = arith.andi %eq3A_966, %lt3A_14 : vector<16xi1>
      %jit3A_968 = arith.constant 1.000000e+00 : f32
      %jit3A_969 = arith.constant 0.000000e+00 : f32
      %broadcast_in_dim3A_970 = vector.broadcast %jit3A_968 : f32 to vector<16xf32>
      %broadcast_in_dim3A_971 = vector.broadcast %jit3A_969 : f32 to vector<16xf32>
      %select_n3A_972 = arith.select %and3A_967, %broadcast_in_dim3A_970, %broadcast_in_dim3A_971 : vector<16xi1>, vector<16xf32>
      %max3A_973 = arith.constant 0 : i32
      %max3A_974 = vector.broadcast %max3A_973 : i32 to vector<16xi32>
      %max3A_975 = arith.maxsi %gather3A_959, %max3A_974 : vector<16xi32>
      %min3A_976 = arith.constant 16383 : i32
      %min3A_977 = vector.broadcast %min3A_976 : i32 to vector<16xi32>
      %min3A_978 = arith.minsi %max3A_975, %min3A_977 : vector<16xi32>
      %gather3A_979 = tpu.vector_load_idx %arg5[%min3A_978] : memref<16384xf32, #tpu.memory_space<vmem>>[vector<16xi32>], vector<16xf32>,
      %swap3A_980 = arith.constant 12 : i32
      %swap3A_981 = arith.index_cast %swap3A_980 : i32 to index
      %swap3A_982 = arith.constant 16 : index
      %swap3A_983 = tpu.vector_load %arg7[%swap3A_981, %swap3A_982] {strides = array<i32>} : memref<17x32xf32, #tpu.memory_space<vmem>>, vector<16xf32>,
      tpu.vector_store %arg7[%swap3A_981, %swap3A_982], %gather3A_979 {strides = array<i32>} : memref<17x32xf32, #tpu.memory_space<vmem>>, vector<16xf32>,
      %swap3A_984 = arith.constant 12 : i32
      %swap3A_985 = arith.index_cast %swap3A_984 : i32 to index
      %swap3A_986 = arith.constant 16 : index
      %swap3A_987 = tpu.vector_load %arg8[%swap3A_985, %swap3A_986] {strides = array<i32>} : memref<17x32xf32, #tpu.memory_space<vmem>>, vector<16xf32>,
      tpu.vector_store %arg8[%swap3A_985, %swap3A_986], %select_n3A_972 {strides = array<i32>} : memref<17x32xf32, #tpu.memory_space<vmem>>, vector<16xf32>,
      %mul3A_988 = arith.mulf %gather3A_979, %select_n3A_972 : vector<16xf32>
      %add3A_989 = arith.addf %add3A_914, %mul3A_988 : vector<16xf32>
      %add3A_990 = arith.addf %add3A_915, %select_n3A_972 : vector<16xf32>
      %mul3A_991 = arith.constant 34 : i32
      %mul3A_992 = vector.broadcast %mul3A_991 : i32 to vector<16xi32>
      %mul3A_993 = arith.muli %iota3A, %mul3A_992 : vector<16xi32>
      %add3A_994 = arith.constant 26 : i32
      %add3A_995 = vector.broadcast %add3A_994 : i32 to vector<16xi32>
      %add3A_996 = arith.addi %mul3A_993, %add3A_995 : vector<16xi32>
      %gather3A_997 = tpu.vector_load_idx %arg6[%add3A_996] : memref<1024xi32, #tpu.memory_space<vmem>>[vector<16xi32>], vector<16xi32>,
      %add3A_998 = arith.constant 1 : i32
      %add3A_999 = vector.broadcast %add3A_998 : i32 to vector<16xi32>
      %add3A_1000 = arith.addi %add3A_996, %add3A_999 : vector<16xi32>
      %gather3A_1001 = tpu.vector_load_idx %arg6[%add3A_1000] : memref<1024xi32, #tpu.memory_space<vmem>>[vector<16xi32>], vector<16xi32>,
      %eq3A_1002 = arith.constant 1 : i32
      %eq3A_1003 = vector.broadcast %eq3A_1002 : i32 to vector<16xi32>
      %eq3A_1004 = arith.cmpi eq, %gather3A_1001, %eq3A_1003 : vector<16xi32>
      %jit3A_1005 = arith.constant 1.000000e+00 : f32
      %jit3A_1006 = arith.constant 0.000000e+00 : f32
      %broadcast_in_dim3A_1007 = vector.broadcast %jit3A_1005 : f32 to vector<16xf32>
      %broadcast_in_dim3A_1008 = vector.broadcast %jit3A_1006 : f32 to vector<16xf32>
      %select_n3A_1009 = arith.select %eq3A_1004, %broadcast_in_dim3A_1007, %broadcast_in_dim3A_1008 : vector<16xi1>, vector<16xf32>
      %max3A_1010 = arith.constant 0 : i32
      %max3A_1011 = vector.broadcast %max3A_1010 : i32 to vector<16xi32>
      %max3A_1012 = arith.maxsi %gather3A_997, %max3A_1011 : vector<16xi32>
      %min3A_1013 = arith.constant 16383 : i32
      %min3A_1014 = vector.broadcast %min3A_1013 : i32 to vector<16xi32>
      %min3A_1015 = arith.minsi %max3A_1012, %min3A_1014 : vector<16xi32>
      %gather3A_1016 = tpu.vector_load_idx %arg5[%min3A_1015] : memref<16384xf32, #tpu.memory_space<vmem>>[vector<16xi32>], vector<16xf32>,
      %swap3A_1017 = arith.constant 13 : i32
      %swap3A_1018 = arith.index_cast %swap3A_1017 : i32 to index
      %swap3A_1019 = arith.constant 0 : index
      %swap3A_1020 = tpu.vector_load %arg7[%swap3A_1018, %swap3A_1019] {strides = array<i32>} : memref<17x32xf32, #tpu.memory_space<vmem>>, vector<16xf32>,
      tpu.vector_store %arg7[%swap3A_1018, %swap3A_1019], %gather3A_1016 {strides = array<i32>} : memref<17x32xf32, #tpu.memory_space<vmem>>, vector<16xf32>,
      %swap3A_1021 = arith.constant 13 : i32
      %swap3A_1022 = arith.index_cast %swap3A_1021 : i32 to index
      %swap3A_1023 = arith.constant 0 : index
      %swap3A_1024 = tpu.vector_load %arg8[%swap3A_1022, %swap3A_1023] {strides = array<i32>} : memref<17x32xf32, #tpu.memory_space<vmem>>, vector<16xf32>,
      tpu.vector_store %arg8[%swap3A_1022, %swap3A_1023], %select_n3A_1009 {strides = array<i32>} : memref<17x32xf32, #tpu.memory_space<vmem>>, vector<16xf32>,
      %mul3A_1025 = arith.mulf %gather3A_1016, %select_n3A_1009 : vector<16xf32>
      %add3A_1026 = arith.addf %add3A_951, %mul3A_1025 : vector<16xf32>
      %add3A_1027 = arith.addf %add3A_952, %select_n3A_1009 : vector<16xf32>
      %mul3A_1028 = arith.constant 34 : i32
      %mul3A_1029 = vector.broadcast %mul3A_1028 : i32 to vector<16xi32>
      %mul3A_1030 = arith.muli %min3A_11, %mul3A_1029 : vector<16xi32>
      %add3A_1031 = arith.constant 26 : i32
      %add3A_1032 = vector.broadcast %add3A_1031 : i32 to vector<16xi32>
      %add3A_1033 = arith.addi %mul3A_1030, %add3A_1032 : vector<16xi32>
      %gather3A_1034 = tpu.vector_load_idx %arg6[%add3A_1033] : memref<1024xi32, #tpu.memory_space<vmem>>[vector<16xi32>], vector<16xi32>,
      %add3A_1035 = arith.constant 1 : i32
      %add3A_1036 = vector.broadcast %add3A_1035 : i32 to vector<16xi32>
      %add3A_1037 = arith.addi %add3A_1033, %add3A_1036 : vector<16xi32>
      %gather3A_1038 = tpu.vector_load_idx %arg6[%add3A_1037] : memref<1024xi32, #tpu.memory_space<vmem>>[vector<16xi32>], vector<16xi32>,
      %eq3A_1039 = arith.constant 1 : i32
      %eq3A_1040 = vector.broadcast %eq3A_1039 : i32 to vector<16xi32>
      %eq3A_1041 = arith.cmpi eq, %gather3A_1038, %eq3A_1040 : vector<16xi32>
      %and3A_1042 = arith.andi %eq3A_1041, %lt3A_14 : vector<16xi1>
      %jit3A_1043 = arith.constant 1.000000e+00 : f32
      %jit3A_1044 = arith.constant 0.000000e+00 : f32
      %broadcast_in_dim3A_1045 = vector.broadcast %jit3A_1043 : f32 to vector<16xf32>
      %broadcast_in_dim3A_1046 = vector.broadcast %jit3A_1044 : f32 to vector<16xf32>
      %select_n3A_1047 = arith.select %and3A_1042, %broadcast_in_dim3A_1045, %broadcast_in_dim3A_1046 : vector<16xi1>, vector<16xf32>
      %max3A_1048 = arith.constant 0 : i32
      %max3A_1049 = vector.broadcast %max3A_1048 : i32 to vector<16xi32>
      %max3A_1050 = arith.maxsi %gather3A_1034, %max3A_1049 : vector<16xi32>
      %min3A_1051 = arith.constant 16383 : i32
      %min3A_1052 = vector.broadcast %min3A_1051 : i32 to vector<16xi32>
      %min3A_1053 = arith.minsi %max3A_1050, %min3A_1052 : vector<16xi32>
      %gather3A_1054 = tpu.vector_load_idx %arg5[%min3A_1053] : memref<16384xf32, #tpu.memory_space<vmem>>[vector<16xi32>], vector<16xf32>,
      %swap3A_1055 = arith.constant 13 : i32
      %swap3A_1056 = arith.index_cast %swap3A_1055 : i32 to index
      %swap3A_1057 = arith.constant 16 : index
      %swap3A_1058 = tpu.vector_load %arg7[%swap3A_1056, %swap3A_1057] {strides = array<i32>} : memref<17x32xf32, #tpu.memory_space<vmem>>, vector<16xf32>,
      tpu.vector_store %arg7[%swap3A_1056, %swap3A_1057], %gather3A_1054 {strides = array<i32>} : memref<17x32xf32, #tpu.memory_space<vmem>>, vector<16xf32>,
      %swap3A_1059 = arith.constant 13 : i32
      %swap3A_1060 = arith.index_cast %swap3A_1059 : i32 to index
      %swap3A_1061 = arith.constant 16 : index
      %swap3A_1062 = tpu.vector_load %arg8[%swap3A_1060, %swap3A_1061] {strides = array<i32>} : memref<17x32xf32, #tpu.memory_space<vmem>>, vector<16xf32>,
      tpu.vector_store %arg8[%swap3A_1060, %swap3A_1061], %select_n3A_1047 {strides = array<i32>} : memref<17x32xf32, #tpu.memory_space<vmem>>, vector<16xf32>,
      %mul3A_1063 = arith.mulf %gather3A_1054, %select_n3A_1047 : vector<16xf32>
      %add3A_1064 = arith.addf %add3A_989, %mul3A_1063 : vector<16xf32>
      %add3A_1065 = arith.addf %add3A_990, %select_n3A_1047 : vector<16xf32>
      %mul3A_1066 = arith.constant 34 : i32
      %mul3A_1067 = vector.broadcast %mul3A_1066 : i32 to vector<16xi32>
      %mul3A_1068 = arith.muli %iota3A, %mul3A_1067 : vector<16xi32>
      %add3A_1069 = arith.constant 28 : i32
      %add3A_1070 = vector.broadcast %add3A_1069 : i32 to vector<16xi32>
      %add3A_1071 = arith.addi %mul3A_1068, %add3A_1070 : vector<16xi32>
      %gather3A_1072 = tpu.vector_load_idx %arg6[%add3A_1071] : memref<1024xi32, #tpu.memory_space<vmem>>[vector<16xi32>], vector<16xi32>,
      %add3A_1073 = arith.constant 1 : i32
      %add3A_1074 = vector.broadcast %add3A_1073 : i32 to vector<16xi32>
      %add3A_1075 = arith.addi %add3A_1071, %add3A_1074 : vector<16xi32>
      %gather3A_1076 = tpu.vector_load_idx %arg6[%add3A_1075] : memref<1024xi32, #tpu.memory_space<vmem>>[vector<16xi32>], vector<16xi32>,
      %eq3A_1077 = arith.constant 1 : i32
      %eq3A_1078 = vector.broadcast %eq3A_1077 : i32 to vector<16xi32>
      %eq3A_1079 = arith.cmpi eq, %gather3A_1076, %eq3A_1078 : vector<16xi32>
      %jit3A_1080 = arith.constant 1.000000e+00 : f32
      %jit3A_1081 = arith.constant 0.000000e+00 : f32
      %broadcast_in_dim3A_1082 = vector.broadcast %jit3A_1080 : f32 to vector<16xf32>
      %broadcast_in_dim3A_1083 = vector.broadcast %jit3A_1081 : f32 to vector<16xf32>
      %select_n3A_1084 = arith.select %eq3A_1079, %broadcast_in_dim3A_1082, %broadcast_in_dim3A_1083 : vector<16xi1>, vector<16xf32>
      %max3A_1085 = arith.constant 0 : i32
      %max3A_1086 = vector.broadcast %max3A_1085 : i32 to vector<16xi32>
      %max3A_1087 = arith.maxsi %gather3A_1072, %max3A_1086 : vector<16xi32>
      %min3A_1088 = arith.constant 16383 : i32
      %min3A_1089 = vector.broadcast %min3A_1088 : i32 to vector<16xi32>
      %min3A_1090 = arith.minsi %max3A_1087, %min3A_1089 : vector<16xi32>
      %gather3A_1091 = tpu.vector_load_idx %arg5[%min3A_1090] : memref<16384xf32, #tpu.memory_space<vmem>>[vector<16xi32>], vector<16xf32>,
      %swap3A_1092 = arith.constant 14 : i32
      %swap3A_1093 = arith.index_cast %swap3A_1092 : i32 to index
      %swap3A_1094 = arith.constant 0 : index
      %swap3A_1095 = tpu.vector_load %arg7[%swap3A_1093, %swap3A_1094] {strides = array<i32>} : memref<17x32xf32, #tpu.memory_space<vmem>>, vector<16xf32>,
      tpu.vector_store %arg7[%swap3A_1093, %swap3A_1094], %gather3A_1091 {strides = array<i32>} : memref<17x32xf32, #tpu.memory_space<vmem>>, vector<16xf32>,
      %swap3A_1096 = arith.constant 14 : i32
      %swap3A_1097 = arith.index_cast %swap3A_1096 : i32 to index
      %swap3A_1098 = arith.constant 0 : index
      %swap3A_1099 = tpu.vector_load %arg8[%swap3A_1097, %swap3A_1098] {strides = array<i32>} : memref<17x32xf32, #tpu.memory_space<vmem>>, vector<16xf32>,
      tpu.vector_store %arg8[%swap3A_1097, %swap3A_1098], %select_n3A_1084 {strides = array<i32>} : memref<17x32xf32, #tpu.memory_space<vmem>>, vector<16xf32>,
      %mul3A_1100 = arith.mulf %gather3A_1091, %select_n3A_1084 : vector<16xf32>
      %add3A_1101 = arith.addf %add3A_1026, %mul3A_1100 : vector<16xf32>
      %add3A_1102 = arith.addf %add3A_1027, %select_n3A_1084 : vector<16xf32>
      %mul3A_1103 = arith.constant 34 : i32
      %mul3A_1104 = vector.broadcast %mul3A_1103 : i32 to vector<16xi32>
      %mul3A_1105 = arith.muli %min3A_11, %mul3A_1104 : vector<16xi32>
      %add3A_1106 = arith.constant 28 : i32
      %add3A_1107 = vector.broadcast %add3A_1106 : i32 to vector<16xi32>
      %add3A_1108 = arith.addi %mul3A_1105, %add3A_1107 : vector<16xi32>
      %gather3A_1109 = tpu.vector_load_idx %arg6[%add3A_1108] : memref<1024xi32, #tpu.memory_space<vmem>>[vector<16xi32>], vector<16xi32>,
      %add3A_1110 = arith.constant 1 : i32
      %add3A_1111 = vector.broadcast %add3A_1110 : i32 to vector<16xi32>
      %add3A_1112 = arith.addi %add3A_1108, %add3A_1111 : vector<16xi32>
      %gather3A_1113 = tpu.vector_load_idx %arg6[%add3A_1112] : memref<1024xi32, #tpu.memory_space<vmem>>[vector<16xi32>], vector<16xi32>,
      %eq3A_1114 = arith.constant 1 : i32
      %eq3A_1115 = vector.broadcast %eq3A_1114 : i32 to vector<16xi32>
      %eq3A_1116 = arith.cmpi eq, %gather3A_1113, %eq3A_1115 : vector<16xi32>
      %and3A_1117 = arith.andi %eq3A_1116, %lt3A_14 : vector<16xi1>
      %jit3A_1118 = arith.constant 1.000000e+00 : f32
      %jit3A_1119 = arith.constant 0.000000e+00 : f32
      %broadcast_in_dim3A_1120 = vector.broadcast %jit3A_1118 : f32 to vector<16xf32>
      %broadcast_in_dim3A_1121 = vector.broadcast %jit3A_1119 : f32 to vector<16xf32>
      %select_n3A_1122 = arith.select %and3A_1117, %broadcast_in_dim3A_1120, %broadcast_in_dim3A_1121 : vector<16xi1>, vector<16xf32>
      %max3A_1123 = arith.constant 0 : i32
      %max3A_1124 = vector.broadcast %max3A_1123 : i32 to vector<16xi32>
      %max3A_1125 = arith.maxsi %gather3A_1109, %max3A_1124 : vector<16xi32>
      %min3A_1126 = arith.constant 16383 : i32
      %min3A_1127 = vector.broadcast %min3A_1126 : i32 to vector<16xi32>
      %min3A_1128 = arith.minsi %max3A_1125, %min3A_1127 : vector<16xi32>
      %gather3A_1129 = tpu.vector_load_idx %arg5[%min3A_1128] : memref<16384xf32, #tpu.memory_space<vmem>>[vector<16xi32>], vector<16xf32>,
      %swap3A_1130 = arith.constant 14 : i32
      %swap3A_1131 = arith.index_cast %swap3A_1130 : i32 to index
      %swap3A_1132 = arith.constant 16 : index
      %swap3A_1133 = tpu.vector_load %arg7[%swap3A_1131, %swap3A_1132] {strides = array<i32>} : memref<17x32xf32, #tpu.memory_space<vmem>>, vector<16xf32>,
      tpu.vector_store %arg7[%swap3A_1131, %swap3A_1132], %gather3A_1129 {strides = array<i32>} : memref<17x32xf32, #tpu.memory_space<vmem>>, vector<16xf32>,
      %swap3A_1134 = arith.constant 14 : i32
      %swap3A_1135 = arith.index_cast %swap3A_1134 : i32 to index
      %swap3A_1136 = arith.constant 16 : index
      %swap3A_1137 = tpu.vector_load %arg8[%swap3A_1135, %swap3A_1136] {strides = array<i32>} : memref<17x32xf32, #tpu.memory_space<vmem>>, vector<16xf32>,
      tpu.vector_store %arg8[%swap3A_1135, %swap3A_1136], %select_n3A_1122 {strides = array<i32>} : memref<17x32xf32, #tpu.memory_space<vmem>>, vector<16xf32>,
      %mul3A_1138 = arith.mulf %gather3A_1129, %select_n3A_1122 : vector<16xf32>
      %add3A_1139 = arith.addf %add3A_1064, %mul3A_1138 : vector<16xf32>
      %add3A_1140 = arith.addf %add3A_1065, %select_n3A_1122 : vector<16xf32>
      %mul3A_1141 = arith.constant 34 : i32
      %mul3A_1142 = vector.broadcast %mul3A_1141 : i32 to vector<16xi32>
      %mul3A_1143 = arith.muli %iota3A, %mul3A_1142 : vector<16xi32>
      %add3A_1144 = arith.constant 30 : i32
      %add3A_1145 = vector.broadcast %add3A_1144 : i32 to vector<16xi32>
      %add3A_1146 = arith.addi %mul3A_1143, %add3A_1145 : vector<16xi32>
      %gather3A_1147 = tpu.vector_load_idx %arg6[%add3A_1146] : memref<1024xi32, #tpu.memory_space<vmem>>[vector<16xi32>], vector<16xi32>,
      %add3A_1148 = arith.constant 1 : i32
      %add3A_1149 = vector.broadcast %add3A_1148 : i32 to vector<16xi32>
      %add3A_1150 = arith.addi %add3A_1146, %add3A_1149 : vector<16xi32>
      %gather3A_1151 = tpu.vector_load_idx %arg6[%add3A_1150] : memref<1024xi32, #tpu.memory_space<vmem>>[vector<16xi32>], vector<16xi32>,
      %eq3A_1152 = arith.constant 1 : i32
      %eq3A_1153 = vector.broadcast %eq3A_1152 : i32 to vector<16xi32>
      %eq3A_1154 = arith.cmpi eq, %gather3A_1151, %eq3A_1153 : vector<16xi32>
      %jit3A_1155 = arith.constant 1.000000e+00 : f32
      %jit3A_1156 = arith.constant 0.000000e+00 : f32
      %broadcast_in_dim3A_1157 = vector.broadcast %jit3A_1155 : f32 to vector<16xf32>
      %broadcast_in_dim3A_1158 = vector.broadcast %jit3A_1156 : f32 to vector<16xf32>
      %select_n3A_1159 = arith.select %eq3A_1154, %broadcast_in_dim3A_1157, %broadcast_in_dim3A_1158 : vector<16xi1>, vector<16xf32>
      %max3A_1160 = arith.constant 0 : i32
      %max3A_1161 = vector.broadcast %max3A_1160 : i32 to vector<16xi32>
      %max3A_1162 = arith.maxsi %gather3A_1147, %max3A_1161 : vector<16xi32>
      %min3A_1163 = arith.constant 16383 : i32
      %min3A_1164 = vector.broadcast %min3A_1163 : i32 to vector<16xi32>
      %min3A_1165 = arith.minsi %max3A_1162, %min3A_1164 : vector<16xi32>
      %gather3A_1166 = tpu.vector_load_idx %arg5[%min3A_1165] : memref<16384xf32, #tpu.memory_space<vmem>>[vector<16xi32>], vector<16xf32>,
      %swap3A_1167 = arith.constant 15 : i32
      %swap3A_1168 = arith.index_cast %swap3A_1167 : i32 to index
      %swap3A_1169 = arith.constant 0 : index
      %swap3A_1170 = tpu.vector_load %arg7[%swap3A_1168, %swap3A_1169] {strides = array<i32>} : memref<17x32xf32, #tpu.memory_space<vmem>>, vector<16xf32>,
      tpu.vector_store %arg7[%swap3A_1168, %swap3A_1169], %gather3A_1166 {strides = array<i32>} : memref<17x32xf32, #tpu.memory_space<vmem>>, vector<16xf32>,
      %swap3A_1171 = arith.constant 15 : i32
      %swap3A_1172 = arith.index_cast %swap3A_1171 : i32 to index
      %swap3A_1173 = arith.constant 0 : index
      %swap3A_1174 = tpu.vector_load %arg8[%swap3A_1172, %swap3A_1173] {strides = array<i32>} : memref<17x32xf32, #tpu.memory_space<vmem>>, vector<16xf32>,
      tpu.vector_store %arg8[%swap3A_1172, %swap3A_1173], %select_n3A_1159 {strides = array<i32>} : memref<17x32xf32, #tpu.memory_space<vmem>>, vector<16xf32>,
      %mul3A_1175 = arith.mulf %gather3A_1166, %select_n3A_1159 : vector<16xf32>
      %add3A_1176 = arith.addf %add3A_1101, %mul3A_1175 : vector<16xf32>
      %add3A_1177 = arith.addf %add3A_1102, %select_n3A_1159 : vector<16xf32>
      %mul3A_1178 = arith.constant 34 : i32
      %mul3A_1179 = vector.broadcast %mul3A_1178 : i32 to vector<16xi32>
      %mul3A_1180 = arith.muli %min3A_11, %mul3A_1179 : vector<16xi32>
      %add3A_1181 = arith.constant 30 : i32
      %add3A_1182 = vector.broadcast %add3A_1181 : i32 to vector<16xi32>
      %add3A_1183 = arith.addi %mul3A_1180, %add3A_1182 : vector<16xi32>
      %gather3A_1184 = tpu.vector_load_idx %arg6[%add3A_1183] : memref<1024xi32, #tpu.memory_space<vmem>>[vector<16xi32>], vector<16xi32>,
      %add3A_1185 = arith.constant 1 : i32
      %add3A_1186 = vector.broadcast %add3A_1185 : i32 to vector<16xi32>
      %add3A_1187 = arith.addi %add3A_1183, %add3A_1186 : vector<16xi32>
      %gather3A_1188 = tpu.vector_load_idx %arg6[%add3A_1187] : memref<1024xi32, #tpu.memory_space<vmem>>[vector<16xi32>], vector<16xi32>,
      %eq3A_1189 = arith.constant 1 : i32
      %eq3A_1190 = vector.broadcast %eq3A_1189 : i32 to vector<16xi32>
      %eq3A_1191 = arith.cmpi eq, %gather3A_1188, %eq3A_1190 : vector<16xi32>
      %and3A_1192 = arith.andi %eq3A_1191, %lt3A_14 : vector<16xi1>
      %jit3A_1193 = arith.constant 1.000000e+00 : f32
      %jit3A_1194 = arith.constant 0.000000e+00 : f32
      %broadcast_in_dim3A_1195 = vector.broadcast %jit3A_1193 : f32 to vector<16xf32>
      %broadcast_in_dim3A_1196 = vector.broadcast %jit3A_1194 : f32 to vector<16xf32>
      %select_n3A_1197 = arith.select %and3A_1192, %broadcast_in_dim3A_1195, %broadcast_in_dim3A_1196 : vector<16xi1>, vector<16xf32>
      %max3A_1198 = arith.constant 0 : i32
      %max3A_1199 = vector.broadcast %max3A_1198 : i32 to vector<16xi32>
      %max3A_1200 = arith.maxsi %gather3A_1184, %max3A_1199 : vector<16xi32>
      %min3A_1201 = arith.constant 16383 : i32
      %min3A_1202 = vector.broadcast %min3A_1201 : i32 to vector<16xi32>
      %min3A_1203 = arith.minsi %max3A_1200, %min3A_1202 : vector<16xi32>
      %gather3A_1204 = tpu.vector_load_idx %arg5[%min3A_1203] : memref<16384xf32, #tpu.memory_space<vmem>>[vector<16xi32>], vector<16xf32>,
      %swap3A_1205 = arith.constant 15 : i32
      %swap3A_1206 = arith.index_cast %swap3A_1205 : i32 to index
      %swap3A_1207 = arith.constant 16 : index
      %swap3A_1208 = tpu.vector_load %arg7[%swap3A_1206, %swap3A_1207] {strides = array<i32>} : memref<17x32xf32, #tpu.memory_space<vmem>>, vector<16xf32>,
      tpu.vector_store %arg7[%swap3A_1206, %swap3A_1207], %gather3A_1204 {strides = array<i32>} : memref<17x32xf32, #tpu.memory_space<vmem>>, vector<16xf32>,
      %swap3A_1209 = arith.constant 15 : i32
      %swap3A_1210 = arith.index_cast %swap3A_1209 : i32 to index
      %swap3A_1211 = arith.constant 16 : index
      %swap3A_1212 = tpu.vector_load %arg8[%swap3A_1210, %swap3A_1211] {strides = array<i32>} : memref<17x32xf32, #tpu.memory_space<vmem>>, vector<16xf32>,
      tpu.vector_store %arg8[%swap3A_1210, %swap3A_1211], %select_n3A_1197 {strides = array<i32>} : memref<17x32xf32, #tpu.memory_space<vmem>>, vector<16xf32>,
      %mul3A_1213 = arith.mulf %gather3A_1204, %select_n3A_1197 : vector<16xf32>
      %add3A_1214 = arith.addf %add3A_1139, %mul3A_1213 : vector<16xf32>
      %add3A_1215 = arith.addf %add3A_1140, %select_n3A_1197 : vector<16xf32>
      %mul3A_1216 = arith.constant 34 : i32
      %mul3A_1217 = vector.broadcast %mul3A_1216 : i32 to vector<16xi32>
      %mul3A_1218 = arith.muli %iota3A, %mul3A_1217 : vector<16xi32>
      %add3A_1219 = arith.constant 32 : i32
      %add3A_1220 = vector.broadcast %add3A_1219 : i32 to vector<16xi32>
      %add3A_1221 = arith.addi %mul3A_1218, %add3A_1220 : vector<16xi32>
      %gather3A_1222 = tpu.vector_load_idx %arg6[%add3A_1221] : memref<1024xi32, #tpu.memory_space<vmem>>[vector<16xi32>], vector<16xi32>,
      %add3A_1223 = arith.constant 1 : i32
      %add3A_1224 = vector.broadcast %add3A_1223 : i32 to vector<16xi32>
      %add3A_1225 = arith.addi %add3A_1221, %add3A_1224 : vector<16xi32>
      %gather3A_1226 = tpu.vector_load_idx %arg6[%add3A_1225] : memref<1024xi32, #tpu.memory_space<vmem>>[vector<16xi32>], vector<16xi32>,
      %eq3A_1227 = arith.constant 1 : i32
      %eq3A_1228 = vector.broadcast %eq3A_1227 : i32 to vector<16xi32>
      %eq3A_1229 = arith.cmpi eq, %gather3A_1226, %eq3A_1228 : vector<16xi32>
      %jit3A_1230 = arith.constant 1.000000e+00 : f32
      %jit3A_1231 = arith.constant 0.000000e+00 : f32
      %broadcast_in_dim3A_1232 = vector.broadcast %jit3A_1230 : f32 to vector<16xf32>
      %broadcast_in_dim3A_1233 = vector.broadcast %jit3A_1231 : f32 to vector<16xf32>
      %select_n3A_1234 = arith.select %eq3A_1229, %broadcast_in_dim3A_1232, %broadcast_in_dim3A_1233 : vector<16xi1>, vector<16xf32>
      %max3A_1235 = arith.constant 0 : i32
      %max3A_1236 = vector.broadcast %max3A_1235 : i32 to vector<16xi32>
      %max3A_1237 = arith.maxsi %gather3A_1222, %max3A_1236 : vector<16xi32>
      %min3A_1238 = arith.constant 16383 : i32
      %min3A_1239 = vector.broadcast %min3A_1238 : i32 to vector<16xi32>
      %min3A_1240 = arith.minsi %max3A_1237, %min3A_1239 : vector<16xi32>
      %gather3A_1241 = tpu.vector_load_idx %arg5[%min3A_1240] : memref<16384xf32, #tpu.memory_space<vmem>>[vector<16xi32>], vector<16xf32>,
      %swap3A_1242 = arith.constant 16 : i32
      %swap3A_1243 = arith.index_cast %swap3A_1242 : i32 to index
      %swap3A_1244 = arith.constant 0 : index
      %swap3A_1245 = tpu.vector_load %arg7[%swap3A_1243, %swap3A_1244] {strides = array<i32>} : memref<17x32xf32, #tpu.memory_space<vmem>>, vector<16xf32>,
      tpu.vector_store %arg7[%swap3A_1243, %swap3A_1244], %gather3A_1241 {strides = array<i32>} : memref<17x32xf32, #tpu.memory_space<vmem>>, vector<16xf32>,
      %swap3A_1246 = arith.constant 16 : i32
      %swap3A_1247 = arith.index_cast %swap3A_1246 : i32 to index
      %swap3A_1248 = arith.constant 0 : index
      %swap3A_1249 = tpu.vector_load %arg8[%swap3A_1247, %swap3A_1248] {strides = array<i32>} : memref<17x32xf32, #tpu.memory_space<vmem>>, vector<16xf32>,
      tpu.vector_store %arg8[%swap3A_1247, %swap3A_1248], %select_n3A_1234 {strides = array<i32>} : memref<17x32xf32, #tpu.memory_space<vmem>>, vector<16xf32>,
      %mul3A_1250 = arith.mulf %gather3A_1241, %select_n3A_1234 : vector<16xf32>
      %add3A_1251 = arith.addf %add3A_1176, %mul3A_1250 : vector<16xf32>
      %add3A_1252 = arith.addf %add3A_1177, %select_n3A_1234 : vector<16xf32>
      %mul3A_1253 = arith.constant 34 : i32
      %mul3A_1254 = vector.broadcast %mul3A_1253 : i32 to vector<16xi32>
      %mul3A_1255 = arith.muli %min3A_11, %mul3A_1254 : vector<16xi32>
      %add3A_1256 = arith.constant 32 : i32
      %add3A_1257 = vector.broadcast %add3A_1256 : i32 to vector<16xi32>
      %add3A_1258 = arith.addi %mul3A_1255, %add3A_1257 : vector<16xi32>
      %gather3A_1259 = tpu.vector_load_idx %arg6[%add3A_1258] : memref<1024xi32, #tpu.memory_space<vmem>>[vector<16xi32>], vector<16xi32>,
      %add3A_1260 = arith.constant 1 : i32
      %add3A_1261 = vector.broadcast %add3A_1260 : i32 to vector<16xi32>
      %add3A_1262 = arith.addi %add3A_1258, %add3A_1261 : vector<16xi32>
      %gather3A_1263 = tpu.vector_load_idx %arg6[%add3A_1262] : memref<1024xi32, #tpu.memory_space<vmem>>[vector<16xi32>], vector<16xi32>,
      %eq3A_1264 = arith.constant 1 : i32
      %eq3A_1265 = vector.broadcast %eq3A_1264 : i32 to vector<16xi32>
      %eq3A_1266 = arith.cmpi eq, %gather3A_1263, %eq3A_1265 : vector<16xi32>
      %and3A_1267 = arith.andi %eq3A_1266, %lt3A_14 : vector<16xi1>
      %jit3A_1268 = arith.constant 1.000000e+00 : f32
      %jit3A_1269 = arith.constant 0.000000e+00 : f32
      %broadcast_in_dim3A_1270 = vector.broadcast %jit3A_1268 : f32 to vector<16xf32>
      %broadcast_in_dim3A_1271 = vector.broadcast %jit3A_1269 : f32 to vector<16xf32>
      %select_n3A_1272 = arith.select %and3A_1267, %broadcast_in_dim3A_1270, %broadcast_in_dim3A_1271 : vector<16xi1>, vector<16xf32>
      %max3A_1273 = arith.constant 0 : i32
      %max3A_1274 = vector.broadcast %max3A_1273 : i32 to vector<16xi32>
      %max3A_1275 = arith.maxsi %gather3A_1259, %max3A_1274 : vector<16xi32>
      %min3A_1276 = arith.constant 16383 : i32
      %min3A_1277 = vector.broadcast %min3A_1276 : i32 to vector<16xi32>
      %min3A_1278 = arith.minsi %max3A_1275, %min3A_1277 : vector<16xi32>
      %gather3A_1279 = tpu.vector_load_idx %arg5[%min3A_1278] : memref<16384xf32, #tpu.memory_space<vmem>>[vector<16xi32>], vector<16xf32>,
      %swap3A_1280 = arith.constant 16 : i32
      %swap3A_1281 = arith.index_cast %swap3A_1280 : i32 to index
      %swap3A_1282 = arith.constant 16 : index
      %swap3A_1283 = tpu.vector_load %arg7[%swap3A_1281, %swap3A_1282] {strides = array<i32>} : memref<17x32xf32, #tpu.memory_space<vmem>>, vector<16xf32>,
      tpu.vector_store %arg7[%swap3A_1281, %swap3A_1282], %gather3A_1279 {strides = array<i32>} : memref<17x32xf32, #tpu.memory_space<vmem>>, vector<16xf32>,
      %swap3A_1284 = arith.constant 16 : i32
      %swap3A_1285 = arith.index_cast %swap3A_1284 : i32 to index
      %swap3A_1286 = arith.constant 16 : index
      %swap3A_1287 = tpu.vector_load %arg8[%swap3A_1285, %swap3A_1286] {strides = array<i32>} : memref<17x32xf32, #tpu.memory_space<vmem>>, vector<16xf32>,
      tpu.vector_store %arg8[%swap3A_1285, %swap3A_1286], %select_n3A_1272 {strides = array<i32>} : memref<17x32xf32, #tpu.memory_space<vmem>>, vector<16xf32>,
      %mul3A_1288 = arith.mulf %gather3A_1279, %select_n3A_1272 : vector<16xf32>
      %add3A_1289 = arith.addf %add3A_1214, %mul3A_1288 : vector<16xf32>
      %add3A_1290 = arith.addf %add3A_1215, %select_n3A_1272 : vector<16xf32>
      %max3A_1291 = arith.constant 1.000000e+00 : f32
      %max3A_1292 = vector.broadcast %max3A_1291 : f32 to vector<16xf32>
      %max3A_1293 = arith.maximumf %add3A_1252, %max3A_1292 : vector<16xf32>
      %gt3A = arith.constant 0.000000e+00 : f32
      %gt3A_1294 = vector.broadcast %gt3A : f32 to vector<16xf32>
      %gt3A_1295 = arith.cmpf ogt, %add3A_1252, %gt3A_1294 : vector<16xf32>
      %jit3A_1296 = arith.constant 1.000000e+00 : f32
      %jit3A_1297 = arith.constant 0.000000e+00 : f32
      %broadcast_in_dim3A_1298 = vector.broadcast %jit3A_1296 : f32 to vector<16xf32>
      %broadcast_in_dim3A_1299 = vector.broadcast %jit3A_1297 : f32 to vector<16xf32>
      %select_n3A_1300 = arith.select %gt3A_1295, %broadcast_in_dim3A_1298, %broadcast_in_dim3A_1299 : vector<16xi1>, vector<16xf32>
      %div3A = arith.divf %add3A_1251, %max3A_1293 : vector<16xf32>
      %mul3A_1301 = arith.mulf %select_n3A_1300, %div3A : vector<16xf32>
      %swap3A_1302 = arith.constant 0 : index
      %swap3A_1303 = tpu.vector_load %arg9[%swap3A_1302] {strides = array<i32>} : memref<32xf32, #tpu.memory_space<vmem>>, vector<16xf32>,
      tpu.vector_store %arg9[%swap3A_1302], %mul3A_1301 {strides = array<i32>} : memref<32xf32, #tpu.memory_space<vmem>>, vector<16xf32>,
      %max3A_1304 = arith.constant 1.000000e+00 : f32
      %max3A_1305 = vector.broadcast %max3A_1304 : f32 to vector<16xf32>
      %max3A_1306 = arith.maximumf %add3A_1290, %max3A_1305 : vector<16xf32>
      %gt3A_1307 = arith.constant 0.000000e+00 : f32
      %gt3A_1308 = vector.broadcast %gt3A_1307 : f32 to vector<16xf32>
      %gt3A_1309 = arith.cmpf ogt, %add3A_1290, %gt3A_1308 : vector<16xf32>
      %jit3A_1310 = arith.constant 1.000000e+00 : f32
      %jit3A_1311 = arith.constant 0.000000e+00 : f32
      %broadcast_in_dim3A_1312 = vector.broadcast %jit3A_1310 : f32 to vector<16xf32>
      %broadcast_in_dim3A_1313 = vector.broadcast %jit3A_1311 : f32 to vector<16xf32>
      %select_n3A_1314 = arith.select %gt3A_1309, %broadcast_in_dim3A_1312, %broadcast_in_dim3A_1313 : vector<16xi1>, vector<16xf32>
      %div3A_1315 = arith.divf %add3A_1289, %max3A_1306 : vector<16xf32>
      %mul3A_1316 = arith.mulf %select_n3A_1314, %div3A_1315 : vector<16xf32>
      %swap3A_1317 = arith.constant 16 : index
      %swap3A_1318 = tpu.vector_load %arg9[%swap3A_1317] {strides = array<i32>} : memref<32xf32, #tpu.memory_space<vmem>>, vector<16xf32>,
      tpu.vector_store %arg9[%swap3A_1317], %mul3A_1316 {strides = array<i32>} : memref<32xf32, #tpu.memory_space<vmem>>, vector<16xf32>,
      %add3A_1319 = arith.addf %select_n3A_1300, %select_n3A_1314 : vector<16xf32>
      %reduce_sum3A = arith.constant true
      %reduce_sum3A_1320 = vector.broadcast %reduce_sum3A : i1 to vector<16xi1>
      %reduce_sum3A_1321 = tpu.scan <sum>, %add3A_1319 masked %reduce_sum3A_1320 : vector<16xf32>, vector<16xi1> -> vector<16xf32>
      %reduce_sum3A_1322 = vector.extract %reduce_sum3A_1321[15] : f32 from vector<16xf32>
      %broadcast_in_dim3A_1323 = vector.broadcast %reduce_sum3A_1322 : f32 to vector<16xf32>
      %convert_element_type3A_1324 = arith.sitofp %iota3A : vector<16xi32> to vector<16xf32>
      %add3A_1325 = arith.constant 16 : i32
      %add3A_1326 = vector.broadcast %add3A_1325 : i32 to vector<16xi32>
      %add3A_1327 = arith.addi %iota3A, %add3A_1326 : vector<16xi32>
      %convert_element_type3A_1328 = arith.sitofp %add3A_1327 : vector<16xi32> to vector<16xf32>
      %lt3A_1329 = arith.cmpf olt, %convert_element_type3A_1324, %broadcast_in_dim3A_1323 : vector<16xf32>
      %jit3A_1330 = arith.constant 1.000000e+00 : f32
      %jit3A_1331 = arith.constant 0.000000e+00 : f32
      %broadcast_in_dim3A_1332 = vector.broadcast %jit3A_1330 : f32 to vector<16xf32>
      %broadcast_in_dim3A_1333 = vector.broadcast %jit3A_1331 : f32 to vector<16xf32>
      %select_n3A_1334 = arith.select %lt3A_1329, %broadcast_in_dim3A_1332, %broadcast_in_dim3A_1333 : vector<16xi1>, vector<16xf32>
      %lt3A_1335 = arith.cmpf olt, %convert_element_type3A_1328, %broadcast_in_dim3A_1323 : vector<16xf32>
      %jit3A_1336 = arith.constant 1.000000e+00 : f32
      %jit3A_1337 = arith.constant 0.000000e+00 : f32
      %broadcast_in_dim3A_1338 = vector.broadcast %jit3A_1336 : f32 to vector<16xf32>
      %broadcast_in_dim3A_1339 = vector.broadcast %jit3A_1337 : f32 to vector<16xf32>
      %select_n3A_1340 = arith.select %lt3A_1335, %broadcast_in_dim3A_1338, %broadcast_in_dim3A_1339 : vector<16xi1>, vector<16xf32>
      %broadcast_in_dim3A_1341 = arith.constant 0.000000e+00 : f32
      %broadcast_in_dim3A_1342 = vector.broadcast %broadcast_in_dim3A_1341 : f32 to vector<16xf32>
      %get3A = arith.constant 0 : i32
      %get3A_1343 = arith.index_cast %get3A : i32 to index
      %get3A_1344 = arith.constant 0 : index
      %get3A_1345 = tpu.vector_load %arg7[%get3A_1343, %get3A_1344] {strides = array<i32>} : memref<17x32xf32, #tpu.memory_space<vmem>>, vector<16xf32>,
      %sub3A = arith.subf %get3A_1345, %mul3A_1301 : vector<16xf32>
      %mul3A_1346 = arith.mulf %sub3A, %sub3A : vector<16xf32>
      %get3A_1347 = arith.constant 0 : i32
      %get3A_1348 = arith.index_cast %get3A_1347 : i32 to index
      %get3A_1349 = arith.constant 0 : index
      %get3A_1350 = tpu.vector_load %arg8[%get3A_1348, %get3A_1349] {strides = array<i32>} : memref<17x32xf32, #tpu.memory_space<vmem>>, vector<16xf32>,
      %mul3A_1351 = arith.mulf %mul3A_1346, %get3A_1350 : vector<16xf32>
      %add3A_1352 = arith.addf %broadcast_in_dim3A_1342, %mul3A_1351 : vector<16xf32>
      %get3A_1353 = arith.constant 1 : i32
      %get3A_1354 = arith.index_cast %get3A_1353 : i32 to index
      %get3A_1355 = arith.constant 0 : index
      %get3A_1356 = tpu.vector_load %arg7[%get3A_1354, %get3A_1355] {strides = array<i32>} : memref<17x32xf32, #tpu.memory_space<vmem>>, vector<16xf32>,
      %sub3A_1357 = arith.subf %get3A_1356, %mul3A_1301 : vector<16xf32>
      %mul3A_1358 = arith.mulf %sub3A_1357, %sub3A_1357 : vector<16xf32>
      %get3A_1359 = arith.constant 1 : i32
      %get3A_1360 = arith.index_cast %get3A_1359 : i32 to index
      %get3A_1361 = arith.constant 0 : index
      %get3A_1362 = tpu.vector_load %arg8[%get3A_1360, %get3A_1361] {strides = array<i32>} : memref<17x32xf32, #tpu.memory_space<vmem>>, vector<16xf32>,
      %mul3A_1363 = arith.mulf %mul3A_1358, %get3A_1362 : vector<16xf32>
      %add3A_1364 = arith.addf %add3A_1352, %mul3A_1363 : vector<16xf32>
      %get3A_1365 = arith.constant 2 : i32
      %get3A_1366 = arith.index_cast %get3A_1365 : i32 to index
      %get3A_1367 = arith.constant 0 : index
      %get3A_1368 = tpu.vector_load %arg7[%get3A_1366, %get3A_1367] {strides = array<i32>} : memref<17x32xf32, #tpu.memory_space<vmem>>, vector<16xf32>,
      %sub3A_1369 = arith.subf %get3A_1368, %mul3A_1301 : vector<16xf32>
      %mul3A_1370 = arith.mulf %sub3A_1369, %sub3A_1369 : vector<16xf32>
      %get3A_1371 = arith.constant 2 : i32
      %get3A_1372 = arith.index_cast %get3A_1371 : i32 to index
      %get3A_1373 = arith.constant 0 : index
      %get3A_1374 = tpu.vector_load %arg8[%get3A_1372, %get3A_1373] {strides = array<i32>} : memref<17x32xf32, #tpu.memory_space<vmem>>, vector<16xf32>,
      %mul3A_1375 = arith.mulf %mul3A_1370, %get3A_1374 : vector<16xf32>
      %add3A_1376 = arith.addf %add3A_1364, %mul3A_1375 : vector<16xf32>
      %get3A_1377 = arith.constant 3 : i32
      %get3A_1378 = arith.index_cast %get3A_1377 : i32 to index
      %get3A_1379 = arith.constant 0 : index
      %get3A_1380 = tpu.vector_load %arg7[%get3A_1378, %get3A_1379] {strides = array<i32>} : memref<17x32xf32, #tpu.memory_space<vmem>>, vector<16xf32>,
      %sub3A_1381 = arith.subf %get3A_1380, %mul3A_1301 : vector<16xf32>
      %mul3A_1382 = arith.mulf %sub3A_1381, %sub3A_1381 : vector<16xf32>
      %get3A_1383 = arith.constant 3 : i32
      %get3A_1384 = arith.index_cast %get3A_1383 : i32 to index
      %get3A_1385 = arith.constant 0 : index
      %get3A_1386 = tpu.vector_load %arg8[%get3A_1384, %get3A_1385] {strides = array<i32>} : memref<17x32xf32, #tpu.memory_space<vmem>>, vector<16xf32>,
      %mul3A_1387 = arith.mulf %mul3A_1382, %get3A_1386 : vector<16xf32>
      %add3A_1388 = arith.addf %add3A_1376, %mul3A_1387 : vector<16xf32>
      %get3A_1389 = arith.constant 4 : i32
      %get3A_1390 = arith.index_cast %get3A_1389 : i32 to index
      %get3A_1391 = arith.constant 0 : index
      %get3A_1392 = tpu.vector_load %arg7[%get3A_1390, %get3A_1391] {strides = array<i32>} : memref<17x32xf32, #tpu.memory_space<vmem>>, vector<16xf32>,
      %sub3A_1393 = arith.subf %get3A_1392, %mul3A_1301 : vector<16xf32>
      %mul3A_1394 = arith.mulf %sub3A_1393, %sub3A_1393 : vector<16xf32>
      %get3A_1395 = arith.constant 4 : i32
      %get3A_1396 = arith.index_cast %get3A_1395 : i32 to index
      %get3A_1397 = arith.constant 0 : index
      %get3A_1398 = tpu.vector_load %arg8[%get3A_1396, %get3A_1397] {strides = array<i32>} : memref<17x32xf32, #tpu.memory_space<vmem>>, vector<16xf32>,
      %mul3A_1399 = arith.mulf %mul3A_1394, %get3A_1398 : vector<16xf32>
      %add3A_1400 = arith.addf %add3A_1388, %mul3A_1399 : vector<16xf32>
      %get3A_1401 = arith.constant 5 : i32
      %get3A_1402 = arith.index_cast %get3A_1401 : i32 to index
      %get3A_1403 = arith.constant 0 : index
      %get3A_1404 = tpu.vector_load %arg7[%get3A_1402, %get3A_1403] {strides = array<i32>} : memref<17x32xf32, #tpu.memory_space<vmem>>, vector<16xf32>,
      %sub3A_1405 = arith.subf %get3A_1404, %mul3A_1301 : vector<16xf32>
      %mul3A_1406 = arith.mulf %sub3A_1405, %sub3A_1405 : vector<16xf32>
      %get3A_1407 = arith.constant 5 : i32
      %get3A_1408 = arith.index_cast %get3A_1407 : i32 to index
      %get3A_1409 = arith.constant 0 : index
      %get3A_1410 = tpu.vector_load %arg8[%get3A_1408, %get3A_1409] {strides = array<i32>} : memref<17x32xf32, #tpu.memory_space<vmem>>, vector<16xf32>,
      %mul3A_1411 = arith.mulf %mul3A_1406, %get3A_1410 : vector<16xf32>
      %add3A_1412 = arith.addf %add3A_1400, %mul3A_1411 : vector<16xf32>
      %get3A_1413 = arith.constant 6 : i32
      %get3A_1414 = arith.index_cast %get3A_1413 : i32 to index
      %get3A_1415 = arith.constant 0 : index
      %get3A_1416 = tpu.vector_load %arg7[%get3A_1414, %get3A_1415] {strides = array<i32>} : memref<17x32xf32, #tpu.memory_space<vmem>>, vector<16xf32>,
      %sub3A_1417 = arith.subf %get3A_1416, %mul3A_1301 : vector<16xf32>
      %mul3A_1418 = arith.mulf %sub3A_1417, %sub3A_1417 : vector<16xf32>
      %get3A_1419 = arith.constant 6 : i32
      %get3A_1420 = arith.index_cast %get3A_1419 : i32 to index
      %get3A_1421 = arith.constant 0 : index
      %get3A_1422 = tpu.vector_load %arg8[%get3A_1420, %get3A_1421] {strides = array<i32>} : memref<17x32xf32, #tpu.memory_space<vmem>>, vector<16xf32>,
      %mul3A_1423 = arith.mulf %mul3A_1418, %get3A_1422 : vector<16xf32>
      %add3A_1424 = arith.addf %add3A_1412, %mul3A_1423 : vector<16xf32>
      %get3A_1425 = arith.constant 7 : i32
      %get3A_1426 = arith.index_cast %get3A_1425 : i32 to index
      %get3A_1427 = arith.constant 0 : index
      %get3A_1428 = tpu.vector_load %arg7[%get3A_1426, %get3A_1427] {strides = array<i32>} : memref<17x32xf32, #tpu.memory_space<vmem>>, vector<16xf32>,
      %sub3A_1429 = arith.subf %get3A_1428, %mul3A_1301 : vector<16xf32>
      %mul3A_1430 = arith.mulf %sub3A_1429, %sub3A_1429 : vector<16xf32>
      %get3A_1431 = arith.constant 7 : i32
      %get3A_1432 = arith.index_cast %get3A_1431 : i32 to index
      %get3A_1433 = arith.constant 0 : index
      %get3A_1434 = tpu.vector_load %arg8[%get3A_1432, %get3A_1433] {strides = array<i32>} : memref<17x32xf32, #tpu.memory_space<vmem>>, vector<16xf32>,
      %mul3A_1435 = arith.mulf %mul3A_1430, %get3A_1434 : vector<16xf32>
      %add3A_1436 = arith.addf %add3A_1424, %mul3A_1435 : vector<16xf32>
      %get3A_1437 = arith.constant 8 : i32
      %get3A_1438 = arith.index_cast %get3A_1437 : i32 to index
      %get3A_1439 = arith.constant 0 : index
      %get3A_1440 = tpu.vector_load %arg7[%get3A_1438, %get3A_1439] {strides = array<i32>} : memref<17x32xf32, #tpu.memory_space<vmem>>, vector<16xf32>,
      %sub3A_1441 = arith.subf %get3A_1440, %mul3A_1301 : vector<16xf32>
      %mul3A_1442 = arith.mulf %sub3A_1441, %sub3A_1441 : vector<16xf32>
      %get3A_1443 = arith.constant 8 : i32
      %get3A_1444 = arith.index_cast %get3A_1443 : i32 to index
      %get3A_1445 = arith.constant 0 : index
      %get3A_1446 = tpu.vector_load %arg8[%get3A_1444, %get3A_1445] {strides = array<i32>} : memref<17x32xf32, #tpu.memory_space<vmem>>, vector<16xf32>,
      %mul3A_1447 = arith.mulf %mul3A_1442, %get3A_1446 : vector<16xf32>
      %add3A_1448 = arith.addf %add3A_1436, %mul3A_1447 : vector<16xf32>
      %get3A_1449 = arith.constant 9 : i32
      %get3A_1450 = arith.index_cast %get3A_1449 : i32 to index
      %get3A_1451 = arith.constant 0 : index
      %get3A_1452 = tpu.vector_load %arg7[%get3A_1450, %get3A_1451] {strides = array<i32>} : memref<17x32xf32, #tpu.memory_space<vmem>>, vector<16xf32>,
      %sub3A_1453 = arith.subf %get3A_1452, %mul3A_1301 : vector<16xf32>
      %mul3A_1454 = arith.mulf %sub3A_1453, %sub3A_1453 : vector<16xf32>
      %get3A_1455 = arith.constant 9 : i32
      %get3A_1456 = arith.index_cast %get3A_1455 : i32 to index
      %get3A_1457 = arith.constant 0 : index
      %get3A_1458 = tpu.vector_load %arg8[%get3A_1456, %get3A_1457] {strides = array<i32>} : memref<17x32xf32, #tpu.memory_space<vmem>>, vector<16xf32>,
      %mul3A_1459 = arith.mulf %mul3A_1454, %get3A_1458 : vector<16xf32>
      %add3A_1460 = arith.addf %add3A_1448, %mul3A_1459 : vector<16xf32>
      %get3A_1461 = arith.constant 10 : i32
      %get3A_1462 = arith.index_cast %get3A_1461 : i32 to index
      %get3A_1463 = arith.constant 0 : index
      %get3A_1464 = tpu.vector_load %arg7[%get3A_1462, %get3A_1463] {strides = array<i32>} : memref<17x32xf32, #tpu.memory_space<vmem>>, vector<16xf32>,
      %sub3A_1465 = arith.subf %get3A_1464, %mul3A_1301 : vector<16xf32>
      %mul3A_1466 = arith.mulf %sub3A_1465, %sub3A_1465 : vector<16xf32>
      %get3A_1467 = arith.constant 10 : i32
      %get3A_1468 = arith.index_cast %get3A_1467 : i32 to index
      %get3A_1469 = arith.constant 0 : index
      %get3A_1470 = tpu.vector_load %arg8[%get3A_1468, %get3A_1469] {strides = array<i32>} : memref<17x32xf32, #tpu.memory_space<vmem>>, vector<16xf32>,
      %mul3A_1471 = arith.mulf %mul3A_1466, %get3A_1470 : vector<16xf32>
      %add3A_1472 = arith.addf %add3A_1460, %mul3A_1471 : vector<16xf32>
      %get3A_1473 = arith.constant 11 : i32
      %get3A_1474 = arith.index_cast %get3A_1473 : i32 to index
      %get3A_1475 = arith.constant 0 : index
      %get3A_1476 = tpu.vector_load %arg7[%get3A_1474, %get3A_1475] {strides = array<i32>} : memref<17x32xf32, #tpu.memory_space<vmem>>, vector<16xf32>,
      %sub3A_1477 = arith.subf %get3A_1476, %mul3A_1301 : vector<16xf32>
      %mul3A_1478 = arith.mulf %sub3A_1477, %sub3A_1477 : vector<16xf32>
      %get3A_1479 = arith.constant 11 : i32
      %get3A_1480 = arith.index_cast %get3A_1479 : i32 to index
      %get3A_1481 = arith.constant 0 : index
      %get3A_1482 = tpu.vector_load %arg8[%get3A_1480, %get3A_1481] {strides = array<i32>} : memref<17x32xf32, #tpu.memory_space<vmem>>, vector<16xf32>,
      %mul3A_1483 = arith.mulf %mul3A_1478, %get3A_1482 : vector<16xf32>
      %add3A_1484 = arith.addf %add3A_1472, %mul3A_1483 : vector<16xf32>
      %get3A_1485 = arith.constant 12 : i32
      %get3A_1486 = arith.index_cast %get3A_1485 : i32 to index
      %get3A_1487 = arith.constant 0 : index
      %get3A_1488 = tpu.vector_load %arg7[%get3A_1486, %get3A_1487] {strides = array<i32>} : memref<17x32xf32, #tpu.memory_space<vmem>>, vector<16xf32>,
      %sub3A_1489 = arith.subf %get3A_1488, %mul3A_1301 : vector<16xf32>
      %mul3A_1490 = arith.mulf %sub3A_1489, %sub3A_1489 : vector<16xf32>
      %get3A_1491 = arith.constant 12 : i32
      %get3A_1492 = arith.index_cast %get3A_1491 : i32 to index
      %get3A_1493 = arith.constant 0 : index
      %get3A_1494 = tpu.vector_load %arg8[%get3A_1492, %get3A_1493] {strides = array<i32>} : memref<17x32xf32, #tpu.memory_space<vmem>>, vector<16xf32>,
      %mul3A_1495 = arith.mulf %mul3A_1490, %get3A_1494 : vector<16xf32>
      %add3A_1496 = arith.addf %add3A_1484, %mul3A_1495 : vector<16xf32>
      %get3A_1497 = arith.constant 13 : i32
      %get3A_1498 = arith.index_cast %get3A_1497 : i32 to index
      %get3A_1499 = arith.constant 0 : index
      %get3A_1500 = tpu.vector_load %arg7[%get3A_1498, %get3A_1499] {strides = array<i32>} : memref<17x32xf32, #tpu.memory_space<vmem>>, vector<16xf32>,
      %sub3A_1501 = arith.subf %get3A_1500, %mul3A_1301 : vector<16xf32>
      %mul3A_1502 = arith.mulf %sub3A_1501, %sub3A_1501 : vector<16xf32>
      %get3A_1503 = arith.constant 13 : i32
      %get3A_1504 = arith.index_cast %get3A_1503 : i32 to index
      %get3A_1505 = arith.constant 0 : index
      %get3A_1506 = tpu.vector_load %arg8[%get3A_1504, %get3A_1505] {strides = array<i32>} : memref<17x32xf32, #tpu.memory_space<vmem>>, vector<16xf32>,
      %mul3A_1507 = arith.mulf %mul3A_1502, %get3A_1506 : vector<16xf32>
      %add3A_1508 = arith.addf %add3A_1496, %mul3A_1507 : vector<16xf32>
      %get3A_1509 = arith.constant 14 : i32
      %get3A_1510 = arith.index_cast %get3A_1509 : i32 to index
      %get3A_1511 = arith.constant 0 : index
      %get3A_1512 = tpu.vector_load %arg7[%get3A_1510, %get3A_1511] {strides = array<i32>} : memref<17x32xf32, #tpu.memory_space<vmem>>, vector<16xf32>,
      %sub3A_1513 = arith.subf %get3A_1512, %mul3A_1301 : vector<16xf32>
      %mul3A_1514 = arith.mulf %sub3A_1513, %sub3A_1513 : vector<16xf32>
      %get3A_1515 = arith.constant 14 : i32
      %get3A_1516 = arith.index_cast %get3A_1515 : i32 to index
      %get3A_1517 = arith.constant 0 : index
      %get3A_1518 = tpu.vector_load %arg8[%get3A_1516, %get3A_1517] {strides = array<i32>} : memref<17x32xf32, #tpu.memory_space<vmem>>, vector<16xf32>,
      %mul3A_1519 = arith.mulf %mul3A_1514, %get3A_1518 : vector<16xf32>
      %add3A_1520 = arith.addf %add3A_1508, %mul3A_1519 : vector<16xf32>
      %get3A_1521 = arith.constant 15 : i32
      %get3A_1522 = arith.index_cast %get3A_1521 : i32 to index
      %get3A_1523 = arith.constant 0 : index
      %get3A_1524 = tpu.vector_load %arg7[%get3A_1522, %get3A_1523] {strides = array<i32>} : memref<17x32xf32, #tpu.memory_space<vmem>>, vector<16xf32>,
      %sub3A_1525 = arith.subf %get3A_1524, %mul3A_1301 : vector<16xf32>
      %mul3A_1526 = arith.mulf %sub3A_1525, %sub3A_1525 : vector<16xf32>
      %get3A_1527 = arith.constant 15 : i32
      %get3A_1528 = arith.index_cast %get3A_1527 : i32 to index
      %get3A_1529 = arith.constant 0 : index
      %get3A_1530 = tpu.vector_load %arg8[%get3A_1528, %get3A_1529] {strides = array<i32>} : memref<17x32xf32, #tpu.memory_space<vmem>>, vector<16xf32>,
      %mul3A_1531 = arith.mulf %mul3A_1526, %get3A_1530 : vector<16xf32>
      %add3A_1532 = arith.addf %add3A_1520, %mul3A_1531 : vector<16xf32>
      %get3A_1533 = arith.constant 16 : i32
      %get3A_1534 = arith.index_cast %get3A_1533 : i32 to index
      %get3A_1535 = arith.constant 0 : index
      %get3A_1536 = tpu.vector_load %arg7[%get3A_1534, %get3A_1535] {strides = array<i32>} : memref<17x32xf32, #tpu.memory_space<vmem>>, vector<16xf32>,
      %sub3A_1537 = arith.subf %get3A_1536, %mul3A_1301 : vector<16xf32>
      %mul3A_1538 = arith.mulf %sub3A_1537, %sub3A_1537 : vector<16xf32>
      %get3A_1539 = arith.constant 16 : i32
      %get3A_1540 = arith.index_cast %get3A_1539 : i32 to index
      %get3A_1541 = arith.constant 0 : index
      %get3A_1542 = tpu.vector_load %arg8[%get3A_1540, %get3A_1541] {strides = array<i32>} : memref<17x32xf32, #tpu.memory_space<vmem>>, vector<16xf32>,
      %mul3A_1543 = arith.mulf %mul3A_1538, %get3A_1542 : vector<16xf32>
      %add3A_1544 = arith.addf %add3A_1532, %mul3A_1543 : vector<16xf32>
      %div3A_1545 = arith.divf %add3A_1544, %max3A_1293 : vector<16xf32>
      %mul3A_1546 = arith.mulf %select_n3A_1300, %div3A_1545 : vector<16xf32>
      %broadcast_in_dim3A_1547 = arith.constant 0.000000e+00 : f32
      %broadcast_in_dim3A_1548 = vector.broadcast %broadcast_in_dim3A_1547 : f32 to vector<16xf32>
      %get3A_1549 = arith.constant 0 : i32
      %get3A_1550 = arith.index_cast %get3A_1549 : i32 to index
      %get3A_1551 = arith.constant 16 : index
      %get3A_1552 = tpu.vector_load %arg7[%get3A_1550, %get3A_1551] {strides = array<i32>} : memref<17x32xf32, #tpu.memory_space<vmem>>, vector<16xf32>,
      %sub3A_1553 = arith.subf %get3A_1552, %mul3A_1316 : vector<16xf32>
      %mul3A_1554 = arith.mulf %sub3A_1553, %sub3A_1553 : vector<16xf32>
      %get3A_1555 = arith.constant 0 : i32
      %get3A_1556 = arith.index_cast %get3A_1555 : i32 to index
      %get3A_1557 = arith.constant 16 : index
      %get3A_1558 = tpu.vector_load %arg8[%get3A_1556, %get3A_1557] {strides = array<i32>} : memref<17x32xf32, #tpu.memory_space<vmem>>, vector<16xf32>,
      %mul3A_1559 = arith.mulf %mul3A_1554, %get3A_1558 : vector<16xf32>
      %add3A_1560 = arith.addf %broadcast_in_dim3A_1548, %mul3A_1559 : vector<16xf32>
      %get3A_1561 = arith.constant 1 : i32
      %get3A_1562 = arith.index_cast %get3A_1561 : i32 to index
      %get3A_1563 = arith.constant 16 : index
      %get3A_1564 = tpu.vector_load %arg7[%get3A_1562, %get3A_1563] {strides = array<i32>} : memref<17x32xf32, #tpu.memory_space<vmem>>, vector<16xf32>,
      %sub3A_1565 = arith.subf %get3A_1564, %mul3A_1316 : vector<16xf32>
      %mul3A_1566 = arith.mulf %sub3A_1565, %sub3A_1565 : vector<16xf32>
      %get3A_1567 = arith.constant 1 : i32
      %get3A_1568 = arith.index_cast %get3A_1567 : i32 to index
      %get3A_1569 = arith.constant 16 : index
      %get3A_1570 = tpu.vector_load %arg8[%get3A_1568, %get3A_1569] {strides = array<i32>} : memref<17x32xf32, #tpu.memory_space<vmem>>, vector<16xf32>,
      %mul3A_1571 = arith.mulf %mul3A_1566, %get3A_1570 : vector<16xf32>
      %add3A_1572 = arith.addf %add3A_1560, %mul3A_1571 : vector<16xf32>
      %get3A_1573 = arith.constant 2 : i32
      %get3A_1574 = arith.index_cast %get3A_1573 : i32 to index
      %get3A_1575 = arith.constant 16 : index
      %get3A_1576 = tpu.vector_load %arg7[%get3A_1574, %get3A_1575] {strides = array<i32>} : memref<17x32xf32, #tpu.memory_space<vmem>>, vector<16xf32>,
      %sub3A_1577 = arith.subf %get3A_1576, %mul3A_1316 : vector<16xf32>
      %mul3A_1578 = arith.mulf %sub3A_1577, %sub3A_1577 : vector<16xf32>
      %get3A_1579 = arith.constant 2 : i32
      %get3A_1580 = arith.index_cast %get3A_1579 : i32 to index
      %get3A_1581 = arith.constant 16 : index
      %get3A_1582 = tpu.vector_load %arg8[%get3A_1580, %get3A_1581] {strides = array<i32>} : memref<17x32xf32, #tpu.memory_space<vmem>>, vector<16xf32>,
      %mul3A_1583 = arith.mulf %mul3A_1578, %get3A_1582 : vector<16xf32>
      %add3A_1584 = arith.addf %add3A_1572, %mul3A_1583 : vector<16xf32>
      %get3A_1585 = arith.constant 3 : i32
      %get3A_1586 = arith.index_cast %get3A_1585 : i32 to index
      %get3A_1587 = arith.constant 16 : index
      %get3A_1588 = tpu.vector_load %arg7[%get3A_1586, %get3A_1587] {strides = array<i32>} : memref<17x32xf32, #tpu.memory_space<vmem>>, vector<16xf32>,
      %sub3A_1589 = arith.subf %get3A_1588, %mul3A_1316 : vector<16xf32>
      %mul3A_1590 = arith.mulf %sub3A_1589, %sub3A_1589 : vector<16xf32>
      %get3A_1591 = arith.constant 3 : i32
      %get3A_1592 = arith.index_cast %get3A_1591 : i32 to index
      %get3A_1593 = arith.constant 16 : index
      %get3A_1594 = tpu.vector_load %arg8[%get3A_1592, %get3A_1593] {strides = array<i32>} : memref<17x32xf32, #tpu.memory_space<vmem>>, vector<16xf32>,
      %mul3A_1595 = arith.mulf %mul3A_1590, %get3A_1594 : vector<16xf32>
      %add3A_1596 = arith.addf %add3A_1584, %mul3A_1595 : vector<16xf32>
      %get3A_1597 = arith.constant 4 : i32
      %get3A_1598 = arith.index_cast %get3A_1597 : i32 to index
      %get3A_1599 = arith.constant 16 : index
      %get3A_1600 = tpu.vector_load %arg7[%get3A_1598, %get3A_1599] {strides = array<i32>} : memref<17x32xf32, #tpu.memory_space<vmem>>, vector<16xf32>,
      %sub3A_1601 = arith.subf %get3A_1600, %mul3A_1316 : vector<16xf32>
      %mul3A_1602 = arith.mulf %sub3A_1601, %sub3A_1601 : vector<16xf32>
      %get3A_1603 = arith.constant 4 : i32
      %get3A_1604 = arith.index_cast %get3A_1603 : i32 to index
      %get3A_1605 = arith.constant 16 : index
      %get3A_1606 = tpu.vector_load %arg8[%get3A_1604, %get3A_1605] {strides = array<i32>} : memref<17x32xf32, #tpu.memory_space<vmem>>, vector<16xf32>,
      %mul3A_1607 = arith.mulf %mul3A_1602, %get3A_1606 : vector<16xf32>
      %add3A_1608 = arith.addf %add3A_1596, %mul3A_1607 : vector<16xf32>
      %get3A_1609 = arith.constant 5 : i32
      %get3A_1610 = arith.index_cast %get3A_1609 : i32 to index
      %get3A_1611 = arith.constant 16 : index
      %get3A_1612 = tpu.vector_load %arg7[%get3A_1610, %get3A_1611] {strides = array<i32>} : memref<17x32xf32, #tpu.memory_space<vmem>>, vector<16xf32>,
      %sub3A_1613 = arith.subf %get3A_1612, %mul3A_1316 : vector<16xf32>
      %mul3A_1614 = arith.mulf %sub3A_1613, %sub3A_1613 : vector<16xf32>
      %get3A_1615 = arith.constant 5 : i32
      %get3A_1616 = arith.index_cast %get3A_1615 : i32 to index
      %get3A_1617 = arith.constant 16 : index
      %get3A_1618 = tpu.vector_load %arg8[%get3A_1616, %get3A_1617] {strides = array<i32>} : memref<17x32xf32, #tpu.memory_space<vmem>>, vector<16xf32>,
      %mul3A_1619 = arith.mulf %mul3A_1614, %get3A_1618 : vector<16xf32>
      %add3A_1620 = arith.addf %add3A_1608, %mul3A_1619 : vector<16xf32>
      %get3A_1621 = arith.constant 6 : i32
      %get3A_1622 = arith.index_cast %get3A_1621 : i32 to index
      %get3A_1623 = arith.constant 16 : index
      %get3A_1624 = tpu.vector_load %arg7[%get3A_1622, %get3A_1623] {strides = array<i32>} : memref<17x32xf32, #tpu.memory_space<vmem>>, vector<16xf32>,
      %sub3A_1625 = arith.subf %get3A_1624, %mul3A_1316 : vector<16xf32>
      %mul3A_1626 = arith.mulf %sub3A_1625, %sub3A_1625 : vector<16xf32>
      %get3A_1627 = arith.constant 6 : i32
      %get3A_1628 = arith.index_cast %get3A_1627 : i32 to index
      %get3A_1629 = arith.constant 16 : index
      %get3A_1630 = tpu.vector_load %arg8[%get3A_1628, %get3A_1629] {strides = array<i32>} : memref<17x32xf32, #tpu.memory_space<vmem>>, vector<16xf32>,
      %mul3A_1631 = arith.mulf %mul3A_1626, %get3A_1630 : vector<16xf32>
      %add3A_1632 = arith.addf %add3A_1620, %mul3A_1631 : vector<16xf32>
      %get3A_1633 = arith.constant 7 : i32
      %get3A_1634 = arith.index_cast %get3A_1633 : i32 to index
      %get3A_1635 = arith.constant 16 : index
      %get3A_1636 = tpu.vector_load %arg7[%get3A_1634, %get3A_1635] {strides = array<i32>} : memref<17x32xf32, #tpu.memory_space<vmem>>, vector<16xf32>,
      %sub3A_1637 = arith.subf %get3A_1636, %mul3A_1316 : vector<16xf32>
      %mul3A_1638 = arith.mulf %sub3A_1637, %sub3A_1637 : vector<16xf32>
      %get3A_1639 = arith.constant 7 : i32
      %get3A_1640 = arith.index_cast %get3A_1639 : i32 to index
      %get3A_1641 = arith.constant 16 : index
      %get3A_1642 = tpu.vector_load %arg8[%get3A_1640, %get3A_1641] {strides = array<i32>} : memref<17x32xf32, #tpu.memory_space<vmem>>, vector<16xf32>,
      %mul3A_1643 = arith.mulf %mul3A_1638, %get3A_1642 : vector<16xf32>
      %add3A_1644 = arith.addf %add3A_1632, %mul3A_1643 : vector<16xf32>
      %get3A_1645 = arith.constant 8 : i32
      %get3A_1646 = arith.index_cast %get3A_1645 : i32 to index
      %get3A_1647 = arith.constant 16 : index
      %get3A_1648 = tpu.vector_load %arg7[%get3A_1646, %get3A_1647] {strides = array<i32>} : memref<17x32xf32, #tpu.memory_space<vmem>>, vector<16xf32>,
      %sub3A_1649 = arith.subf %get3A_1648, %mul3A_1316 : vector<16xf32>
      %mul3A_1650 = arith.mulf %sub3A_1649, %sub3A_1649 : vector<16xf32>
      %get3A_1651 = arith.constant 8 : i32
      %get3A_1652 = arith.index_cast %get3A_1651 : i32 to index
      %get3A_1653 = arith.constant 16 : index
      %get3A_1654 = tpu.vector_load %arg8[%get3A_1652, %get3A_1653] {strides = array<i32>} : memref<17x32xf32, #tpu.memory_space<vmem>>, vector<16xf32>,
      %mul3A_1655 = arith.mulf %mul3A_1650, %get3A_1654 : vector<16xf32>
      %add3A_1656 = arith.addf %add3A_1644, %mul3A_1655 : vector<16xf32>
      %get3A_1657 = arith.constant 9 : i32
      %get3A_1658 = arith.index_cast %get3A_1657 : i32 to index
      %get3A_1659 = arith.constant 16 : index
      %get3A_1660 = tpu.vector_load %arg7[%get3A_1658, %get3A_1659] {strides = array<i32>} : memref<17x32xf32, #tpu.memory_space<vmem>>, vector<16xf32>,
      %sub3A_1661 = arith.subf %get3A_1660, %mul3A_1316 : vector<16xf32>
      %mul3A_1662 = arith.mulf %sub3A_1661, %sub3A_1661 : vector<16xf32>
      %get3A_1663 = arith.constant 9 : i32
      %get3A_1664 = arith.index_cast %get3A_1663 : i32 to index
      %get3A_1665 = arith.constant 16 : index
      %get3A_1666 = tpu.vector_load %arg8[%get3A_1664, %get3A_1665] {strides = array<i32>} : memref<17x32xf32, #tpu.memory_space<vmem>>, vector<16xf32>,
      %mul3A_1667 = arith.mulf %mul3A_1662, %get3A_1666 : vector<16xf32>
      %add3A_1668 = arith.addf %add3A_1656, %mul3A_1667 : vector<16xf32>
      %get3A_1669 = arith.constant 10 : i32
      %get3A_1670 = arith.index_cast %get3A_1669 : i32 to index
      %get3A_1671 = arith.constant 16 : index
      %get3A_1672 = tpu.vector_load %arg7[%get3A_1670, %get3A_1671] {strides = array<i32>} : memref<17x32xf32, #tpu.memory_space<vmem>>, vector<16xf32>,
      %sub3A_1673 = arith.subf %get3A_1672, %mul3A_1316 : vector<16xf32>
      %mul3A_1674 = arith.mulf %sub3A_1673, %sub3A_1673 : vector<16xf32>
      %get3A_1675 = arith.constant 10 : i32
      %get3A_1676 = arith.index_cast %get3A_1675 : i32 to index
      %get3A_1677 = arith.constant 16 : index
      %get3A_1678 = tpu.vector_load %arg8[%get3A_1676, %get3A_1677] {strides = array<i32>} : memref<17x32xf32, #tpu.memory_space<vmem>>, vector<16xf32>,
      %mul3A_1679 = arith.mulf %mul3A_1674, %get3A_1678 : vector<16xf32>
      %add3A_1680 = arith.addf %add3A_1668, %mul3A_1679 : vector<16xf32>
      %get3A_1681 = arith.constant 11 : i32
      %get3A_1682 = arith.index_cast %get3A_1681 : i32 to index
      %get3A_1683 = arith.constant 16 : index
      %get3A_1684 = tpu.vector_load %arg7[%get3A_1682, %get3A_1683] {strides = array<i32>} : memref<17x32xf32, #tpu.memory_space<vmem>>, vector<16xf32>,
      %sub3A_1685 = arith.subf %get3A_1684, %mul3A_1316 : vector<16xf32>
      %mul3A_1686 = arith.mulf %sub3A_1685, %sub3A_1685 : vector<16xf32>
      %get3A_1687 = arith.constant 11 : i32
      %get3A_1688 = arith.index_cast %get3A_1687 : i32 to index
      %get3A_1689 = arith.constant 16 : index
      %get3A_1690 = tpu.vector_load %arg8[%get3A_1688, %get3A_1689] {strides = array<i32>} : memref<17x32xf32, #tpu.memory_space<vmem>>, vector<16xf32>,
      %mul3A_1691 = arith.mulf %mul3A_1686, %get3A_1690 : vector<16xf32>
      %add3A_1692 = arith.addf %add3A_1680, %mul3A_1691 : vector<16xf32>
      %get3A_1693 = arith.constant 12 : i32
      %get3A_1694 = arith.index_cast %get3A_1693 : i32 to index
      %get3A_1695 = arith.constant 16 : index
      %get3A_1696 = tpu.vector_load %arg7[%get3A_1694, %get3A_1695] {strides = array<i32>} : memref<17x32xf32, #tpu.memory_space<vmem>>, vector<16xf32>,
      %sub3A_1697 = arith.subf %get3A_1696, %mul3A_1316 : vector<16xf32>
      %mul3A_1698 = arith.mulf %sub3A_1697, %sub3A_1697 : vector<16xf32>
      %get3A_1699 = arith.constant 12 : i32
      %get3A_1700 = arith.index_cast %get3A_1699 : i32 to index
      %get3A_1701 = arith.constant 16 : index
      %get3A_1702 = tpu.vector_load %arg8[%get3A_1700, %get3A_1701] {strides = array<i32>} : memref<17x32xf32, #tpu.memory_space<vmem>>, vector<16xf32>,
      %mul3A_1703 = arith.mulf %mul3A_1698, %get3A_1702 : vector<16xf32>
      %add3A_1704 = arith.addf %add3A_1692, %mul3A_1703 : vector<16xf32>
      %get3A_1705 = arith.constant 13 : i32
      %get3A_1706 = arith.index_cast %get3A_1705 : i32 to index
      %get3A_1707 = arith.constant 16 : index
      %get3A_1708 = tpu.vector_load %arg7[%get3A_1706, %get3A_1707] {strides = array<i32>} : memref<17x32xf32, #tpu.memory_space<vmem>>, vector<16xf32>,
      %sub3A_1709 = arith.subf %get3A_1708, %mul3A_1316 : vector<16xf32>
      %mul3A_1710 = arith.mulf %sub3A_1709, %sub3A_1709 : vector<16xf32>
      %get3A_1711 = arith.constant 13 : i32
      %get3A_1712 = arith.index_cast %get3A_1711 : i32 to index
      %get3A_1713 = arith.constant 16 : index
      %get3A_1714 = tpu.vector_load %arg8[%get3A_1712, %get3A_1713] {strides = array<i32>} : memref<17x32xf32, #tpu.memory_space<vmem>>, vector<16xf32>,
      %mul3A_1715 = arith.mulf %mul3A_1710, %get3A_1714 : vector<16xf32>
      %add3A_1716 = arith.addf %add3A_1704, %mul3A_1715 : vector<16xf32>
      %get3A_1717 = arith.constant 14 : i32
      %get3A_1718 = arith.index_cast %get3A_1717 : i32 to index
      %get3A_1719 = arith.constant 16 : index
      %get3A_1720 = tpu.vector_load %arg7[%get3A_1718, %get3A_1719] {strides = array<i32>} : memref<17x32xf32, #tpu.memory_space<vmem>>, vector<16xf32>,
      %sub3A_1721 = arith.subf %get3A_1720, %mul3A_1316 : vector<16xf32>
      %mul3A_1722 = arith.mulf %sub3A_1721, %sub3A_1721 : vector<16xf32>
      %get3A_1723 = arith.constant 14 : i32
      %get3A_1724 = arith.index_cast %get3A_1723 : i32 to index
      %get3A_1725 = arith.constant 16 : index
      %get3A_1726 = tpu.vector_load %arg8[%get3A_1724, %get3A_1725] {strides = array<i32>} : memref<17x32xf32, #tpu.memory_space<vmem>>, vector<16xf32>,
      %mul3A_1727 = arith.mulf %mul3A_1722, %get3A_1726 : vector<16xf32>
      %add3A_1728 = arith.addf %add3A_1716, %mul3A_1727 : vector<16xf32>
      %get3A_1729 = arith.constant 15 : i32
      %get3A_1730 = arith.index_cast %get3A_1729 : i32 to index
      %get3A_1731 = arith.constant 16 : index
      %get3A_1732 = tpu.vector_load %arg7[%get3A_1730, %get3A_1731] {strides = array<i32>} : memref<17x32xf32, #tpu.memory_space<vmem>>, vector<16xf32>,
      %sub3A_1733 = arith.subf %get3A_1732, %mul3A_1316 : vector<16xf32>
      %mul3A_1734 = arith.mulf %sub3A_1733, %sub3A_1733 : vector<16xf32>
      %get3A_1735 = arith.constant 15 : i32
      %get3A_1736 = arith.index_cast %get3A_1735 : i32 to index
      %get3A_1737 = arith.constant 16 : index
      %get3A_1738 = tpu.vector_load %arg8[%get3A_1736, %get3A_1737] {strides = array<i32>} : memref<17x32xf32, #tpu.memory_space<vmem>>, vector<16xf32>,
      %mul3A_1739 = arith.mulf %mul3A_1734, %get3A_1738 : vector<16xf32>
      %add3A_1740 = arith.addf %add3A_1728, %mul3A_1739 : vector<16xf32>
      %get3A_1741 = arith.constant 16 : i32
      %get3A_1742 = arith.index_cast %get3A_1741 : i32 to index
      %get3A_1743 = arith.constant 16 : index
      %get3A_1744 = tpu.vector_load %arg7[%get3A_1742, %get3A_1743] {strides = array<i32>} : memref<17x32xf32, #tpu.memory_space<vmem>>, vector<16xf32>,
      %sub3A_1745 = arith.subf %get3A_1744, %mul3A_1316 : vector<16xf32>
      %mul3A_1746 = arith.mulf %sub3A_1745, %sub3A_1745 : vector<16xf32>
      %get3A_1747 = arith.constant 16 : i32
      %get3A_1748 = arith.index_cast %get3A_1747 : i32 to index
      %get3A_1749 = arith.constant 16 : index
      %get3A_1750 = tpu.vector_load %arg8[%get3A_1748, %get3A_1749] {strides = array<i32>} : memref<17x32xf32, #tpu.memory_space<vmem>>, vector<16xf32>,
      %mul3A_1751 = arith.mulf %mul3A_1746, %get3A_1750 : vector<16xf32>
      %add3A_1752 = arith.addf %add3A_1740, %mul3A_1751 : vector<16xf32>
      %div3A_1753 = arith.divf %add3A_1752, %max3A_1306 : vector<16xf32>
      %mul3A_1754 = arith.mulf %select_n3A_1314, %div3A_1753 : vector<16xf32>
      %add3A_1755 = arith.addf %mul3A_1546, %mul3A_1754 : vector<16xf32>
      %reduce_sum3A_1756 = arith.constant true
      %reduce_sum3A_1757 = vector.broadcast %reduce_sum3A_1756 : i1 to vector<16xi1>
      %reduce_sum3A_1758 = tpu.scan <sum>, %add3A_1755 masked %reduce_sum3A_1757 : vector<16xf32>, vector<16xi1> -> vector<16xf32>
      %reduce_sum3A_1759 = vector.extract %reduce_sum3A_1758[15] : f32 from vector<16xf32>
      %broadcast_in_dim3A_1760 = vector.broadcast %reduce_sum3A_1759 : f32 to vector<16xf32>
      %gt3A_1761 = arith.constant 0.000000e+00 : f32
      %gt3A_1762 = vector.broadcast %gt3A_1761 : f32 to vector<16xf32>
      %gt3A_1763 = arith.cmpf ogt, %broadcast_in_dim3A_1323, %gt3A_1762 : vector<16xf32>
      %div3A_1764 = arith.divf %broadcast_in_dim3A_1760, %broadcast_in_dim3A_1323 : vector<16xf32>
      %select_n3A_1765 = arith.select %gt3A_1763, %div3A_1764, %broadcast_in_dim3A_1760 : vector<16xi1>, vector<16xf32>
      %broadcast_in_dim3A_1766 = arith.constant 0.000000e+00 : f32
      %broadcast_in_dim3A_1767 = vector.broadcast %broadcast_in_dim3A_1766 : f32 to vector<16xf32>
      %broadcast_in_dim3A_1768 = arith.constant 0.000000e+00 : f32
      %broadcast_in_dim3A_1769 = vector.broadcast %broadcast_in_dim3A_1768 : f32 to vector<16xf32>
      %broadcast_in_dim3A_1770 = arith.constant 0 : i32
      %broadcast_in_dim3A_1771 = vector.broadcast %broadcast_in_dim3A_1770 : i32 to vector<16xi32>
      %gather3A_1772 = tpu.vector_load_idx %arg9[%broadcast_in_dim3A_1771] : memref<32xf32, #tpu.memory_space<vmem>>[vector<16xi32>], vector<16xf32>,
      %sub3A_1773 = arith.subf %gather3A_1772, %mul3A_1301 : vector<16xf32>
      %mul3A_1774 = arith.mulf %sub3A_1773, %sub3A_1773 : vector<16xf32>
      %neg3A = arith.constant 0.000000e+00 : f32
      %neg3A_1775 = vector.broadcast %neg3A : f32 to vector<16xf32>
      %neg3A_1776 = arith.subf %neg3A_1775, %mul3A_1774 : vector<16xf32>
      %exp3A = math.exp %neg3A_1776 : vector<16xf32>
      %gt3A_1777 = arith.constant 0 : i32
      %gt3A_1778 = vector.broadcast %gt3A_1777 : i32 to vector<16xi32>
      %gt3A_1779 = arith.cmpi sgt, %iota3A, %gt3A_1778 : vector<16xi32>
      %jit3A_1780 = arith.constant 0.000000e+00 : f32
      %broadcast_in_dim3A_1781 = vector.broadcast %jit3A_1780 : f32 to vector<16xf32>
      %select_n3A_1782 = arith.select %gt3A_1779, %exp3A, %broadcast_in_dim3A_1781 : vector<16xi1>, vector<16xf32>
      %add3A_1783 = arith.addf %broadcast_in_dim3A_1767, %select_n3A_1782 : vector<16xf32>
      %sub3A_1784 = arith.subf %gather3A_1772, %mul3A_1316 : vector<16xf32>
      %mul3A_1785 = arith.mulf %sub3A_1784, %sub3A_1784 : vector<16xf32>
      %neg3A_1786 = arith.constant 0.000000e+00 : f32
      %neg3A_1787 = vector.broadcast %neg3A_1786 : f32 to vector<16xf32>
      %neg3A_1788 = arith.subf %neg3A_1787, %mul3A_1785 : vector<16xf32>
      %exp3A_1789 = math.exp %neg3A_1788 : vector<16xf32>
      %add3A_1790 = arith.addf %broadcast_in_dim3A_1769, %exp3A_1789 : vector<16xf32>
      %broadcast_in_dim3A_1791 = arith.constant 1 : i32
      %broadcast_in_dim3A_1792 = vector.broadcast %broadcast_in_dim3A_1791 : i32 to vector<16xi32>
      %gather3A_1793 = tpu.vector_load_idx %arg9[%broadcast_in_dim3A_1792] : memref<32xf32, #tpu.memory_space<vmem>>[vector<16xi32>], vector<16xf32>,
      %sub3A_1794 = arith.subf %gather3A_1793, %mul3A_1301 : vector<16xf32>
      %mul3A_1795 = arith.mulf %sub3A_1794, %sub3A_1794 : vector<16xf32>
      %neg3A_1796 = arith.constant 0.000000e+00 : f32
      %neg3A_1797 = vector.broadcast %neg3A_1796 : f32 to vector<16xf32>
      %neg3A_1798 = arith.subf %neg3A_1797, %mul3A_1795 : vector<16xf32>
      %exp3A_1799 = math.exp %neg3A_1798 : vector<16xf32>
      %gt3A_1800 = arith.constant 1 : i32
      %gt3A_1801 = vector.broadcast %gt3A_1800 : i32 to vector<16xi32>
      %gt3A_1802 = arith.cmpi sgt, %iota3A, %gt3A_1801 : vector<16xi32>
      %jit3A_1803 = arith.constant 0.000000e+00 : f32
      %broadcast_in_dim3A_1804 = vector.broadcast %jit3A_1803 : f32 to vector<16xf32>
      %select_n3A_1805 = arith.select %gt3A_1802, %exp3A_1799, %broadcast_in_dim3A_1804 : vector<16xi1>, vector<16xf32>
      %add3A_1806 = arith.addf %add3A_1783, %select_n3A_1805 : vector<16xf32>
      %sub3A_1807 = arith.subf %gather3A_1793, %mul3A_1316 : vector<16xf32>
      %mul3A_1808 = arith.mulf %sub3A_1807, %sub3A_1807 : vector<16xf32>
      %neg3A_1809 = arith.constant 0.000000e+00 : f32
      %neg3A_1810 = vector.broadcast %neg3A_1809 : f32 to vector<16xf32>
      %neg3A_1811 = arith.subf %neg3A_1810, %mul3A_1808 : vector<16xf32>
      %exp3A_1812 = math.exp %neg3A_1811 : vector<16xf32>
      %add3A_1813 = arith.addf %add3A_1790, %exp3A_1812 : vector<16xf32>
      %broadcast_in_dim3A_1814 = arith.constant 2 : i32
      %broadcast_in_dim3A_1815 = vector.broadcast %broadcast_in_dim3A_1814 : i32 to vector<16xi32>
      %gather3A_1816 = tpu.vector_load_idx %arg9[%broadcast_in_dim3A_1815] : memref<32xf32, #tpu.memory_space<vmem>>[vector<16xi32>], vector<16xf32>,
      %sub3A_1817 = arith.subf %gather3A_1816, %mul3A_1301 : vector<16xf32>
      %mul3A_1818 = arith.mulf %sub3A_1817, %sub3A_1817 : vector<16xf32>
      %neg3A_1819 = arith.constant 0.000000e+00 : f32
      %neg3A_1820 = vector.broadcast %neg3A_1819 : f32 to vector<16xf32>
      %neg3A_1821 = arith.subf %neg3A_1820, %mul3A_1818 : vector<16xf32>
      %exp3A_1822 = math.exp %neg3A_1821 : vector<16xf32>
      %gt3A_1823 = arith.constant 2 : i32
      %gt3A_1824 = vector.broadcast %gt3A_1823 : i32 to vector<16xi32>
      %gt3A_1825 = arith.cmpi sgt, %iota3A, %gt3A_1824 : vector<16xi32>
      %jit3A_1826 = arith.constant 0.000000e+00 : f32
      %broadcast_in_dim3A_1827 = vector.broadcast %jit3A_1826 : f32 to vector<16xf32>
      %select_n3A_1828 = arith.select %gt3A_1825, %exp3A_1822, %broadcast_in_dim3A_1827 : vector<16xi1>, vector<16xf32>
      %add3A_1829 = arith.addf %add3A_1806, %select_n3A_1828 : vector<16xf32>
      %sub3A_1830 = arith.subf %gather3A_1816, %mul3A_1316 : vector<16xf32>
      %mul3A_1831 = arith.mulf %sub3A_1830, %sub3A_1830 : vector<16xf32>
      %neg3A_1832 = arith.constant 0.000000e+00 : f32
      %neg3A_1833 = vector.broadcast %neg3A_1832 : f32 to vector<16xf32>
      %neg3A_1834 = arith.subf %neg3A_1833, %mul3A_1831 : vector<16xf32>
      %exp3A_1835 = math.exp %neg3A_1834 : vector<16xf32>
      %add3A_1836 = arith.addf %add3A_1813, %exp3A_1835 : vector<16xf32>
      %broadcast_in_dim3A_1837 = arith.constant 3 : i32
      %broadcast_in_dim3A_1838 = vector.broadcast %broadcast_in_dim3A_1837 : i32 to vector<16xi32>
      %gather3A_1839 = tpu.vector_load_idx %arg9[%broadcast_in_dim3A_1838] : memref<32xf32, #tpu.memory_space<vmem>>[vector<16xi32>], vector<16xf32>,
      %sub3A_1840 = arith.subf %gather3A_1839, %mul3A_1301 : vector<16xf32>
      %mul3A_1841 = arith.mulf %sub3A_1840, %sub3A_1840 : vector<16xf32>
      %neg3A_1842 = arith.constant 0.000000e+00 : f32
      %neg3A_1843 = vector.broadcast %neg3A_1842 : f32 to vector<16xf32>
      %neg3A_1844 = arith.subf %neg3A_1843, %mul3A_1841 : vector<16xf32>
      %exp3A_1845 = math.exp %neg3A_1844 : vector<16xf32>
      %gt3A_1846 = arith.constant 3 : i32
      %gt3A_1847 = vector.broadcast %gt3A_1846 : i32 to vector<16xi32>
      %gt3A_1848 = arith.cmpi sgt, %iota3A, %gt3A_1847 : vector<16xi32>
      %jit3A_1849 = arith.constant 0.000000e+00 : f32
      %broadcast_in_dim3A_1850 = vector.broadcast %jit3A_1849 : f32 to vector<16xf32>
      %select_n3A_1851 = arith.select %gt3A_1848, %exp3A_1845, %broadcast_in_dim3A_1850 : vector<16xi1>, vector<16xf32>
      %add3A_1852 = arith.addf %add3A_1829, %select_n3A_1851 : vector<16xf32>
      %sub3A_1853 = arith.subf %gather3A_1839, %mul3A_1316 : vector<16xf32>
      %mul3A_1854 = arith.mulf %sub3A_1853, %sub3A_1853 : vector<16xf32>
      %neg3A_1855 = arith.constant 0.000000e+00 : f32
      %neg3A_1856 = vector.broadcast %neg3A_1855 : f32 to vector<16xf32>
      %neg3A_1857 = arith.subf %neg3A_1856, %mul3A_1854 : vector<16xf32>
      %exp3A_1858 = math.exp %neg3A_1857 : vector<16xf32>
      %add3A_1859 = arith.addf %add3A_1836, %exp3A_1858 : vector<16xf32>
      %broadcast_in_dim3A_1860 = arith.constant 4 : i32
      %broadcast_in_dim3A_1861 = vector.broadcast %broadcast_in_dim3A_1860 : i32 to vector<16xi32>
      %gather3A_1862 = tpu.vector_load_idx %arg9[%broadcast_in_dim3A_1861] : memref<32xf32, #tpu.memory_space<vmem>>[vector<16xi32>], vector<16xf32>,
      %sub3A_1863 = arith.subf %gather3A_1862, %mul3A_1301 : vector<16xf32>
      %mul3A_1864 = arith.mulf %sub3A_1863, %sub3A_1863 : vector<16xf32>
      %neg3A_1865 = arith.constant 0.000000e+00 : f32
      %neg3A_1866 = vector.broadcast %neg3A_1865 : f32 to vector<16xf32>
      %neg3A_1867 = arith.subf %neg3A_1866, %mul3A_1864 : vector<16xf32>
      %exp3A_1868 = math.exp %neg3A_1867 : vector<16xf32>
      %gt3A_1869 = arith.constant 4 : i32
      %gt3A_1870 = vector.broadcast %gt3A_1869 : i32 to vector<16xi32>
      %gt3A_1871 = arith.cmpi sgt, %iota3A, %gt3A_1870 : vector<16xi32>
      %jit3A_1872 = arith.constant 0.000000e+00 : f32
      %broadcast_in_dim3A_1873 = vector.broadcast %jit3A_1872 : f32 to vector<16xf32>
      %select_n3A_1874 = arith.select %gt3A_1871, %exp3A_1868, %broadcast_in_dim3A_1873 : vector<16xi1>, vector<16xf32>
      %add3A_1875 = arith.addf %add3A_1852, %select_n3A_1874 : vector<16xf32>
      %sub3A_1876 = arith.subf %gather3A_1862, %mul3A_1316 : vector<16xf32>
      %mul3A_1877 = arith.mulf %sub3A_1876, %sub3A_1876 : vector<16xf32>
      %neg3A_1878 = arith.constant 0.000000e+00 : f32
      %neg3A_1879 = vector.broadcast %neg3A_1878 : f32 to vector<16xf32>
      %neg3A_1880 = arith.subf %neg3A_1879, %mul3A_1877 : vector<16xf32>
      %exp3A_1881 = math.exp %neg3A_1880 : vector<16xf32>
      %add3A_1882 = arith.addf %add3A_1859, %exp3A_1881 : vector<16xf32>
      %broadcast_in_dim3A_1883 = arith.constant 5 : i32
      %broadcast_in_dim3A_1884 = vector.broadcast %broadcast_in_dim3A_1883 : i32 to vector<16xi32>
      %gather3A_1885 = tpu.vector_load_idx %arg9[%broadcast_in_dim3A_1884] : memref<32xf32, #tpu.memory_space<vmem>>[vector<16xi32>], vector<16xf32>,
      %sub3A_1886 = arith.subf %gather3A_1885, %mul3A_1301 : vector<16xf32>
      %mul3A_1887 = arith.mulf %sub3A_1886, %sub3A_1886 : vector<16xf32>
      %neg3A_1888 = arith.constant 0.000000e+00 : f32
      %neg3A_1889 = vector.broadcast %neg3A_1888 : f32 to vector<16xf32>
      %neg3A_1890 = arith.subf %neg3A_1889, %mul3A_1887 : vector<16xf32>
      %exp3A_1891 = math.exp %neg3A_1890 : vector<16xf32>
      %gt3A_1892 = arith.constant 5 : i32
      %gt3A_1893 = vector.broadcast %gt3A_1892 : i32 to vector<16xi32>
      %gt3A_1894 = arith.cmpi sgt, %iota3A, %gt3A_1893 : vector<16xi32>
      %jit3A_1895 = arith.constant 0.000000e+00 : f32
      %broadcast_in_dim3A_1896 = vector.broadcast %jit3A_1895 : f32 to vector<16xf32>
      %select_n3A_1897 = arith.select %gt3A_1894, %exp3A_1891, %broadcast_in_dim3A_1896 : vector<16xi1>, vector<16xf32>
      %add3A_1898 = arith.addf %add3A_1875, %select_n3A_1897 : vector<16xf32>
      %sub3A_1899 = arith.subf %gather3A_1885, %mul3A_1316 : vector<16xf32>
      %mul3A_1900 = arith.mulf %sub3A_1899, %sub3A_1899 : vector<16xf32>
      %neg3A_1901 = arith.constant 0.000000e+00 : f32
      %neg3A_1902 = vector.broadcast %neg3A_1901 : f32 to vector<16xf32>
      %neg3A_1903 = arith.subf %neg3A_1902, %mul3A_1900 : vector<16xf32>
      %exp3A_1904 = math.exp %neg3A_1903 : vector<16xf32>
      %add3A_1905 = arith.addf %add3A_1882, %exp3A_1904 : vector<16xf32>
      %broadcast_in_dim3A_1906 = arith.constant 6 : i32
      %broadcast_in_dim3A_1907 = vector.broadcast %broadcast_in_dim3A_1906 : i32 to vector<16xi32>
      %gather3A_1908 = tpu.vector_load_idx %arg9[%broadcast_in_dim3A_1907] : memref<32xf32, #tpu.memory_space<vmem>>[vector<16xi32>], vector<16xf32>,
      %sub3A_1909 = arith.subf %gather3A_1908, %mul3A_1301 : vector<16xf32>
      %mul3A_1910 = arith.mulf %sub3A_1909, %sub3A_1909 : vector<16xf32>
      %neg3A_1911 = arith.constant 0.000000e+00 : f32
      %neg3A_1912 = vector.broadcast %neg3A_1911 : f32 to vector<16xf32>
      %neg3A_1913 = arith.subf %neg3A_1912, %mul3A_1910 : vector<16xf32>
      %exp3A_1914 = math.exp %neg3A_1913 : vector<16xf32>
      %gt3A_1915 = arith.constant 6 : i32
      %gt3A_1916 = vector.broadcast %gt3A_1915 : i32 to vector<16xi32>
      %gt3A_1917 = arith.cmpi sgt, %iota3A, %gt3A_1916 : vector<16xi32>
      %jit3A_1918 = arith.constant 0.000000e+00 : f32
      %broadcast_in_dim3A_1919 = vector.broadcast %jit3A_1918 : f32 to vector<16xf32>
      %select_n3A_1920 = arith.select %gt3A_1917, %exp3A_1914, %broadcast_in_dim3A_1919 : vector<16xi1>, vector<16xf32>
      %add3A_1921 = arith.addf %add3A_1898, %select_n3A_1920 : vector<16xf32>
      %sub3A_1922 = arith.subf %gather3A_1908, %mul3A_1316 : vector<16xf32>
      %mul3A_1923 = arith.mulf %sub3A_1922, %sub3A_1922 : vector<16xf32>
      %neg3A_1924 = arith.constant 0.000000e+00 : f32
      %neg3A_1925 = vector.broadcast %neg3A_1924 : f32 to vector<16xf32>
      %neg3A_1926 = arith.subf %neg3A_1925, %mul3A_1923 : vector<16xf32>
      %exp3A_1927 = math.exp %neg3A_1926 : vector<16xf32>
      %add3A_1928 = arith.addf %add3A_1905, %exp3A_1927 : vector<16xf32>
      %broadcast_in_dim3A_1929 = arith.constant 7 : i32
      %broadcast_in_dim3A_1930 = vector.broadcast %broadcast_in_dim3A_1929 : i32 to vector<16xi32>
      %gather3A_1931 = tpu.vector_load_idx %arg9[%broadcast_in_dim3A_1930] : memref<32xf32, #tpu.memory_space<vmem>>[vector<16xi32>], vector<16xf32>,
      %sub3A_1932 = arith.subf %gather3A_1931, %mul3A_1301 : vector<16xf32>
      %mul3A_1933 = arith.mulf %sub3A_1932, %sub3A_1932 : vector<16xf32>
      %neg3A_1934 = arith.constant 0.000000e+00 : f32
      %neg3A_1935 = vector.broadcast %neg3A_1934 : f32 to vector<16xf32>
      %neg3A_1936 = arith.subf %neg3A_1935, %mul3A_1933 : vector<16xf32>
      %exp3A_1937 = math.exp %neg3A_1936 : vector<16xf32>
      %gt3A_1938 = arith.constant 7 : i32
      %gt3A_1939 = vector.broadcast %gt3A_1938 : i32 to vector<16xi32>
      %gt3A_1940 = arith.cmpi sgt, %iota3A, %gt3A_1939 : vector<16xi32>
      %jit3A_1941 = arith.constant 0.000000e+00 : f32
      %broadcast_in_dim3A_1942 = vector.broadcast %jit3A_1941 : f32 to vector<16xf32>
      %select_n3A_1943 = arith.select %gt3A_1940, %exp3A_1937, %broadcast_in_dim3A_1942 : vector<16xi1>, vector<16xf32>
      %add3A_1944 = arith.addf %add3A_1921, %select_n3A_1943 : vector<16xf32>
      %sub3A_1945 = arith.subf %gather3A_1931, %mul3A_1316 : vector<16xf32>
      %mul3A_1946 = arith.mulf %sub3A_1945, %sub3A_1945 : vector<16xf32>
      %neg3A_1947 = arith.constant 0.000000e+00 : f32
      %neg3A_1948 = vector.broadcast %neg3A_1947 : f32 to vector<16xf32>
      %neg3A_1949 = arith.subf %neg3A_1948, %mul3A_1946 : vector<16xf32>
      %exp3A_1950 = math.exp %neg3A_1949 : vector<16xf32>
      %add3A_1951 = arith.addf %add3A_1928, %exp3A_1950 : vector<16xf32>
      %broadcast_in_dim3A_1952 = arith.constant 8 : i32
      %broadcast_in_dim3A_1953 = vector.broadcast %broadcast_in_dim3A_1952 : i32 to vector<16xi32>
      %gather3A_1954 = tpu.vector_load_idx %arg9[%broadcast_in_dim3A_1953] : memref<32xf32, #tpu.memory_space<vmem>>[vector<16xi32>], vector<16xf32>,
      %sub3A_1955 = arith.subf %gather3A_1954, %mul3A_1301 : vector<16xf32>
      %mul3A_1956 = arith.mulf %sub3A_1955, %sub3A_1955 : vector<16xf32>
      %neg3A_1957 = arith.constant 0.000000e+00 : f32
      %neg3A_1958 = vector.broadcast %neg3A_1957 : f32 to vector<16xf32>
      %neg3A_1959 = arith.subf %neg3A_1958, %mul3A_1956 : vector<16xf32>
      %exp3A_1960 = math.exp %neg3A_1959 : vector<16xf32>
      %gt3A_1961 = arith.constant 8 : i32
      %gt3A_1962 = vector.broadcast %gt3A_1961 : i32 to vector<16xi32>
      %gt3A_1963 = arith.cmpi sgt, %iota3A, %gt3A_1962 : vector<16xi32>
      %jit3A_1964 = arith.constant 0.000000e+00 : f32
      %broadcast_in_dim3A_1965 = vector.broadcast %jit3A_1964 : f32 to vector<16xf32>
      %select_n3A_1966 = arith.select %gt3A_1963, %exp3A_1960, %broadcast_in_dim3A_1965 : vector<16xi1>, vector<16xf32>
      %add3A_1967 = arith.addf %add3A_1944, %select_n3A_1966 : vector<16xf32>
      %sub3A_1968 = arith.subf %gather3A_1954, %mul3A_1316 : vector<16xf32>
      %mul3A_1969 = arith.mulf %sub3A_1968, %sub3A_1968 : vector<16xf32>
      %neg3A_1970 = arith.constant 0.000000e+00 : f32
      %neg3A_1971 = vector.broadcast %neg3A_1970 : f32 to vector<16xf32>
      %neg3A_1972 = arith.subf %neg3A_1971, %mul3A_1969 : vector<16xf32>
      %exp3A_1973 = math.exp %neg3A_1972 : vector<16xf32>
      %add3A_1974 = arith.addf %add3A_1951, %exp3A_1973 : vector<16xf32>
      %broadcast_in_dim3A_1975 = arith.constant 9 : i32
      %broadcast_in_dim3A_1976 = vector.broadcast %broadcast_in_dim3A_1975 : i32 to vector<16xi32>
      %gather3A_1977 = tpu.vector_load_idx %arg9[%broadcast_in_dim3A_1976] : memref<32xf32, #tpu.memory_space<vmem>>[vector<16xi32>], vector<16xf32>,
      %sub3A_1978 = arith.subf %gather3A_1977, %mul3A_1301 : vector<16xf32>
      %mul3A_1979 = arith.mulf %sub3A_1978, %sub3A_1978 : vector<16xf32>
      %neg3A_1980 = arith.constant 0.000000e+00 : f32
      %neg3A_1981 = vector.broadcast %neg3A_1980 : f32 to vector<16xf32>
      %neg3A_1982 = arith.subf %neg3A_1981, %mul3A_1979 : vector<16xf32>
      %exp3A_1983 = math.exp %neg3A_1982 : vector<16xf32>
      %gt3A_1984 = arith.constant 9 : i32
      %gt3A_1985 = vector.broadcast %gt3A_1984 : i32 to vector<16xi32>
      %gt3A_1986 = arith.cmpi sgt, %iota3A, %gt3A_1985 : vector<16xi32>
      %jit3A_1987 = arith.constant 0.000000e+00 : f32
      %broadcast_in_dim3A_1988 = vector.broadcast %jit3A_1987 : f32 to vector<16xf32>
      %select_n3A_1989 = arith.select %gt3A_1986, %exp3A_1983, %broadcast_in_dim3A_1988 : vector<16xi1>, vector<16xf32>
      %add3A_1990 = arith.addf %add3A_1967, %select_n3A_1989 : vector<16xf32>
      %sub3A_1991 = arith.subf %gather3A_1977, %mul3A_1316 : vector<16xf32>
      %mul3A_1992 = arith.mulf %sub3A_1991, %sub3A_1991 : vector<16xf32>
      %neg3A_1993 = arith.constant 0.000000e+00 : f32
      %neg3A_1994 = vector.broadcast %neg3A_1993 : f32 to vector<16xf32>
      %neg3A_1995 = arith.subf %neg3A_1994, %mul3A_1992 : vector<16xf32>
      %exp3A_1996 = math.exp %neg3A_1995 : vector<16xf32>
      %add3A_1997 = arith.addf %add3A_1974, %exp3A_1996 : vector<16xf32>
      %broadcast_in_dim3A_1998 = arith.constant 10 : i32
      %broadcast_in_dim3A_1999 = vector.broadcast %broadcast_in_dim3A_1998 : i32 to vector<16xi32>
      %gather3A_2000 = tpu.vector_load_idx %arg9[%broadcast_in_dim3A_1999] : memref<32xf32, #tpu.memory_space<vmem>>[vector<16xi32>], vector<16xf32>,
      %sub3A_2001 = arith.subf %gather3A_2000, %mul3A_1301 : vector<16xf32>
      %mul3A_2002 = arith.mulf %sub3A_2001, %sub3A_2001 : vector<16xf32>
      %neg3A_2003 = arith.constant 0.000000e+00 : f32
      %neg3A_2004 = vector.broadcast %neg3A_2003 : f32 to vector<16xf32>
      %neg3A_2005 = arith.subf %neg3A_2004, %mul3A_2002 : vector<16xf32>
      %exp3A_2006 = math.exp %neg3A_2005 : vector<16xf32>
      %gt3A_2007 = arith.constant 10 : i32
      %gt3A_2008 = vector.broadcast %gt3A_2007 : i32 to vector<16xi32>
      %gt3A_2009 = arith.cmpi sgt, %iota3A, %gt3A_2008 : vector<16xi32>
      %jit3A_2010 = arith.constant 0.000000e+00 : f32
      %broadcast_in_dim3A_2011 = vector.broadcast %jit3A_2010 : f32 to vector<16xf32>
      %select_n3A_2012 = arith.select %gt3A_2009, %exp3A_2006, %broadcast_in_dim3A_2011 : vector<16xi1>, vector<16xf32>
      %add3A_2013 = arith.addf %add3A_1990, %select_n3A_2012 : vector<16xf32>
      %sub3A_2014 = arith.subf %gather3A_2000, %mul3A_1316 : vector<16xf32>
      %mul3A_2015 = arith.mulf %sub3A_2014, %sub3A_2014 : vector<16xf32>
      %neg3A_2016 = arith.constant 0.000000e+00 : f32
      %neg3A_2017 = vector.broadcast %neg3A_2016 : f32 to vector<16xf32>
      %neg3A_2018 = arith.subf %neg3A_2017, %mul3A_2015 : vector<16xf32>
      %exp3A_2019 = math.exp %neg3A_2018 : vector<16xf32>
      %add3A_2020 = arith.addf %add3A_1997, %exp3A_2019 : vector<16xf32>
      %broadcast_in_dim3A_2021 = arith.constant 11 : i32
      %broadcast_in_dim3A_2022 = vector.broadcast %broadcast_in_dim3A_2021 : i32 to vector<16xi32>
      %gather3A_2023 = tpu.vector_load_idx %arg9[%broadcast_in_dim3A_2022] : memref<32xf32, #tpu.memory_space<vmem>>[vector<16xi32>], vector<16xf32>,
      %sub3A_2024 = arith.subf %gather3A_2023, %mul3A_1301 : vector<16xf32>
      %mul3A_2025 = arith.mulf %sub3A_2024, %sub3A_2024 : vector<16xf32>
      %neg3A_2026 = arith.constant 0.000000e+00 : f32
      %neg3A_2027 = vector.broadcast %neg3A_2026 : f32 to vector<16xf32>
      %neg3A_2028 = arith.subf %neg3A_2027, %mul3A_2025 : vector<16xf32>
      %exp3A_2029 = math.exp %neg3A_2028 : vector<16xf32>
      %gt3A_2030 = arith.constant 11 : i32
      %gt3A_2031 = vector.broadcast %gt3A_2030 : i32 to vector<16xi32>
      %gt3A_2032 = arith.cmpi sgt, %iota3A, %gt3A_2031 : vector<16xi32>
      %jit3A_2033 = arith.constant 0.000000e+00 : f32
      %broadcast_in_dim3A_2034 = vector.broadcast %jit3A_2033 : f32 to vector<16xf32>
      %select_n3A_2035 = arith.select %gt3A_2032, %exp3A_2029, %broadcast_in_dim3A_2034 : vector<16xi1>, vector<16xf32>
      %add3A_2036 = arith.addf %add3A_2013, %select_n3A_2035 : vector<16xf32>
      %sub3A_2037 = arith.subf %gather3A_2023, %mul3A_1316 : vector<16xf32>
      %mul3A_2038 = arith.mulf %sub3A_2037, %sub3A_2037 : vector<16xf32>
      %neg3A_2039 = arith.constant 0.000000e+00 : f32
      %neg3A_2040 = vector.broadcast %neg3A_2039 : f32 to vector<16xf32>
      %neg3A_2041 = arith.subf %neg3A_2040, %mul3A_2038 : vector<16xf32>
      %exp3A_2042 = math.exp %neg3A_2041 : vector<16xf32>
      %add3A_2043 = arith.addf %add3A_2020, %exp3A_2042 : vector<16xf32>
      %broadcast_in_dim3A_2044 = arith.constant 12 : i32
      %broadcast_in_dim3A_2045 = vector.broadcast %broadcast_in_dim3A_2044 : i32 to vector<16xi32>
      %gather3A_2046 = tpu.vector_load_idx %arg9[%broadcast_in_dim3A_2045] : memref<32xf32, #tpu.memory_space<vmem>>[vector<16xi32>], vector<16xf32>,
      %sub3A_2047 = arith.subf %gather3A_2046, %mul3A_1301 : vector<16xf32>
      %mul3A_2048 = arith.mulf %sub3A_2047, %sub3A_2047 : vector<16xf32>
      %neg3A_2049 = arith.constant 0.000000e+00 : f32
      %neg3A_2050 = vector.broadcast %neg3A_2049 : f32 to vector<16xf32>
      %neg3A_2051 = arith.subf %neg3A_2050, %mul3A_2048 : vector<16xf32>
      %exp3A_2052 = math.exp %neg3A_2051 : vector<16xf32>
      %gt3A_2053 = arith.constant 12 : i32
      %gt3A_2054 = vector.broadcast %gt3A_2053 : i32 to vector<16xi32>
      %gt3A_2055 = arith.cmpi sgt, %iota3A, %gt3A_2054 : vector<16xi32>
      %jit3A_2056 = arith.constant 0.000000e+00 : f32
      %broadcast_in_dim3A_2057 = vector.broadcast %jit3A_2056 : f32 to vector<16xf32>
      %select_n3A_2058 = arith.select %gt3A_2055, %exp3A_2052, %broadcast_in_dim3A_2057 : vector<16xi1>, vector<16xf32>
      %add3A_2059 = arith.addf %add3A_2036, %select_n3A_2058 : vector<16xf32>
      %sub3A_2060 = arith.subf %gather3A_2046, %mul3A_1316 : vector<16xf32>
      %mul3A_2061 = arith.mulf %sub3A_2060, %sub3A_2060 : vector<16xf32>
      %neg3A_2062 = arith.constant 0.000000e+00 : f32
      %neg3A_2063 = vector.broadcast %neg3A_2062 : f32 to vector<16xf32>
      %neg3A_2064 = arith.subf %neg3A_2063, %mul3A_2061 : vector<16xf32>
      %exp3A_2065 = math.exp %neg3A_2064 : vector<16xf32>
      %add3A_2066 = arith.addf %add3A_2043, %exp3A_2065 : vector<16xf32>
      %broadcast_in_dim3A_2067 = arith.constant 13 : i32
      %broadcast_in_dim3A_2068 = vector.broadcast %broadcast_in_dim3A_2067 : i32 to vector<16xi32>
      %gather3A_2069 = tpu.vector_load_idx %arg9[%broadcast_in_dim3A_2068] : memref<32xf32, #tpu.memory_space<vmem>>[vector<16xi32>], vector<16xf32>,
      %sub3A_2070 = arith.subf %gather3A_2069, %mul3A_1301 : vector<16xf32>
      %mul3A_2071 = arith.mulf %sub3A_2070, %sub3A_2070 : vector<16xf32>
      %neg3A_2072 = arith.constant 0.000000e+00 : f32
      %neg3A_2073 = vector.broadcast %neg3A_2072 : f32 to vector<16xf32>
      %neg3A_2074 = arith.subf %neg3A_2073, %mul3A_2071 : vector<16xf32>
      %exp3A_2075 = math.exp %neg3A_2074 : vector<16xf32>
      %gt3A_2076 = arith.constant 13 : i32
      %gt3A_2077 = vector.broadcast %gt3A_2076 : i32 to vector<16xi32>
      %gt3A_2078 = arith.cmpi sgt, %iota3A, %gt3A_2077 : vector<16xi32>
      %jit3A_2079 = arith.constant 0.000000e+00 : f32
      %broadcast_in_dim3A_2080 = vector.broadcast %jit3A_2079 : f32 to vector<16xf32>
      %select_n3A_2081 = arith.select %gt3A_2078, %exp3A_2075, %broadcast_in_dim3A_2080 : vector<16xi1>, vector<16xf32>
      %add3A_2082 = arith.addf %add3A_2059, %select_n3A_2081 : vector<16xf32>
      %sub3A_2083 = arith.subf %gather3A_2069, %mul3A_1316 : vector<16xf32>
      %mul3A_2084 = arith.mulf %sub3A_2083, %sub3A_2083 : vector<16xf32>
      %neg3A_2085 = arith.constant 0.000000e+00 : f32
      %neg3A_2086 = vector.broadcast %neg3A_2085 : f32 to vector<16xf32>
      %neg3A_2087 = arith.subf %neg3A_2086, %mul3A_2084 : vector<16xf32>
      %exp3A_2088 = math.exp %neg3A_2087 : vector<16xf32>
      %add3A_2089 = arith.addf %add3A_2066, %exp3A_2088 : vector<16xf32>
      %broadcast_in_dim3A_2090 = arith.constant 14 : i32
      %broadcast_in_dim3A_2091 = vector.broadcast %broadcast_in_dim3A_2090 : i32 to vector<16xi32>
      %gather3A_2092 = tpu.vector_load_idx %arg9[%broadcast_in_dim3A_2091] : memref<32xf32, #tpu.memory_space<vmem>>[vector<16xi32>], vector<16xf32>,
      %sub3A_2093 = arith.subf %gather3A_2092, %mul3A_1301 : vector<16xf32>
      %mul3A_2094 = arith.mulf %sub3A_2093, %sub3A_2093 : vector<16xf32>
      %neg3A_2095 = arith.constant 0.000000e+00 : f32
      %neg3A_2096 = vector.broadcast %neg3A_2095 : f32 to vector<16xf32>
      %neg3A_2097 = arith.subf %neg3A_2096, %mul3A_2094 : vector<16xf32>
      %exp3A_2098 = math.exp %neg3A_2097 : vector<16xf32>
      %gt3A_2099 = arith.constant 14 : i32
      %gt3A_2100 = vector.broadcast %gt3A_2099 : i32 to vector<16xi32>
      %gt3A_2101 = arith.cmpi sgt, %iota3A, %gt3A_2100 : vector<16xi32>
      %jit3A_2102 = arith.constant 0.000000e+00 : f32
      %broadcast_in_dim3A_2103 = vector.broadcast %jit3A_2102 : f32 to vector<16xf32>
      %select_n3A_2104 = arith.select %gt3A_2101, %exp3A_2098, %broadcast_in_dim3A_2103 : vector<16xi1>, vector<16xf32>
      %add3A_2105 = arith.addf %add3A_2082, %select_n3A_2104 : vector<16xf32>
      %sub3A_2106 = arith.subf %gather3A_2092, %mul3A_1316 : vector<16xf32>
      %mul3A_2107 = arith.mulf %sub3A_2106, %sub3A_2106 : vector<16xf32>
      %neg3A_2108 = arith.constant 0.000000e+00 : f32
      %neg3A_2109 = vector.broadcast %neg3A_2108 : f32 to vector<16xf32>
      %neg3A_2110 = arith.subf %neg3A_2109, %mul3A_2107 : vector<16xf32>
      %exp3A_2111 = math.exp %neg3A_2110 : vector<16xf32>
      %add3A_2112 = arith.addf %add3A_2089, %exp3A_2111 : vector<16xf32>
      %broadcast_in_dim3A_2113 = arith.constant 15 : i32
      %broadcast_in_dim3A_2114 = vector.broadcast %broadcast_in_dim3A_2113 : i32 to vector<16xi32>
      %gather3A_2115 = tpu.vector_load_idx %arg9[%broadcast_in_dim3A_2114] : memref<32xf32, #tpu.memory_space<vmem>>[vector<16xi32>], vector<16xf32>,
      %sub3A_2116 = arith.subf %gather3A_2115, %mul3A_1316 : vector<16xf32>
      %mul3A_2117 = arith.mulf %sub3A_2116, %sub3A_2116 : vector<16xf32>
      %neg3A_2118 = arith.constant 0.000000e+00 : f32
      %neg3A_2119 = vector.broadcast %neg3A_2118 : f32 to vector<16xf32>
      %neg3A_2120 = arith.subf %neg3A_2119, %mul3A_2117 : vector<16xf32>
      %exp3A_2121 = math.exp %neg3A_2120 : vector<16xf32>
      %add3A_2122 = arith.addf %add3A_2112, %exp3A_2121 : vector<16xf32>
      %broadcast_in_dim3A_2123 = arith.constant 16 : i32
      %broadcast_in_dim3A_2124 = vector.broadcast %broadcast_in_dim3A_2123 : i32 to vector<16xi32>
      %gather3A_2125 = tpu.vector_load_idx %arg9[%broadcast_in_dim3A_2124] : memref<32xf32, #tpu.memory_space<vmem>>[vector<16xi32>], vector<16xf32>,
      %sub3A_2126 = arith.subf %gather3A_2125, %mul3A_1316 : vector<16xf32>
      %mul3A_2127 = arith.mulf %sub3A_2126, %sub3A_2126 : vector<16xf32>
      %neg3A_2128 = arith.constant 0.000000e+00 : f32
      %neg3A_2129 = vector.broadcast %neg3A_2128 : f32 to vector<16xf32>
      %neg3A_2130 = arith.subf %neg3A_2129, %mul3A_2127 : vector<16xf32>
      %exp3A_2131 = math.exp %neg3A_2130 : vector<16xf32>
      %gt3A_2132 = arith.constant 16 : i32
      %gt3A_2133 = vector.broadcast %gt3A_2132 : i32 to vector<16xi32>
      %gt3A_2134 = arith.cmpi sgt, %add3A_6, %gt3A_2133 : vector<16xi32>
      %jit3A_2135 = arith.constant 0.000000e+00 : f32
      %broadcast_in_dim3A_2136 = vector.broadcast %jit3A_2135 : f32 to vector<16xf32>
      %select_n3A_2137 = arith.select %gt3A_2134, %exp3A_2131, %broadcast_in_dim3A_2136 : vector<16xi1>, vector<16xf32>
      %add3A_2138 = arith.addf %add3A_2122, %select_n3A_2137 : vector<16xf32>
      %broadcast_in_dim3A_2139 = arith.constant 17 : i32
      %broadcast_in_dim3A_2140 = vector.broadcast %broadcast_in_dim3A_2139 : i32 to vector<16xi32>
      %gather3A_2141 = tpu.vector_load_idx %arg9[%broadcast_in_dim3A_2140] : memref<32xf32, #tpu.memory_space<vmem>>[vector<16xi32>], vector<16xf32>,
      %sub3A_2142 = arith.subf %gather3A_2141, %mul3A_1316 : vector<16xf32>
      %mul3A_2143 = arith.mulf %sub3A_2142, %sub3A_2142 : vector<16xf32>
      %neg3A_2144 = arith.constant 0.000000e+00 : f32
      %neg3A_2145 = vector.broadcast %neg3A_2144 : f32 to vector<16xf32>
      %neg3A_2146 = arith.subf %neg3A_2145, %mul3A_2143 : vector<16xf32>
      %exp3A_2147 = math.exp %neg3A_2146 : vector<16xf32>
      %gt3A_2148 = arith.constant 17 : i32
      %gt3A_2149 = vector.broadcast %gt3A_2148 : i32 to vector<16xi32>
      %gt3A_2150 = arith.cmpi sgt, %add3A_6, %gt3A_2149 : vector<16xi32>
      %jit3A_2151 = arith.constant 0.000000e+00 : f32
      %broadcast_in_dim3A_2152 = vector.broadcast %jit3A_2151 : f32 to vector<16xf32>
      %select_n3A_2153 = arith.select %gt3A_2150, %exp3A_2147, %broadcast_in_dim3A_2152 : vector<16xi1>, vector<16xf32>
      %add3A_2154 = arith.addf %add3A_2138, %select_n3A_2153 : vector<16xf32>
      %broadcast_in_dim3A_2155 = arith.constant 18 : i32
      %broadcast_in_dim3A_2156 = vector.broadcast %broadcast_in_dim3A_2155 : i32 to vector<16xi32>
      %gather3A_2157 = tpu.vector_load_idx %arg9[%broadcast_in_dim3A_2156] : memref<32xf32, #tpu.memory_space<vmem>>[vector<16xi32>], vector<16xf32>,
      %sub3A_2158 = arith.subf %gather3A_2157, %mul3A_1316 : vector<16xf32>
      %mul3A_2159 = arith.mulf %sub3A_2158, %sub3A_2158 : vector<16xf32>
      %neg3A_2160 = arith.constant 0.000000e+00 : f32
      %neg3A_2161 = vector.broadcast %neg3A_2160 : f32 to vector<16xf32>
      %neg3A_2162 = arith.subf %neg3A_2161, %mul3A_2159 : vector<16xf32>
      %exp3A_2163 = math.exp %neg3A_2162 : vector<16xf32>
      %gt3A_2164 = arith.constant 18 : i32
      %gt3A_2165 = vector.broadcast %gt3A_2164 : i32 to vector<16xi32>
      %gt3A_2166 = arith.cmpi sgt, %add3A_6, %gt3A_2165 : vector<16xi32>
      %jit3A_2167 = arith.constant 0.000000e+00 : f32
      %broadcast_in_dim3A_2168 = vector.broadcast %jit3A_2167 : f32 to vector<16xf32>
      %select_n3A_2169 = arith.select %gt3A_2166, %exp3A_2163, %broadcast_in_dim3A_2168 : vector<16xi1>, vector<16xf32>
      %add3A_2170 = arith.addf %add3A_2154, %select_n3A_2169 : vector<16xf32>
      %broadcast_in_dim3A_2171 = arith.constant 19 : i32
      %broadcast_in_dim3A_2172 = vector.broadcast %broadcast_in_dim3A_2171 : i32 to vector<16xi32>
      %gather3A_2173 = tpu.vector_load_idx %arg9[%broadcast_in_dim3A_2172] : memref<32xf32, #tpu.memory_space<vmem>>[vector<16xi32>], vector<16xf32>,
      %sub3A_2174 = arith.subf %gather3A_2173, %mul3A_1316 : vector<16xf32>
      %mul3A_2175 = arith.mulf %sub3A_2174, %sub3A_2174 : vector<16xf32>
      %neg3A_2176 = arith.constant 0.000000e+00 : f32
      %neg3A_2177 = vector.broadcast %neg3A_2176 : f32 to vector<16xf32>
      %neg3A_2178 = arith.subf %neg3A_2177, %mul3A_2175 : vector<16xf32>
      %exp3A_2179 = math.exp %neg3A_2178 : vector<16xf32>
      %gt3A_2180 = arith.constant 19 : i32
      %gt3A_2181 = vector.broadcast %gt3A_2180 : i32 to vector<16xi32>
      %gt3A_2182 = arith.cmpi sgt, %add3A_6, %gt3A_2181 : vector<16xi32>
      %jit3A_2183 = arith.constant 0.000000e+00 : f32
      %broadcast_in_dim3A_2184 = vector.broadcast %jit3A_2183 : f32 to vector<16xf32>
      %select_n3A_2185 = arith.select %gt3A_2182, %exp3A_2179, %broadcast_in_dim3A_2184 : vector<16xi1>, vector<16xf32>
      %add3A_2186 = arith.addf %add3A_2170, %select_n3A_2185 : vector<16xf32>
      %broadcast_in_dim3A_2187 = arith.constant 20 : i32
      %broadcast_in_dim3A_2188 = vector.broadcast %broadcast_in_dim3A_2187 : i32 to vector<16xi32>
      %gather3A_2189 = tpu.vector_load_idx %arg9[%broadcast_in_dim3A_2188] : memref<32xf32, #tpu.memory_space<vmem>>[vector<16xi32>], vector<16xf32>,
      %sub3A_2190 = arith.subf %gather3A_2189, %mul3A_1316 : vector<16xf32>
      %mul3A_2191 = arith.mulf %sub3A_2190, %sub3A_2190 : vector<16xf32>
      %neg3A_2192 = arith.constant 0.000000e+00 : f32
      %neg3A_2193 = vector.broadcast %neg3A_2192 : f32 to vector<16xf32>
      %neg3A_2194 = arith.subf %neg3A_2193, %mul3A_2191 : vector<16xf32>
      %exp3A_2195 = math.exp %neg3A_2194 : vector<16xf32>
      %gt3A_2196 = arith.constant 20 : i32
      %gt3A_2197 = vector.broadcast %gt3A_2196 : i32 to vector<16xi32>
      %gt3A_2198 = arith.cmpi sgt, %add3A_6, %gt3A_2197 : vector<16xi32>
      %jit3A_2199 = arith.constant 0.000000e+00 : f32
      %broadcast_in_dim3A_2200 = vector.broadcast %jit3A_2199 : f32 to vector<16xf32>
      %select_n3A_2201 = arith.select %gt3A_2198, %exp3A_2195, %broadcast_in_dim3A_2200 : vector<16xi1>, vector<16xf32>
      %add3A_2202 = arith.addf %add3A_2186, %select_n3A_2201 : vector<16xf32>
      %broadcast_in_dim3A_2203 = arith.constant 21 : i32
      %broadcast_in_dim3A_2204 = vector.broadcast %broadcast_in_dim3A_2203 : i32 to vector<16xi32>
      %gather3A_2205 = tpu.vector_load_idx %arg9[%broadcast_in_dim3A_2204] : memref<32xf32, #tpu.memory_space<vmem>>[vector<16xi32>], vector<16xf32>,
      %sub3A_2206 = arith.subf %gather3A_2205, %mul3A_1316 : vector<16xf32>
      %mul3A_2207 = arith.mulf %sub3A_2206, %sub3A_2206 : vector<16xf32>
      %neg3A_2208 = arith.constant 0.000000e+00 : f32
      %neg3A_2209 = vector.broadcast %neg3A_2208 : f32 to vector<16xf32>
      %neg3A_2210 = arith.subf %neg3A_2209, %mul3A_2207 : vector<16xf32>
      %exp3A_2211 = math.exp %neg3A_2210 : vector<16xf32>
      %gt3A_2212 = arith.constant 21 : i32
      %gt3A_2213 = vector.broadcast %gt3A_2212 : i32 to vector<16xi32>
      %gt3A_2214 = arith.cmpi sgt, %add3A_6, %gt3A_2213 : vector<16xi32>
      %jit3A_2215 = arith.constant 0.000000e+00 : f32
      %broadcast_in_dim3A_2216 = vector.broadcast %jit3A_2215 : f32 to vector<16xf32>
      %select_n3A_2217 = arith.select %gt3A_2214, %exp3A_2211, %broadcast_in_dim3A_2216 : vector<16xi1>, vector<16xf32>
      %add3A_2218 = arith.addf %add3A_2202, %select_n3A_2217 : vector<16xf32>
      %broadcast_in_dim3A_2219 = arith.constant 22 : i32
      %broadcast_in_dim3A_2220 = vector.broadcast %broadcast_in_dim3A_2219 : i32 to vector<16xi32>
      %gather3A_2221 = tpu.vector_load_idx %arg9[%broadcast_in_dim3A_2220] : memref<32xf32, #tpu.memory_space<vmem>>[vector<16xi32>], vector<16xf32>,
      %sub3A_2222 = arith.subf %gather3A_2221, %mul3A_1316 : vector<16xf32>
      %mul3A_2223 = arith.mulf %sub3A_2222, %sub3A_2222 : vector<16xf32>
      %neg3A_2224 = arith.constant 0.000000e+00 : f32
      %neg3A_2225 = vector.broadcast %neg3A_2224 : f32 to vector<16xf32>
      %neg3A_2226 = arith.subf %neg3A_2225, %mul3A_2223 : vector<16xf32>
      %exp3A_2227 = math.exp %neg3A_2226 : vector<16xf32>
      %gt3A_2228 = arith.constant 22 : i32
      %gt3A_2229 = vector.broadcast %gt3A_2228 : i32 to vector<16xi32>
      %gt3A_2230 = arith.cmpi sgt, %add3A_6, %gt3A_2229 : vector<16xi32>
      %jit3A_2231 = arith.constant 0.000000e+00 : f32
      %broadcast_in_dim3A_2232 = vector.broadcast %jit3A_2231 : f32 to vector<16xf32>
      %select_n3A_2233 = arith.select %gt3A_2230, %exp3A_2227, %broadcast_in_dim3A_2232 : vector<16xi1>, vector<16xf32>
      %add3A_2234 = arith.addf %add3A_2218, %select_n3A_2233 : vector<16xf32>
      %broadcast_in_dim3A_2235 = arith.constant 23 : i32
      %broadcast_in_dim3A_2236 = vector.broadcast %broadcast_in_dim3A_2235 : i32 to vector<16xi32>
      %gather3A_2237 = tpu.vector_load_idx %arg9[%broadcast_in_dim3A_2236] : memref<32xf32, #tpu.memory_space<vmem>>[vector<16xi32>], vector<16xf32>,
      %sub3A_2238 = arith.subf %gather3A_2237, %mul3A_1316 : vector<16xf32>
      %mul3A_2239 = arith.mulf %sub3A_2238, %sub3A_2238 : vector<16xf32>
      %neg3A_2240 = arith.constant 0.000000e+00 : f32
      %neg3A_2241 = vector.broadcast %neg3A_2240 : f32 to vector<16xf32>
      %neg3A_2242 = arith.subf %neg3A_2241, %mul3A_2239 : vector<16xf32>
      %exp3A_2243 = math.exp %neg3A_2242 : vector<16xf32>
      %gt3A_2244 = arith.constant 23 : i32
      %gt3A_2245 = vector.broadcast %gt3A_2244 : i32 to vector<16xi32>
      %gt3A_2246 = arith.cmpi sgt, %add3A_6, %gt3A_2245 : vector<16xi32>
      %jit3A_2247 = arith.constant 0.000000e+00 : f32
      %broadcast_in_dim3A_2248 = vector.broadcast %jit3A_2247 : f32 to vector<16xf32>
      %select_n3A_2249 = arith.select %gt3A_2246, %exp3A_2243, %broadcast_in_dim3A_2248 : vector<16xi1>, vector<16xf32>
      %add3A_2250 = arith.addf %add3A_2234, %select_n3A_2249 : vector<16xf32>
      %broadcast_in_dim3A_2251 = arith.constant 24 : i32
      %broadcast_in_dim3A_2252 = vector.broadcast %broadcast_in_dim3A_2251 : i32 to vector<16xi32>
      %gather3A_2253 = tpu.vector_load_idx %arg9[%broadcast_in_dim3A_2252] : memref<32xf32, #tpu.memory_space<vmem>>[vector<16xi32>], vector<16xf32>,
      %sub3A_2254 = arith.subf %gather3A_2253, %mul3A_1316 : vector<16xf32>
      %mul3A_2255 = arith.mulf %sub3A_2254, %sub3A_2254 : vector<16xf32>
      %neg3A_2256 = arith.constant 0.000000e+00 : f32
      %neg3A_2257 = vector.broadcast %neg3A_2256 : f32 to vector<16xf32>
      %neg3A_2258 = arith.subf %neg3A_2257, %mul3A_2255 : vector<16xf32>
      %exp3A_2259 = math.exp %neg3A_2258 : vector<16xf32>
      %gt3A_2260 = arith.constant 24 : i32
      %gt3A_2261 = vector.broadcast %gt3A_2260 : i32 to vector<16xi32>
      %gt3A_2262 = arith.cmpi sgt, %add3A_6, %gt3A_2261 : vector<16xi32>
      %jit3A_2263 = arith.constant 0.000000e+00 : f32
      %broadcast_in_dim3A_2264 = vector.broadcast %jit3A_2263 : f32 to vector<16xf32>
      %select_n3A_2265 = arith.select %gt3A_2262, %exp3A_2259, %broadcast_in_dim3A_2264 : vector<16xi1>, vector<16xf32>
      %add3A_2266 = arith.addf %add3A_2250, %select_n3A_2265 : vector<16xf32>
      %broadcast_in_dim3A_2267 = arith.constant 25 : i32
      %broadcast_in_dim3A_2268 = vector.broadcast %broadcast_in_dim3A_2267 : i32 to vector<16xi32>
      %gather3A_2269 = tpu.vector_load_idx %arg9[%broadcast_in_dim3A_2268] : memref<32xf32, #tpu.memory_space<vmem>>[vector<16xi32>], vector<16xf32>,
      %sub3A_2270 = arith.subf %gather3A_2269, %mul3A_1316 : vector<16xf32>
      %mul3A_2271 = arith.mulf %sub3A_2270, %sub3A_2270 : vector<16xf32>
      %neg3A_2272 = arith.constant 0.000000e+00 : f32
      %neg3A_2273 = vector.broadcast %neg3A_2272 : f32 to vector<16xf32>
      %neg3A_2274 = arith.subf %neg3A_2273, %mul3A_2271 : vector<16xf32>
      %exp3A_2275 = math.exp %neg3A_2274 : vector<16xf32>
      %gt3A_2276 = arith.constant 25 : i32
      %gt3A_2277 = vector.broadcast %gt3A_2276 : i32 to vector<16xi32>
      %gt3A_2278 = arith.cmpi sgt, %add3A_6, %gt3A_2277 : vector<16xi32>
      %jit3A_2279 = arith.constant 0.000000e+00 : f32
      %broadcast_in_dim3A_2280 = vector.broadcast %jit3A_2279 : f32 to vector<16xf32>
      %select_n3A_2281 = arith.select %gt3A_2278, %exp3A_2275, %broadcast_in_dim3A_2280 : vector<16xi1>, vector<16xf32>
      %add3A_2282 = arith.addf %add3A_2266, %select_n3A_2281 : vector<16xf32>
      %broadcast_in_dim3A_2283 = arith.constant 26 : i32
      %broadcast_in_dim3A_2284 = vector.broadcast %broadcast_in_dim3A_2283 : i32 to vector<16xi32>
      %gather3A_2285 = tpu.vector_load_idx %arg9[%broadcast_in_dim3A_2284] : memref<32xf32, #tpu.memory_space<vmem>>[vector<16xi32>], vector<16xf32>,
      %sub3A_2286 = arith.subf %gather3A_2285, %mul3A_1316 : vector<16xf32>
      %mul3A_2287 = arith.mulf %sub3A_2286, %sub3A_2286 : vector<16xf32>
      %neg3A_2288 = arith.constant 0.000000e+00 : f32
      %neg3A_2289 = vector.broadcast %neg3A_2288 : f32 to vector<16xf32>
      %neg3A_2290 = arith.subf %neg3A_2289, %mul3A_2287 : vector<16xf32>
      %exp3A_2291 = math.exp %neg3A_2290 : vector<16xf32>
      %gt3A_2292 = arith.constant 26 : i32
      %gt3A_2293 = vector.broadcast %gt3A_2292 : i32 to vector<16xi32>
      %gt3A_2294 = arith.cmpi sgt, %add3A_6, %gt3A_2293 : vector<16xi32>
      %jit3A_2295 = arith.constant 0.000000e+00 : f32
      %broadcast_in_dim3A_2296 = vector.broadcast %jit3A_2295 : f32 to vector<16xf32>
      %select_n3A_2297 = arith.select %gt3A_2294, %exp3A_2291, %broadcast_in_dim3A_2296 : vector<16xi1>, vector<16xf32>
      %add3A_2298 = arith.addf %add3A_2282, %select_n3A_2297 : vector<16xf32>
      %broadcast_in_dim3A_2299 = arith.constant 27 : i32
      %broadcast_in_dim3A_2300 = vector.broadcast %broadcast_in_dim3A_2299 : i32 to vector<16xi32>
      %gather3A_2301 = tpu.vector_load_idx %arg9[%broadcast_in_dim3A_2300] : memref<32xf32, #tpu.memory_space<vmem>>[vector<16xi32>], vector<16xf32>,
      %sub3A_2302 = arith.subf %gather3A_2301, %mul3A_1316 : vector<16xf32>
      %mul3A_2303 = arith.mulf %sub3A_2302, %sub3A_2302 : vector<16xf32>
      %neg3A_2304 = arith.constant 0.000000e+00 : f32
      %neg3A_2305 = vector.broadcast %neg3A_2304 : f32 to vector<16xf32>
      %neg3A_2306 = arith.subf %neg3A_2305, %mul3A_2303 : vector<16xf32>
      %exp3A_2307 = math.exp %neg3A_2306 : vector<16xf32>
      %gt3A_2308 = arith.constant 27 : i32
      %gt3A_2309 = vector.broadcast %gt3A_2308 : i32 to vector<16xi32>
      %gt3A_2310 = arith.cmpi sgt, %add3A_6, %gt3A_2309 : vector<16xi32>
      %jit3A_2311 = arith.constant 0.000000e+00 : f32
      %broadcast_in_dim3A_2312 = vector.broadcast %jit3A_2311 : f32 to vector<16xf32>
      %select_n3A_2313 = arith.select %gt3A_2310, %exp3A_2307, %broadcast_in_dim3A_2312 : vector<16xi1>, vector<16xf32>
      %add3A_2314 = arith.addf %add3A_2298, %select_n3A_2313 : vector<16xf32>
      %broadcast_in_dim3A_2315 = arith.constant 28 : i32
      %broadcast_in_dim3A_2316 = vector.broadcast %broadcast_in_dim3A_2315 : i32 to vector<16xi32>
      %gather3A_2317 = tpu.vector_load_idx %arg9[%broadcast_in_dim3A_2316] : memref<32xf32, #tpu.memory_space<vmem>>[vector<16xi32>], vector<16xf32>,
      %sub3A_2318 = arith.subf %gather3A_2317, %mul3A_1316 : vector<16xf32>
      %mul3A_2319 = arith.mulf %sub3A_2318, %sub3A_2318 : vector<16xf32>
      %neg3A_2320 = arith.constant 0.000000e+00 : f32
      %neg3A_2321 = vector.broadcast %neg3A_2320 : f32 to vector<16xf32>
      %neg3A_2322 = arith.subf %neg3A_2321, %mul3A_2319 : vector<16xf32>
      %exp3A_2323 = math.exp %neg3A_2322 : vector<16xf32>
      %gt3A_2324 = arith.constant 28 : i32
      %gt3A_2325 = vector.broadcast %gt3A_2324 : i32 to vector<16xi32>
      %gt3A_2326 = arith.cmpi sgt, %add3A_6, %gt3A_2325 : vector<16xi32>
      %jit3A_2327 = arith.constant 0.000000e+00 : f32
      %broadcast_in_dim3A_2328 = vector.broadcast %jit3A_2327 : f32 to vector<16xf32>
      %select_n3A_2329 = arith.select %gt3A_2326, %exp3A_2323, %broadcast_in_dim3A_2328 : vector<16xi1>, vector<16xf32>
      %add3A_2330 = arith.addf %add3A_2314, %select_n3A_2329 : vector<16xf32>
      %mul3A_2331 = arith.mulf %add3A_2105, %select_n3A_1334 : vector<16xf32>
      %mul3A_2332 = arith.mulf %add3A_2330, %select_n3A_1340 : vector<16xf32>
      %add3A_2333 = arith.addf %mul3A_2331, %mul3A_2332 : vector<16xf32>
      %reduce_sum3A_2334 = arith.constant true
      %reduce_sum3A_2335 = vector.broadcast %reduce_sum3A_2334 : i1 to vector<16xi1>
      %reduce_sum3A_2336 = tpu.scan <sum>, %add3A_2333 masked %reduce_sum3A_2335 : vector<16xf32>, vector<16xi1> -> vector<16xf32>
      %reduce_sum3A_2337 = vector.extract %reduce_sum3A_2336[15] : f32 from vector<16xf32>
      %broadcast_in_dim3A_2338 = vector.broadcast %reduce_sum3A_2337 : f32 to vector<16xf32>
      %sub3A_2339 = arith.constant 1.000000e+00 : f32
      %sub3A_2340 = vector.broadcast %sub3A_2339 : f32 to vector<16xf32>
      %sub3A_2341 = arith.subf %broadcast_in_dim3A_1323, %sub3A_2340 : vector<16xf32>
      %mul3A_2342 = arith.mulf %broadcast_in_dim3A_1323, %sub3A_2341 : vector<16xf32>
      %max3A_2343 = arith.constant 1.000000e+00 : f32
      %max3A_2344 = vector.broadcast %max3A_2343 : f32 to vector<16xf32>
      %max3A_2345 = arith.maximumf %mul3A_2342, %max3A_2344 : vector<16xf32>
      %mul3A_2346 = arith.constant 5.000000e-01 : f32
      %mul3A_2347 = vector.broadcast %mul3A_2346 : f32 to vector<16xf32>
      %mul3A_2348 = arith.mulf %max3A_2345, %mul3A_2347 : vector<16xf32>
      %gt3A_2349 = arith.constant 1.000000e+00 : f32
      %gt3A_2350 = vector.broadcast %gt3A_2349 : f32 to vector<16xf32>
      %gt3A_2351 = arith.cmpf ogt, %broadcast_in_dim3A_1323, %gt3A_2350 : vector<16xf32>
      %div3A_2352 = arith.divf %broadcast_in_dim3A_2338, %mul3A_2348 : vector<16xf32>
      %select_n3A_2353 = arith.select %gt3A_2351, %div3A_2352, %broadcast_in_dim3A_2338 : vector<16xi1>, vector<16xf32>
      %mul3A_2354 = arith.constant 5.000000e-01 : f32
      %mul3A_2355 = vector.broadcast %mul3A_2354 : f32 to vector<16xf32>
      %mul3A_2356 = arith.mulf %select_n3A_2353, %mul3A_2355 : vector<16xf32>
      %eq3A_2357 = arith.constant 0 : i32
      %eq3A_2358 = vector.broadcast %eq3A_2357 : i32 to vector<16xi32>
      %eq3A_2359 = arith.cmpi eq, %iota3A, %eq3A_2358 : vector<16xi32>
      %eq3A_2360 = arith.constant 1 : i32
      %eq3A_2361 = vector.broadcast %eq3A_2360 : i32 to vector<16xi32>
      %eq3A_2362 = arith.cmpi eq, %iota3A, %eq3A_2361 : vector<16xi32>
      %jit3A_2363 = arith.constant 0.000000e+00 : f32
      %broadcast_in_dim3A_2364 = vector.broadcast %jit3A_2363 : f32 to vector<16xf32>
      %select_n3A_2365 = arith.select %eq3A_2362, %select_n3A_1765, %broadcast_in_dim3A_2364 : vector<16xi1>, vector<16xf32>
      %select_n3A_2366 = arith.select %eq3A_2359, %mul3A_2356, %select_n3A_2365 : vector<16xi1>, vector<16xf32>
      %swap3A_2367 = arith.constant 0 : index
      %swap3A_2368 = tpu.vector_load %arg10[%swap3A_2367] {strides = array<i32>} : memref<16xf32, #tpu.memory_space<vmem>>, vector<16xf32>,
      tpu.vector_store %arg10[%swap3A_2367], %select_n3A_2366 {strides = array<i32>} : memref<16xf32, #tpu.memory_space<vmem>>, vector<16xf32>,
      "tpu.region"() ({
        %run_scoped3A = tpu.sem_alloc : memref<!tpu.dma_semaphore, #tpu.memory_space<semaphore_mem>>
        %dma_start3A = arith.constant 0 : i32
        %dma_start3A_2369 = tpu.memref_slice %arg4[%add3A, %dma_start3A] : memref<16x16xf32, #tpu.memory_space<hbm>> -> memref<1x16xf32, #tpu.memory_space<hbm>>
        %dma_start3A_2370 = tpu.memref_squeeze %dma_start3A_2369 : memref<1x16xf32, #tpu.memory_space<hbm>> -> memref<16xf32, #tpu.memory_space<hbm>>
        %dma_start3A_2371 = arith.constant 0 : i32
        %dma_start3A_2372 = tpu.memref_slice %arg4[%add3A, %dma_start3A_2371] : memref<16x16xf32, #tpu.memory_space<hbm>> -> memref<1x16xf32, #tpu.memory_space<hbm>>
        %dma_start3A_2373 = tpu.memref_squeeze %dma_start3A_2372 : memref<1x16xf32, #tpu.memory_space<hbm>> -> memref<16xf32, #tpu.memory_space<hbm>>
        tpu.enqueue_dma source(%arg10 : memref<16xf32, #tpu.memory_space<vmem>>) target(%dma_start3A_2373 : memref<16xf32, #tpu.memory_space<hbm>>) target_semaphore(%run_scoped3A : memref<!tpu.dma_semaphore, #tpu.memory_space<semaphore_mem>>)
        %dma_wait3A = arith.constant 0 : i32
        %dma_wait3A_2374 = tpu.memref_slice %arg4[%add3A, %dma_wait3A] : memref<16x16xf32, #tpu.memory_space<hbm>> -> memref<1x16xf32, #tpu.memory_space<hbm>>
        %dma_wait3A_2375 = tpu.memref_squeeze %dma_wait3A_2374 : memref<1x16xf32, #tpu.memory_space<hbm>> -> memref<16xf32, #tpu.memory_space<hbm>>
        %dma_wait3A_2376 = arith.constant 0 : i32
        %dma_wait3A_2377 = tpu.memref_slice %arg4[%add3A, %dma_wait3A_2376] : memref<16x16xf32, #tpu.memory_space<hbm>> -> memref<1x16xf32, #tpu.memory_space<hbm>>
        %dma_wait3A_2378 = tpu.memref_squeeze %dma_wait3A_2377 : memref<1x16xf32, #tpu.memory_space<hbm>> -> memref<16xf32, #tpu.memory_space<hbm>>
        tpu.wait_dma2 semaphore(%run_scoped3A : memref<!tpu.dma_semaphore, #tpu.memory_space<semaphore_mem>>) src(%arg10 : memref<16xf32, #tpu.memory_space<vmem>>) dst(%dma_wait3A_2378 : memref<16xf32, #tpu.memory_space<hbm>>)
        tpu.yield
      }) : () -> ()
    } else {
    }
    return
  }
}

</mosaic_0001>

<sc_bundles>
// kernel: kernel.3.cloned.1.call-start
scs
__scs_entry_jumppad:
0x0: {  	(pc) =	sbr.rel $0x88, $3  }
0x1: {  	(tag) =	ssettag $0x0;
	lr =	simm.s32 $0x1  }
0x2: {  	[smem:$0x3F9F] =	sst lr;
	_ =	strace $0xD0000000  }
0x3: {  	_ = 	snop  }
0x4: {  	_ = 	snop  }
0x5: {  	_ = 	snop  }
0x6: {  	_ = 	snop  }
0x7: {  	_ = 	snop  }
__scs_overlays_trampoline_lowered:
0x8: {  	[smem:$0x3FAE] =	sst s0  }
0x9: {  	[smem:$0x3FAF] =	sst s1  }
0xa: {  	[smem:$0x3FB0] =	sst s2  }
0xb: {  	[smem:$0x3FB1] =	sst s3  }
0xc: {  	[smem:$0x3FB2] =	sst s4  }
0xd: {  	[smem:$0x3FB3] =	sst s5  }
0xe: {  	[smem:$0x3FB4] =	sst s6  }
0xf: {  	[smem:$0x3FB5] =	sst s7  }
0x10: {  	[smem:$0x3FB6] =	sst s8  }
0x11: {  	[smem:$0x3FB7] =	sst s9;
	s0 =	simm.s32 @!p0 $0x0  }
0x12: {  	s1 =	sld [smem:$0x3F9D];
	s0 =	simm.s32 @p0 $0x1  }
0x13: {  	[smem:$0x3FB8] =	sst s0;
	s0 =	simm.s32 @!p1 $0x0  }
0x14: {  	s2 =	sld [smem:$0x3F9C];
	s0 =	simm.s32 @p1 $0x1  }
0x15: {  	[smem:$0x3FB9] =	sst s0;
	s0 =	simm.s32 @!p2 $0x0  }
0x16: {  	s3 =	sld [smem:$0x3FDB];
	s0 =	simm.s32 @p2 $0x1  }
0x17: {  	s4 =	simm.s32 $0x1BF5;
	[smem:$0x3FBB] =	sst s0  }
0x18: {  	s0 =	sld [smem:$0x3F9E];
	_ =	swait.ge [sflag:s4], $0x0  }
0x19: {  	s7 =	sld [smem:$0x3F9F]  }
0x1a: {  	s8 =	sadd.s32 $0xFFFFE003, lr  }
0x1b: {  	s9 =	sadd.s32 $0xFFFFFEF7, lr;
	s5 =	simm.s32 $0xFFFFFFFF;
	p2 =	slt.u32 s8, $0xFFFFF086  }
0x1c: {  	p1 =	slt.u32 s9, $0xF7A;
	s5 =	simm.s32 @!p2 $0x0  }
0x1d: {  	s5 =	simm.s32 @p1 $0x1;
	p0 =	seq.s32 s7, s2  }
0x1e: {  	s7 =	smul.u32 @!p0 $0xF7A, s2;
	p2 =	seq.s32 @!p0 s5, $0x0  }
0x1f: {  	s9 =	smul.u32 $0xF7A, s1;
	s8 =	simm.s32 @!p0 $0x1BF5;
	p2 =	por !p2, p0  }
0x20: {  	[sflag:s8] =	ssyncset.s32 @!p0 $0xFFFFF086;
	s6 =	sadd.s32 @!p0 s3, s7;
	s7 =	simm.s32 @!p0 $0x108  }
0x21: {  	s3 =	sadd.s32 s3, s9;
	s6 =	sadd.s32 @!p0 $0x88, s6;
	s7 =	simm.s32 @p2 $0x1082  }
0x22: {  	[simem:s7], [sflag:s8] =	dma.local @!p0 [hbm:s6], $0xF7A  }
0x23: {  	s9 =	sor.u32 $0xD0000000, s2;
	s6 =	simm.s32 $0x108;
	_ =	swait.ge @!p0 [sflag:s8], $0x0  }
0x24: {  	s3 =	sadd.s32 $0x88, s3;
	s6 =	simm.s32 @!p1 $0x1082;
	[sflag:s4] =	ssyncset.s32 $0xFFFFF086  }
0x25: {  	[simem:s6], [sflag:s4] =	dma.local [hbm:s3], $0xF7A  }
0x26: {  	[smem:$0x3F9F] =	sst s1;
	(tag) =	ssettag s2;
	_ =	strace s9  }
0x27: {  	s1 =	sld [smem:$0x3FAF]  }
0x28: {  	s2 =	sld [smem:$0x3FB0]  }
0x29: {  	s4 =	sld [smem:$0x3FB2]  }
0x2a: {  	p0 =	seq.s32 s5, $0x0;
	s5 =	sld [smem:$0x3FB3]  }
0x2b: {  	s6 =	sld [smem:$0x3FB4]  }
0x2c: {  	s7 =	sld [smem:$0x3FB5]  }
0x2d: {  	s3 =	simm.s32 $0x108;
	s8 =	sld [smem:$0x3FB6]  }
0x2e: {  	s3 =	simm.s32 @!p0 $0x1082;
	s9 =	sld [smem:$0x3FB7]  }
0x2f: {  	lr =	sadd.s32 s0, s3;
	s0 =	sld [smem:$0x3FAE]  }
0x30: {  	s3 =	sld [smem:$0x3FB1]  }
0x31: {  	[smem:$0x3FBA] =	sst s10  }
0x32: {  	s10 =	sld [smem:$0x3FB8];
	_ =	sdelay $0x3  }
0x33: {  	p0 =	seq.s32 s10, $0x1;
	s10 =	sld [smem:$0x3FBA];
	_ =	sdelay $0x3  }
0x34: {  	[smem:$0x3FBA] =	sst s10  }
0x35: {  	s10 =	sld [smem:$0x3FB9];
	_ =	sdelay $0x3  }
0x36: {  	p1 =	seq.s32 s10, $0x1;
	s10 =	sld [smem:$0x3FBA];
	_ =	sdelay $0x3  }
0x37: {  	[smem:$0x3FBA] =	sst s10  }
0x38: {  	s10 =	sld [smem:$0x3FBB]  }
0x39: {  	_ = 	snop;
	(pc) =	sbr.ind lr, $3  }
0x3a: {  	_ = 	snop  }
0x3b: {  	_ = 	snop  }
0x3c: {  	p2 =	seq.s32 s10, $0x1;
	s10 =	sld [smem:$0x3FBA]  }
0x3d: {  	_ =	shalt  }
0x3e: {  	_ =	shalt  }
0x3f: {  	_ =	shalt  }
0x40: {  	_ =	shalt  }
0x41: {  	_ =	shalt  }
0x42: {  	_ =	shalt  }
0x43: {  	_ =	shalt  }
0x44: {  	_ =	shalt  }
0x45: {  	_ =	shalt  }
0x46: {  	_ =	shalt  }
0x47: {  	_ =	shalt  }
0x48: {  	_ =	shalt  }
0x49: {  	_ =	shalt  }
0x4a: {  	_ =	shalt  }
0x4b: {  	_ =	shalt  }
0x4c: {  	_ =	shalt  }
0x4d: {  	_ =	shalt  }
0x4e: {  	_ =	shalt  }
0x4f: {  	_ =	shalt  }
0x50: {  	_ =	shalt  }
0x51: {  	_ =	shalt  }
0x52: {  	_ =	shalt  }
0x53: {  	_ =	shalt  }
0x54: {  	_ =	shalt  }
0x55: {  	_ =	shalt  }
0x56: {  	_ =	shalt  }
0x57: {  	_ =	shalt  }
0x58: {  	_ =	shalt  }
0x59: {  	_ =	shalt  }
0x5a: {  	_ =	shalt  }
0x5b: {  	_ =	shalt  }
0x5c: {  	_ =	shalt  }
0x5d: {  	_ =	shalt  }
0x5e: {  	_ =	shalt  }
0x5f: {  	_ =	shalt  }
0x60: {  	_ =	shalt  }
0x61: {  	_ =	shalt  }
0x62: {  	_ =	shalt  }
0x63: {  	_ =	shalt  }
0x64: {  	_ =	shalt  }
0x65: {  	_ =	shalt  }
0x66: {  	_ =	shalt  }
0x67: {  	_ =	shalt  }
0x68: {  	_ =	shalt  }
0x69: {  	_ =	shalt  }
0x6a: {  	_ =	shalt  }
0x6b: {  	_ =	shalt  }
0x6c: {  	_ =	shalt  }
0x6d: {  	_ =	shalt  }
0x6e: {  	_ =	shalt  }
0x6f: {  	_ =	shalt  }
0x70: {  	_ =	shalt  }
0x71: {  	_ =	shalt  }
0x72: {  	_ =	shalt  }
0x73: {  	_ =	shalt  }
0x74: {  	_ =	shalt  }
0x75: {  	_ =	shalt  }
0x76: {  	_ =	shalt  }
0x77: {  	_ =	shalt  }
0x78: {  	_ =	shalt  }
0x79: {  	_ =	shalt  }
0x7a: {  	_ =	shalt  }
0x7b: {  	_ =	shalt  }
0x7c: {  	_ =	shalt  }
0x7d: {  	_ =	shalt  }
0x7e: {  	_ =	shalt  }
0x7f: {  	_ =	shalt  }
0x80: {  	_ =	shalt  }
0x81: {  	_ =	shalt  }
0x82: {  	_ =	shalt  }
0x83: {  	_ =	shalt  }
0x84: {  	_ =	shalt  }
0x85: {  	_ =	shalt  }
0x86: {  	_ =	shalt  }
0x87: {  	_ =	shalt  }
.Lfunc_end0:
.L_simem_size_0:
called_computation_lowered:
.L_overlay_start_0:
0x88: {  	s2 =	sld [smem:$0x3FD9]  }
0x89: {  	s3 =	sld [smem:$0x3FFE];
	_ =	sdelay $0x1  }
0x8a: {  	s1 =	srdreg.scid  }
0x8b: {  	s0 =	sand.u32 $0x1, s1  }
0x8c: {  	s16 =	sshll.u32 s0, $0xA;
	s2 =	sadd.s32 s3, s2  }
0x8d: {  	s2 =	sadd.s32 s2, s16  }
0x8e: {  	[smem:$0x3FC6] =	sst s2  }
0x8f: {  	_ = 	snop  }
0x90: {  	(tm) =	ssettm $0x1  }
0x91: {  	s17 =	sld [smem:$0x3FFB];
	_ =	sdelay $0x3  }
0x92: {  	_ =	strace s17  }
0x93: {  	s2 =	sld [smem:$0x3FFC];
	_ =	sdelay $0x3  }
0x94: {  	_ =	strace s2  }
0x95: {  	s2 =	sld [smem:$0x3FFD];
	_ =	sdelay $0x3  }
0x96: {  	_ =	strace s2  }
0x97: {  	_ =	strace $0x8FFFFFFF  }
0x98: {  	s18 =	sld [smem:$0x3FDB];
	_ =	sdelay $0x1  }
0x99: {  	s19 =	simm.s32 $_scs_section_size  }
0x9a: {  	s4 =	simm.s32 $_size__tile_overlayer_lowered;
	s5 =	simm.s32 $_tile_overlayer_lowered  }
0x9b: {  	s22 =	simm.s32 $0x1BFF;
	s21 =	sshll.u32 s5, $0x1;
	s2 =	sadd.s32 s19, s18  }
0x9c: {  	s6 =	simm.s32 $0x0;
	s20 =	sshll.u32 s4, $0x1;
	s4 =	sadd.s32 s21, s2  }
0x9d: {  	[timem:s6], [sflag:s22] =	dma.local [hbm:s4], s20  }
0x9e: {  	_ =	swait.ge [sflag:s22], s20  }
0x9f: {  	s3 =	ssub.s32 $0x0, s20;
	[sflag:s22] =	ssyncset.done $0x0  }
0xa0: {  	[sflag:s22] =	ssyncadd.s32 s3;
	_ =	sdelay $0x1  }
0xa1: {  	s23 =	simm.s32 $0x1B8B  }
0xa2: {  	_ =	swait.ge [sflag:s23], $0x1  }
0xa3: {  	[sflag:s23] =	ssyncset.done $0x0  }
0xa4: {  	s25 =	simm.s32 $0x1B8E;
	s24 =	sld [smem:$0x3FFE];
	[sflag:s23] =	ssyncadd.s32 $0xFFFFFFFF  }
0xa5: {  	s26 =	simm.s32 $execute0_lowered;
	[smem:$0x3FD2] =	sst s25  }
0xa6: {  	s4 =	sshll.u32 s26, $0x1;
	_ =	strace $0x80000046;
	[dreg:$0x1] =	wrdreg $0xFFFFFFFF  }
0xa7: {  	s28 =	simm.s32 $_size_execute0_lowered;
	s2 =	sadd.s32 s2, s4;
	[dreg:$0x0] =	wrdreg $0x0  }
0xa8: {  	s4 =	sshll.u32 s28, $0x1;
	[dreg:$0x2] =	wrdreg s2  }
0xa9: {  	[dreg:$0x3] =	wrdreg s4  }
0xaa: {  	[dreg:$0x4] =	wrdreg $0xC0  }
0xab: {  	_ =	task [dreg:s6], $0x5FFFF  }
0xac: {  	[dreg:$0x1] =	wrdreg $0xFFFFFFFF  }
0xad: {  	[dreg:$0x0] =	wrdreg $0x60  }
0xae: {  	[dreg:$0x2] =	wrdreg s24  }
0xaf: {  	[dreg:$0x3] =	wrdreg $0x9  }
0xb0: {  	_ =	task.clear_ibuf [dreg:s6], $0x4FFFF;
	_ =	strace $0x90000046  }
0xb1: {  	s29 =	simm.s32 $0x9;
	_ =	strace $0x80000048  }
0xb2: {  	_ =	swait.ge [sflag:s29], $0x1  }
0xb3: {  	[sflag:s29] =	ssyncadd.s32 $0xFFFFFFFF  }
0xb4: {  	_ =	strace $0x90000048  }
0xb5: {  	_ =	sfence  }
0xb6: {  	s30 =	sld [smem:$0x0];
	_ =	sdelay $0x2  }
0xb7: {  	s31 =	sshll.u32 s1, $0xD;
	s1 =	sshrl.u32 s1, $0x2  }
0xb8: {  	s3 =	sand.u32 $0x4000, s31;
	s1 =	sadd.s32 s1, s30  }
0xb9: {  	s0 =	sor.u32 s3, s0;
	s1 =	sshll.u32 s1, $0x11  }
0xba: {  	s0 =	sor.u32 s1, s0  }
0xbb: {  	s0 =	sadd.s32 $0x8F2B, s0  }
0xbc: {  	[sflag:s0] =	ssyncadd.remote.s32 $0x1  }
0xbd: {  	_ =	sfence.sel $0xFFFF  }
0xbe: {  	[dreg:$0x0] =	wrdreg $0xFFFFFFFF;
	(pc) =	sbr.abs _section_cstart, $3  }
0xbf: {  	[dreg:$0x1] =	wrdreg $0xFFFFFFFF  }
0xc0: {  	_ =	task.clear_ibuf [dreg:s6], $0x2FFFF;
	_ =	strace $0x9FFFFFFF  }
0xc1: {  	(tm) =	ssettm $0x7FFFFFFF  }
tec
execute0_lowered:
.L_overlay_start_1:
0x0: {  	(tag) =	ssettag $0x1  }
0x1: {  	s1 =	stileid.u32  }
0x2: {  	p0 =	sgt.u32 s1, $0x7  }
.Ltmp0:
0x3: {  	_ = 	snop;
	(pc) =	sbr.rel @p0 .LBB2_3-.Ltmp0, $4  }
0x4: {  	_ = 	snop  }
0x5: {  	s3 =	rddreg [dreg:$0x0];
	s2 =	simm.s32 $0x0  }
0x6: {  	[smem:$0x7FF] =	sst s2  }
0x7: {  	s0 =	rddreg [dreg:$0x1];
	_ =	strace $0x80000047  }
0x8: {  	v0 =	vimm.s32 $0x3DA;
	vm5 =	vcmask $0x300;
	v1 =	vlaneseq.u32  }
0x9: {  	vm6 =	vcmask $0x704;
	vm7 =	vcmask $0xB08;
	vm2 =	vcmask $0xF0C  }
0xa: {  	vm3 =	vcmask $0x1310;
	vm4 =	vcmask $0x1714;
	vm0 =	vcmask $0x1B18  }
0xb: {  	v19 =	vimm.s32 $0x3DB;
	vm1 =	vcmask $0x1F1C;
	v4 =	vimm.f32 $0.0e+00  }
0xc: {  	vm8 =	vcmask $0x2320;
	v3 =	vimm.s32 $0x3DC;
	vm9 =	vcmask $0x2724  }
0xd: {  	vm10 =	vcmask $0x2B28;
	vm11 =	vcmask $0x2F2C;
	vm12 =	vcmask $0x3330  }
0xe: {  	vm13 =	vcmask $0x3700;
	v24 =	vimm.s32 $0x3DD;
	v1 =	vmul.u32 $0x22, v1  }
0xf: {  	v28 =	vimm.s32 $0x3DE;
	v29 =	vimm.s32 $0x3DF;
	v35 =	vimm.s32 $0x3E0  }
0x10: {  	v37 =	vimm.s32 $0x3E1;
	v0 =	vsel vm5, $0x220, v0;
	v2 =	vor.u32 $0x1, v1  }
0x11: {  	v39 =	vimm.s32 $0x3E2;
	v0 =	vsel vm6, $0x242, v0;
	[tilespmem:$0x1FBD0] =	vst v2;
	v2 =	vsel vm5, $0x221, v19  }
0x12: {  	v43 =	vimm.s32 $0x3E3;
	v0 =	vsel vm7, $0x264, v0;
	v2 =	vsel vm6, $0x243, v2  }
0x13: {  	v47 =	vimm.s32 $0x3E4;
	v0 =	vsel vm2, $0x286, v0;
	v2 =	vsel vm7, $0x265, v2  }
0x14: {  	v3 =	vsel vm5, $0x222, v3;
	v0 =	vsel vm3, $0x2A8, v0;
	v2 =	vsel vm2, $0x287, v2  }
0x15: {  	v3 =	vsel vm6, $0x244, v3;
	v0 =	vsel vm4, $0x2CA, v0;
	v2 =	vsel vm3, $0x2A9, v2  }
0x16: {  	v3 =	vsel vm7, $0x266, v3;
	v0 =	vsel vm0, $0x2EC, v0;
	v2 =	vsel vm4, $0x2CB, v2  }
0x17: {  	v3 =	vsel vm2, $0x288, v3;
	v0 =	vsel vm1, $0x30E, v0;
	v2 =	vsel vm0, $0x2ED, v2  }
0x18: {  	v3 =	vsel vm3, $0x2AA, v3;
	v0 =	vsel vm8, $0x330, v0;
	v2 =	vsel vm1, $0x30F, v2  }
0x19: {  	v3 =	vsel vm4, $0x2CC, v3;
	v0 =	vsel vm9, $0x352, v0;
	v2 =	vsel vm8, $0x331, v2  }
0x1a: {  	v3 =	vsel vm0, $0x2EE, v3;
	v0 =	vsel vm10, $0x374, v0;
	v2 =	vsel vm9, $0x353, v2  }
0x1b: {  	v3 =	vsel vm1, $0x310, v3;
	v0 =	vsel vm11, $0x396, v0;
	v2 =	vsel vm10, $0x375, v2  }
0x1c: {  	v21 =	vsel vm8, $0x332, v3;
	v0 =	vsel vm12, $0x3B8, v0;
	v20 =	vsel vm11, $0x397, v2  }
0x1d: {  	v48 =	vimm.s32 $0x3E5;
	v22 =	vsel vm9, $0x354, v21;
	[tilespmem:$0x1FBE0] =	vst v0;
	v0 =	vsel vm12, $0x3B9, v20  }
0x1e: {  	v54 =	vimm.s32 $0x3E6;
	v56 =	vimm.s32 $0x3E7;
	[tilespmem:$0x1FBF0] =	vst v0;
	v0 =	vsel vm10, $0x376, v22  }
0x1f: {  	v58 =	vimm.s32 $0x3E8;
	v2 =	vsel vm5, $0x223, v24;
	v0 =	vsel vm11, $0x398, v0  }
0x20: {  	v62 =	vimm.s32 $0x3E9;
	v27 =	vsel vm6, $0x245, v2;
	v0 =	vsel vm12, $0x3BA, v0  }
0x21: {  	v8 =	vimm.s32 $0x3EA;
	v9 =	vimm.s32 $0x3EB;
	[tilespmem:$0x1FC30] =	vst v0;
	v0 =	vsel vm7, $0x267, v27  }
0x22: {  	v15 =	vimm.s32 $0x3EC;
	v2 =	vsel vm5, $0x224, v28;
	v0 =	vsel vm2, $0x289, v0  }
0x23: {  	v17 =	vimm.s32 $0x3ED;
	v2 =	vsel vm6, $0x246, v2;
	v0 =	vsel vm3, $0x2AB, v0  }
0x24: {  	v3 =	vsel vm5, $0x225, v29;
	v2 =	vsel vm7, $0x268, v2;
	v0 =	vsel vm4, $0x2CD, v0  }
0x25: {  	v3 =	vsel vm6, $0x247, v3;
	v2 =	vsel vm2, $0x28A, v2;
	v0 =	vsel vm0, $0x2EF, v0  }
0x26: {  	v3 =	vsel vm7, $0x269, v3;
	v2 =	vsel vm3, $0x2AC, v2;
	v0 =	vsel vm1, $0x311, v0  }
0x27: {  	v3 =	vsel vm2, $0x28B, v3;
	v2 =	vsel vm4, $0x2CE, v2;
	v0 =	vsel vm8, $0x333, v0  }
0x28: {  	v3 =	vsel vm3, $0x2AD, v3;
	v2 =	vsel vm0, $0x2F0, v2;
	v0 =	vsel vm9, $0x355, v0  }
0x29: {  	v3 =	vsel vm4, $0x2CF, v3;
	v2 =	vsel vm1, $0x312, v2;
	v0 =	vsel vm10, $0x377, v0  }
0x2a: {  	v3 =	vsel vm0, $0x2F1, v3;
	v2 =	vsel vm8, $0x334, v2;
	v0 =	vsel vm11, $0x399, v0  }
0x2b: {  	v3 =	vsel vm1, $0x313, v3;
	v30 =	vsel vm9, $0x356, v2;
	v0 =	vsel vm12, $0x3BB, v0  }
0x2c: {  	v23 =	vsel vm13, $0x3F800000, v4;
	v3 =	vsel vm8, $0x335, v3;
	[tilespmem:$0x1FC40] =	vst v0;
	v0 =	vsel vm10, $0x378, v30  }
0x2d: {  	[tilespmem:$0x1FC00] =	vst v23;
	v23 =	vimm.s32 $0x3EF;
	v31 =	vsel vm9, $0x357, v3;
	v0 =	vsel vm11, $0x39A, v0  }
0x2e: {  	v25 =	vadd.s32 $0x2, v1;
	v2 =	vsel vm10, $0x379, v31;
	v0 =	vsel vm12, $0x3BC, v0  }
0x2f: {  	v26 =	vadd.s32 $0x3, v1;
	v2 =	vsel vm11, $0x39B, v2;
	[tilespmem:$0x1FC70] =	vst v0;
	v0 =	vsel vm5, $0x226, v35  }
0x30: {  	v34 =	vsel vm12, $0x3BD, v2;
	v2 =	vsel vm5, $0x227, v37;
	v0 =	vsel vm6, $0x248, v0  }
0x31: {  	v32 =	vadd.s32 $0x4, v1;
	v2 =	vsel vm6, $0x249, v2;
	v0 =	vsel vm7, $0x26A, v0  }
0x32: {  	v3 =	vsel vm5, $0x228, v39;
	v2 =	vsel vm7, $0x26B, v2;
	v0 =	vsel vm2, $0x28C, v0  }
0x33: {  	v3 =	vsel vm6, $0x24A, v3;
	v2 =	vsel vm2, $0x28D, v2;
	v0 =	vsel vm3, $0x2AE, v0  }
0x34: {  	v3 =	vsel vm7, $0x26C, v3;
	v2 =	vsel vm3, $0x2AF, v2;
	v0 =	vsel vm4, $0x2D0, v0  }
0x35: {  	v3 =	vsel vm2, $0x28E, v3;
	v2 =	vsel vm4, $0x2D1, v2;
	v0 =	vsel vm0, $0x2F2, v0  }
0x36: {  	v3 =	vsel vm3, $0x2B0, v3;
	v2 =	vsel vm0, $0x2F3, v2;
	v0 =	vsel vm1, $0x314, v0  }
0x37: {  	v3 =	vsel vm4, $0x2D2, v3;
	v2 =	vsel vm1, $0x315, v2;
	v0 =	vsel vm8, $0x336, v0  }
0x38: {  	v3 =	vsel vm0, $0x2F4, v3;
	v2 =	vsel vm8, $0x337, v2;
	v0 =	vsel vm9, $0x358, v0  }
0x39: {  	v3 =	vsel vm1, $0x316, v3;
	v2 =	vsel vm9, $0x359, v2;
	v0 =	vsel vm10, $0x37A, v0  }
0x3a: {  	v3 =	vsel vm8, $0x338, v3;
	v2 =	vsel vm10, $0x37B, v2;
	v0 =	vsel vm11, $0x39C, v0  }
0x3b: {  	v41 =	vsel vm9, $0x35A, v3;
	v40 =	vsel vm11, $0x39D, v2;
	v0 =	vsel vm12, $0x3BE, v0  }
0x3c: {  	v33 =	vadd.s32 $0x5, v1;
	v42 =	vsel vm10, $0x37C, v41;
	[tilespmem:$0x1FCB0] =	vst v0;
	v0 =	vsel vm12, $0x3BF, v40  }
0x3d: {  	v36 =	vadd.s32 $0x6, v1;
	v2 =	vsel vm5, $0x229, v43;
	[tilespmem:$0x1FCC0] =	vst v0;
	v0 =	vsel vm11, $0x39E, v42  }
0x3e: {  	v38 =	vadd.s32 $0x7, v1;
	v46 =	vsel vm6, $0x24B, v2;
	v0 =	vsel vm12, $0x3C0, v0  }
0x3f: {  	v44 =	vadd.s32 $0x8, v1;
	v45 =	vadd.s32 $0x9, v1;
	[tilespmem:$0x1FCF0] =	vst v0;
	v0 =	vsel vm7, $0x26D, v46  }
0x40: {  	v51 =	vadd.s32 $0xA, v1;
	v2 =	vsel vm5, $0x22A, v47;
	v0 =	vsel vm2, $0x28F, v0  }
0x41: {  	v52 =	vadd.s32 $0xB, v1;
	v2 =	vsel vm6, $0x24C, v2;
	v0 =	vsel vm3, $0x2B1, v0  }
0x42: {  	v3 =	vsel vm5, $0x22B, v48;
	v2 =	vsel vm7, $0x26E, v2;
	v0 =	vsel vm4, $0x2D3, v0  }
0x43: {  	v3 =	vsel vm6, $0x24D, v3;
	v2 =	vsel vm2, $0x290, v2;
	v0 =	vsel vm0, $0x2F5, v0  }
0x44: {  	v3 =	vsel vm7, $0x26F, v3;
	v2 =	vsel vm3, $0x2B2, v2;
	v0 =	vsel vm1, $0x317, v0  }
0x45: {  	v3 =	vsel vm2, $0x291, v3;
	v2 =	vsel vm4, $0x2D4, v2;
	v0 =	vsel vm8, $0x339, v0  }
0x46: {  	v3 =	vsel vm3, $0x2B3, v3;
	v2 =	vsel vm0, $0x2F6, v2;
	v0 =	vsel vm9, $0x35B, v0  }
0x47: {  	v3 =	vsel vm4, $0x2D5, v3;
	v2 =	vsel vm1, $0x318, v2;
	v0 =	vsel vm10, $0x37D, v0  }
0x48: {  	v3 =	vsel vm0, $0x2F7, v3;
	v2 =	vsel vm8, $0x33A, v2;
	v0 =	vsel vm11, $0x39F, v0  }
0x49: {  	v3 =	vsel vm1, $0x319, v3;
	v49 =	vsel vm9, $0x35C, v2;
	v0 =	vsel vm12, $0x3C1, v0  }
0x4a: {  	v55 =	vadd.s32 $0xC, v1;
	v3 =	vsel vm8, $0x33B, v3;
	[tilespmem:$0x1FD00] =	vst v0;
	v0 =	vsel vm10, $0x37E, v49  }
0x4b: {  	v57 =	vadd.s32 $0xD, v1;
	v50 =	vsel vm9, $0x35D, v3;
	v0 =	vsel vm11, $0x3A0, v0  }
0x4c: {  	v63 =	vadd.s32 $0xE, v1;
	v2 =	vsel vm10, $0x37F, v50;
	v0 =	vsel vm12, $0x3C2, v0  }
0x4d: {  	v6 =	vadd.s32 $0xF, v1;
	v2 =	vsel vm11, $0x3A1, v2;
	[tilespmem:$0x1FD30] =	vst v0;
	v0 =	vsel vm5, $0x22C, v54  }
0x4e: {  	v53 =	vsel vm12, $0x3C3, v2;
	v2 =	vsel vm5, $0x22D, v56;
	v0 =	vsel vm6, $0x24E, v0  }
0x4f: {  	v12 =	vadd.s32 $0x10, v1;
	v2 =	vsel vm6, $0x24F, v2;
	v0 =	vsel vm7, $0x270, v0  }
0x50: {  	v3 =	vsel vm5, $0x22E, v58;
	v2 =	vsel vm7, $0x271, v2;
	v0 =	vsel vm2, $0x292, v0  }
0x51: {  	v3 =	vsel vm6, $0x250, v3;
	v2 =	vsel vm2, $0x293, v2;
	v0 =	vsel vm3, $0x2B4, v0  }
0x52: {  	v3 =	vsel vm7, $0x272, v3;
	v2 =	vsel vm3, $0x2B5, v2;
	v0 =	vsel vm4, $0x2D6, v0  }
0x53: {  	v3 =	vsel vm2, $0x294, v3;
	v2 =	vsel vm4, $0x2D7, v2;
	v0 =	vsel vm0, $0x2F8, v0  }
0x54: {  	v3 =	vsel vm3, $0x2B6, v3;
	v2 =	vsel vm0, $0x2F9, v2;
	v0 =	vsel vm1, $0x31A, v0  }
0x55: {  	v3 =	vsel vm4, $0x2D8, v3;
	v2 =	vsel vm1, $0x31B, v2;
	v0 =	vsel vm8, $0x33C, v0  }
0x56: {  	v3 =	vsel vm0, $0x2FA, v3;
	v2 =	vsel vm8, $0x33D, v2;
	v0 =	vsel vm9, $0x35E, v0  }
0x57: {  	v3 =	vsel vm1, $0x31C, v3;
	v2 =	vsel vm9, $0x35F, v2;
	v0 =	vsel vm10, $0x380, v0  }
0x58: {  	v3 =	vsel vm8, $0x33E, v3;
	v2 =	vsel vm10, $0x381, v2;
	v0 =	vsel vm11, $0x3A2, v0  }
0x59: {  	v60 =	vsel vm9, $0x360, v3;
	v59 =	vsel vm11, $0x3A3, v2;
	v0 =	vsel vm12, $0x3C4, v0  }
0x5a: {  	v13 =	vadd.s32 $0x11, v1;
	v61 =	vsel vm10, $0x382, v60;
	[tilespmem:$0x1FD70] =	vst v0;
	v0 =	vsel vm12, $0x3C5, v59  }
0x5b: {  	v16 =	vadd.s32 $0x12, v1;
	v2 =	vsel vm5, $0x22F, v62;
	[tilespmem:$0x1FD80] =	vst v0;
	v0 =	vsel vm11, $0x3A4, v61  }
0x5c: {  	v18 =	vadd.s32 $0x13, v1;
	[tilespmem:$0x1FC10] =	vst v25;
	v7 =	vsel vm6, $0x251, v2;
	v0 =	vsel vm12, $0x3C6, v0  }
0x5d: {  	v19 =	vimm.s32 $0x3EE;
	v25 =	vadd.s32 $0x15, v1;
	[tilespmem:$0x1FDB0] =	vst v0;
	v0 =	vsel vm7, $0x273, v7  }
0x5e: {  	[tilespmem:$0x1FC50] =	vst v32;
	v32 =	vadd.s32 $0x17, v1;
	v2 =	vsel vm5, $0x230, v8;
	v0 =	vsel vm2, $0x295, v0  }
0x5f: {  	[tilespmem:$0x1FC90] =	vst v36;
	v36 =	vimm.s32 $0x3F4;
	v2 =	vsel vm6, $0x252, v2;
	v0 =	vsel vm3, $0x2B7, v0  }
0x60: {  	v3 =	vsel vm5, $0x231, v9;
	v2 =	vsel vm7, $0x274, v2;
	v0 =	vsel vm4, $0x2D9, v0  }
0x61: {  	v3 =	vsel vm6, $0x253, v3;
	v2 =	vsel vm2, $0x296, v2;
	v0 =	vsel vm0, $0x2FB, v0  }
0x62: {  	v3 =	vsel vm7, $0x275, v3;
	v2 =	vsel vm3, $0x2B8, v2;
	v0 =	vsel vm1, $0x31D, v0  }
0x63: {  	v3 =	vsel vm2, $0x297, v3;
	v2 =	vsel vm4, $0x2DA, v2;
	v0 =	vsel vm8, $0x33F, v0  }
0x64: {  	v3 =	vsel vm3, $0x2B9, v3;
	v2 =	vsel vm0, $0x2FC, v2;
	v0 =	vsel vm9, $0x361, v0  }
0x65: {  	v3 =	vsel vm4, $0x2DB, v3;
	v2 =	vsel vm1, $0x31E, v2;
	v0 =	vsel vm10, $0x383, v0  }
0x66: {  	v3 =	vsel vm0, $0x2FD, v3;
	v2 =	vsel vm8, $0x340, v2;
	v0 =	vsel vm11, $0x3A5, v0  }
0x67: {  	[tilespmem:$0x1FD20] =	vst v52;
	v3 =	vsel vm1, $0x31F, v3;
	v10 =	vsel vm9, $0x362, v2;
	v0 =	vsel vm12, $0x3C7, v0  }
0x68: {  	v52 =	vimm.s32 $0x3FB;
	v3 =	vsel vm8, $0x341, v3;
	[tilespmem:$0x1FDC0] =	vst v0;
	v0 =	vsel vm10, $0x384, v10  }
0x69: {  	[tilespmem:$0x1FD90] =	vst v63;
	v63 =	vadd.s32 $0x1D, v1;
	v11 =	vsel vm9, $0x363, v3;
	v0 =	vsel vm11, $0x3A6, v0  }
0x6a: {  	v24 =	vadd.s32 $0x14, v1;
	v2 =	vsel vm10, $0x385, v11;
	v0 =	vsel vm12, $0x3C8, v0  }
0x6b: {  	v28 =	vimm.s32 $0x3F1;
	v2 =	vsel vm11, $0x3A7, v2;
	[tilespmem:$0x1FDF0] =	vst v0;
	v0 =	vsel vm5, $0x232, v15  }
0x6c: {  	v14 =	vsel vm12, $0x3C9, v2;
	v2 =	vsel vm5, $0x233, v17;
	v0 =	vsel vm6, $0x254, v0  }
0x6d: {  	v27 =	vimm.s32 $0x3F0;
	v2 =	vsel vm6, $0x255, v2;
	v0 =	vsel vm7, $0x276, v0  }
0x6e: {  	v3 =	vsel vm5, $0x234, v19;
	v2 =	vsel vm7, $0x277, v2;
	v0 =	vsel vm2, $0x298, v0  }
0x6f: {  	v3 =	vsel vm6, $0x256, v3;
	v2 =	vsel vm2, $0x299, v2;
	v0 =	vsel vm3, $0x2BA, v0  }
0x70: {  	v3 =	vsel vm7, $0x278, v3;
	v2 =	vsel vm3, $0x2BB, v2;
	v0 =	vsel vm4, $0x2DC, v0  }
0x71: {  	v3 =	vsel vm2, $0x29A, v3;
	v2 =	vsel vm4, $0x2DD, v2;
	v0 =	vsel vm0, $0x2FE, v0  }
0x72: {  	v3 =	vsel vm3, $0x2BC, v3;
	v2 =	vsel vm0, $0x2FF, v2;
	v0 =	vsel vm1, $0x320, v0  }
0x73: {  	v3 =	vsel vm4, $0x2DE, v3;
	v2 =	vsel vm1, $0x321, v2;
	v0 =	vsel vm8, $0x342, v0  }
0x74: {  	v3 =	vsel vm0, $0x300, v3;
	v2 =	vsel vm8, $0x343, v2;
	v0 =	vsel vm9, $0x364, v0  }
0x75: {  	v3 =	vsel vm1, $0x322, v3;
	v2 =	vsel vm9, $0x365, v2;
	v0 =	vsel vm10, $0x386, v0  }
0x76: {  	v3 =	vsel vm8, $0x344, v3;
	v2 =	vsel vm10, $0x387, v2;
	v0 =	vsel vm11, $0x3A8, v0  }
0x77: {  	[tilespmem:$0x1FC20] =	vst v26;
	v21 =	vsel vm9, $0x366, v3;
	v20 =	vsel vm11, $0x3A9, v2;
	v0 =	vsel vm12, $0x3CA, v0  }
0x78: {  	v31 =	vadd.s32 $0x16, v1;
	v22 =	vsel vm10, $0x388, v21;
	[tilespmem:$0x1FE30] =	vst v0;
	v0 =	vsel vm12, $0x3CB, v20  }
0x79: {  	v48 =	vimm.s32 $0x3FA;
	v2 =	vsel vm5, $0x235, v23;
	[tilespmem:$0x1FE40] =	vst v0;
	v0 =	vsel vm11, $0x3AA, v22  }
0x7a: {  	[tilespmem:$0x1FC80] =	vst v34;
	v34 =	vimm.s32 $0x3F2;
	v26 =	vsel vm6, $0x257, v2;
	v0 =	vsel vm12, $0x3CC, v0  }
0x7b: {  	v41 =	vimm.s32 $0x3F6;
	v35 =	vimm.s32 $0x3F3;
	[tilespmem:$0x1FE70] =	vst v0;
	v0 =	vsel vm7, $0x279, v26  }
0x7c: {  	v58 =	vadd.s32 $0x18, v1;
	v2 =	vsel vm5, $0x236, v27;
	v0 =	vsel vm2, $0x29B, v0  }
0x7d: {  	v47 =	vimm.s32 $0x3F9;
	v2 =	vsel vm6, $0x258, v2;
	v0 =	vsel vm3, $0x2BD, v0  }
0x7e: {  	v3 =	vsel vm5, $0x237, v28;
	v2 =	vsel vm7, $0x27A, v2;
	v0 =	vsel vm4, $0x2DF, v0  }
0x7f: {  	v3 =	vsel vm6, $0x259, v3;
	v2 =	vsel vm2, $0x29C, v2;
	v0 =	vsel vm0, $0x301, v0  }
0x80: {  	v3 =	vsel vm7, $0x27B, v3;
	v2 =	vsel vm3, $0x2BE, v2;
	v0 =	vsel vm1, $0x323, v0  }
0x81: {  	v3 =	vsel vm2, $0x29D, v3;
	v2 =	vsel vm4, $0x2E0, v2;
	v0 =	vsel vm8, $0x345, v0  }
0x82: {  	v3 =	vsel vm3, $0x2BF, v3;
	v2 =	vsel vm0, $0x302, v2;
	v0 =	vsel vm9, $0x367, v0  }
0x83: {  	v3 =	vsel vm4, $0x2E1, v3;
	v2 =	vsel vm1, $0x324, v2;
	v0 =	vsel vm10, $0x389, v0  }
0x84: {  	v3 =	vsel vm0, $0x303, v3;
	v2 =	vsel vm8, $0x346, v2;
	v0 =	vsel vm11, $0x3AB, v0  }
0x85: {  	v3 =	vsel vm1, $0x325, v3;
	v29 =	vsel vm9, $0x368, v2;
	v0 =	vsel vm12, $0x3CD, v0  }
0x86: {  	v60 =	vadd.s32 $0x1A, v1;
	v3 =	vsel vm8, $0x347, v3;
	[tilespmem:$0x1FE80] =	vst v0;
	v0 =	vsel vm10, $0x38A, v29  }
0x87: {  	v40 =	vimm.s32 $0x3F5;
	v30 =	vsel vm9, $0x369, v3;
	v0 =	vsel vm11, $0x3AC, v0  }
0x88: {  	v42 =	vimm.s32 $0x3F7;
	v2 =	vsel vm10, $0x38B, v30;
	v0 =	vsel vm12, $0x3CE, v0  }
0x89: {  	v46 =	vimm.s32 $0x3F8;
	v2 =	vsel vm11, $0x3AD, v2;
	[tilespmem:$0x1FEB0] =	vst v0;
	v0 =	vsel vm5, $0x238, v34  }
0x8a: {  	[tilespmem:$0x1FC60] =	vst v33;
	v33 =	vsel vm12, $0x3CF, v2;
	v2 =	vsel vm5, $0x239, v35;
	v0 =	vsel vm6, $0x25A, v0  }
0x8b: {  	[tilespmem:$0x1FD40] =	vst v53;
	v53 =	vimm.f32 $1.500000000e+01;
	v2 =	vsel vm6, $0x25B, v2;
	v0 =	vsel vm7, $0x27C, v0  }
0x8c: {  	v62 =	vadd.s32 $0x1C, v1;
	v2 =	vsel vm7, $0x27D, v2;
	v0 =	vsel vm2, $0x29E, v0  }
0x8d: {  	v54 =	vimm.f32 $3.100000000e+01;
	v2 =	vsel vm2, $0x29F, v2;
	v0 =	vsel vm3, $0x2C0, v0  }
0x8e: {  	v3 =	vsel vm5, $0x23A, v36;
	v2 =	vsel vm3, $0x2C1, v2;
	v0 =	vsel vm4, $0x2E2, v0  }
0x8f: {  	v3 =	vsel vm6, $0x25C, v3;
	v2 =	vsel vm4, $0x2E3, v2;
	v0 =	vsel vm0, $0x304, v0  }
0x90: {  	v3 =	vsel vm7, $0x27E, v3;
	v2 =	vsel vm0, $0x305, v2;
	v0 =	vsel vm1, $0x326, v0  }
0x91: {  	v3 =	vsel vm2, $0x2A0, v3;
	v2 =	vsel vm1, $0x327, v2;
	v0 =	vsel vm8, $0x348, v0  }
0x92: {  	v3 =	vsel vm3, $0x2C2, v3;
	v2 =	vsel vm8, $0x349, v2;
	v0 =	vsel vm9, $0x36A, v0  }
0x93: {  	v3 =	vsel vm4, $0x2E4, v3;
	v2 =	vsel vm9, $0x36B, v2;
	v0 =	vsel vm10, $0x38C, v0  }
0x94: {  	v3 =	vsel vm0, $0x306, v3;
	v2 =	vsel vm10, $0x38D, v2;
	v0 =	vsel vm11, $0x3AE, v0  }
0x95: {  	v3 =	vsel vm1, $0x328, v3;
	v37 =	vsel vm11, $0x3AF, v2;
	v0 =	vsel vm12, $0x3D0, v0  }
0x96: {  	v59 =	vadd.s32 $0x19, v1;
	v3 =	vsel vm8, $0x34A, v3;
	[tilespmem:$0x1FED0] =	vst v0;
	v0 =	vsel vm12, $0x3D1, v37  }
0x97: {  	v61 =	vadd.s32 $0x1B, v1;
	v3 =	vsel vm9, $0x36C, v3;
	[tilespmem:$0x1FEE0] =	vst v0;
	v0 =	vsel vm5, $0x23B, v40  }
0x98: {  	v3 =	vsel vm10, $0x38E, v3;
	v2 =	vsel vm5, $0x23C, v41;
	v0 =	vsel vm6, $0x25D, v0  }
0x99: {  	[tilespmem:$0x1FCA0] =	vst v38;
	v38 =	vsel vm11, $0x3B0, v3;
	v2 =	vsel vm6, $0x25E, v2;
	v0 =	vsel vm7, $0x27F, v0  }
0x9a: {  	v3 =	vsel vm5, $0x23D, v42;
	v2 =	vsel vm7, $0x280, v2;
	v0 =	vsel vm2, $0x2A1, v0  }
0x9b: {  	v3 =	vsel vm6, $0x25F, v3;
	v2 =	vsel vm2, $0x2A2, v2;
	v0 =	vsel vm3, $0x2C3, v0  }
0x9c: {  	v3 =	vsel vm7, $0x281, v3;
	v2 =	vsel vm3, $0x2C4, v2;
	v0 =	vsel vm4, $0x2E5, v0  }
0x9d: {  	v3 =	vsel vm2, $0x2A3, v3;
	v2 =	vsel vm4, $0x2E6, v2;
	v0 =	vsel vm0, $0x307, v0  }
0x9e: {  	v3 =	vsel vm3, $0x2C5, v3;
	v2 =	vsel vm0, $0x308, v2;
	v0 =	vsel vm1, $0x329, v0  }
0x9f: {  	v3 =	vsel vm4, $0x2E7, v3;
	v2 =	vsel vm1, $0x32A, v2;
	v0 =	vsel vm8, $0x34B, v0  }
0xa0: {  	v3 =	vsel vm0, $0x309, v3;
	v2 =	vsel vm8, $0x34C, v2;
	v0 =	vsel vm9, $0x36D, v0  }
0xa1: {  	v3 =	vsel vm1, $0x32B, v3;
	v2 =	vsel vm9, $0x36E, v2;
	v0 =	vsel vm10, $0x38F, v0  }
0xa2: {  	v3 =	vsel vm8, $0x34D, v3;
	v2 =	vsel vm10, $0x390, v2;
	v0 =	vsel vm11, $0x3B1, v0  }
0xa3: {  	[tilespmem:$0x1FCD0] =	vst v44;
	v3 =	vsel vm9, $0x36F, v3;
	v43 =	vsel vm11, $0x3B2, v2;
	v0 =	vsel vm12, $0x3D3, v0  }
0xa4: {  	v39 =	vsel vm12, $0x3D2, v38;
	v3 =	vsel vm10, $0x391, v3;
	[tilespmem:$0x1FF00] =	vst v0;
	v0 =	vsel vm12, $0x3D4, v43  }
0xa5: {  	v44 =	vsel vm11, $0x3B3, v3;
	v3 =	vsel vm5, $0x240, v48;
	[tilespmem:$0x1FF10] =	vst v0;
	v0 =	vsel vm5, $0x23E, v46  }
0xa6: {  	[tilespmem:$0x1FCE0] =	vst v45;
	v45 =	vsel vm12, $0x3D5, v44;
	v2 =	vsel vm5, $0x23F, v47;
	v0 =	vsel vm6, $0x260, v0  }
0xa7: {  	[tilespmem:$0x1FFE0] =	vst v1;
	v3 =	vsel vm6, $0x262, v3;
	v2 =	vsel vm6, $0x261, v2;
	v0 =	vsel vm7, $0x282, v0  }
0xa8: {  	[tilespmem:$0x1FD10] =	vst v51;
	v3 =	vsel vm7, $0x284, v3;
	v2 =	vsel vm7, $0x283, v2;
	v0 =	vsel vm2, $0x2A4, v0  }
0xa9: {  	[tilespmem:$0x1FD50] =	vst v55;
	v3 =	vsel vm2, $0x2A6, v3;
	v2 =	vsel vm2, $0x2A5, v2;
	v0 =	vsel vm3, $0x2C6, v0  }
0xaa: {  	[tilespmem:$0x1FD60] =	vst v57;
	v3 =	vsel vm3, $0x2C8, v3;
	v2 =	vsel vm3, $0x2C7, v2;
	v0 =	vsel vm4, $0x2E8, v0  }
0xab: {  	[tilespmem:$0x1FDA0] =	vst v6;
	v3 =	vsel vm4, $0x2EA, v3;
	v2 =	vsel vm4, $0x2E9, v2;
	v0 =	vsel vm0, $0x30A, v0  }
0xac: {  	[tilespmem:$0x1FDD0] =	vst v12;
	v3 =	vsel vm0, $0x30C, v3;
	v2 =	vsel vm0, $0x30B, v2;
	v0 =	vsel vm1, $0x32C, v0  }
0xad: {  	[tilespmem:$0x1FDE0] =	vst v13;
	v3 =	vsel vm1, $0x32E, v3;
	v2 =	vsel vm1, $0x32D, v2;
	v0 =	vsel vm8, $0x34E, v0  }
0xae: {  	[tilespmem:$0x1FE10] =	vst v16;
	v3 =	vsel vm8, $0x350, v3;
	v2 =	vsel vm8, $0x34F, v2;
	v0 =	vsel vm9, $0x370, v0  }
0xaf: {  	[tilespmem:$0x1FE20] =	vst v18;
	v3 =	vsel vm9, $0x372, v3;
	v2 =	vsel vm9, $0x371, v2;
	v0 =	vsel vm10, $0x392, v0  }
0xb0: {  	[tilespmem:$0x1FE60] =	vst v25;
	v3 =	vsel vm10, $0x394, v3;
	v2 =	vsel vm10, $0x393, v2;
	v0 =	vsel vm11, $0x3B4, v0  }
0xb1: {  	[tilespmem:$0x1FEA0] =	vst v32;
	v50 =	vsel vm11, $0x3B6, v3;
	v49 =	vsel vm11, $0x3B5, v2;
	v0 =	vsel vm12, $0x3D6, v0  }
0xb2: {  	v3 =	vsel vm5, $0x41800000, v54;
	v51 =	vsel vm12, $0x3D8, v50;
	[tilespmem:$0x1FF30] =	vst v0;
	v0 =	vsel vm12, $0x3D7, v49  }
0xb3: {  	v3 =	vsel vm6, $0x41880000, v3;
	v2 =	vsel vm5, $0x0, v53;
	[tilespmem:$0x1FF40] =	vst v0;
	v0 =	vsel vm5, $0x241, v52  }
0xb4: {  	[tilespmem:$0x1FFF0] =	vst v63;
	v3 =	vsel vm7, $0x41900000, v3;
	v2 =	vsel vm6, $0x3F800000, v2;
	v0 =	vsel vm6, $0x263, v0  }
0xb5: {  	[tilespmem:$0x1FE50] =	vst v24;
	v3 =	vsel vm2, $0x41980000, v3;
	v2 =	vsel vm7, $0x40000000, v2;
	v0 =	vsel vm7, $0x285, v0  }
0xb6: {  	[tilespmem:$0x1FE90] =	vst v31;
	v3 =	vsel vm3, $0x41A00000, v3;
	v2 =	vsel vm2, $0x40400000, v2;
	v0 =	vsel vm2, $0x2A7, v0  }
0xb7: {  	[tilespmem:$0x1FF90] =	vst v58;
	v3 =	vsel vm4, $0x41A80000, v3;
	v2 =	vsel vm3, $0x40800000, v2;
	v0 =	vsel vm3, $0x2C9, v0  }
0xb8: {  	[tilespmem:$0x1FFB0] =	vst v60;
	v3 =	vsel vm0, $0x41B00000, v3;
	v2 =	vsel vm4, $0x40A00000, v2;
	v0 =	vsel vm4, $0x2EB, v0  }
0xb9: {  	s4 =	srdreg.scid;
	s5 =	sshll.u32 s1, $0x8;
	[tilespmem:$0x1FFD0] =	vst v62;
	v3 =	vsel vm1, $0x41B80000, v3;
	v2 =	vsel vm0, $0x40C00000, v2;
	v0 =	vsel vm0, $0x30D, v0  }
0xba: {  	s6 =	sshrl.u32 s1, $0x2;
	s9 =	sadd.s32 $0x600, s3;
	s11 =	simm.s32 $0x5C00;
	[tilespmem:$0x1FE00] =	vst v14;
	v3 =	vsel vm8, $0x41C00000, v3;
	v2 =	vsel vm1, $0x40E00000, v2;
	v0 =	vsel vm1, $0x32F, v0  }
0xbb: {  	s12 =	simm.s32 $0x5C80;
	s4 =	sand.u32 $0x1, s4;
	s5 =	sand.u32 $0x300, s5;
	[tilespmem:$0x1FFA0] =	vst v59;
	v3 =	vsel vm9, $0x41C80000, v3;
	v2 =	vsel vm8, $0x41000000, v2;
	v0 =	vsel vm8, $0x351, v0  }
0xbc: {  	s30 =	sshll.u32 s6, $0xD;
	s8 =	sshll.u32 s6, $0xA;
	s7 =	sshll.u32 s4, $0x7;
	[tilespmem:$0x1FFC0] =	vst v61;
	v3 =	vsel vm10, $0x41D00000, v3;
	v2 =	vsel vm9, $0x41100000, v2;
	v0 =	vsel vm9, $0x373, v0  }
0xbd: {  	s6 =	sshll.u32 s6, $0x11;
	s4 =	ssub.s32 $0x2, s4;
	s5 =	sor.u32 s7, s5;
	[tilespmem:$0x1FEF0] =	vst v39;
	v56 =	vsel vm11, $0x41D80000, v3;
	v2 =	vsel vm10, $0x41200000, v2;
	v0 =	vsel vm10, $0x395, v0  }
0xbe: {  	s10 =	sshrl.u32 s4, $0x1;
	s7 =	sor.u32 s30, s5;
	s8 =	sor.u32 s8, s5;
	[tilespmem:$0x1FF20] =	vst v45;
	v55 =	vsel vm11, $0x41300000, v2;
	v2 =	vsel vm12, $0x41E00000, v56;
	v0 =	vsel vm11, $0x3B7, v0  }
0xbf: {  	s5 =	sor.u32 s6, s5;
	s31 =	ssub.s32 s4, s10;
	s10 =	simm.s32 $0x4000;
	[tilespmem:$0x1FEC0] =	vst v33;
	vm5 =	vmmov $0x7f;
	vm0 =	vcmask $0x3734;
	v0 =	vsel vm12, $0x3D9, v0  }
0xc0: {  	s7 =	sshrl.u32 s7, $0x3;
	s8 =	sshrl.u32 s8, $0x3;
	s5 =	sshrl.u32 s5, $0x3;
	vm1 =	vcmask $0x3B38;
	v2 =	vsel vm0, $0x41E80000, v2;
	[tilespmem:$0x1FF60] =	vst v0;
	v0 =	vsel vm12, $0x41400000, v55  }
0xc1: {  	s6 =	smax.u32 s31, $0x1;
	s7 =	sadd.s32 s7, s3;
	s8 =	sadd.s32 s8, s3;
	[tilespmem:$0x1FF50] =	vst v51;
	vm6 =	vcmask $0x3F08;
	v57 =	vsel vm1, $0x41F00000, v2;
	v0 =	vsel vm0, $0x41500000, v0  }
0xc2: {  	s5 =	sadd.s32 s9, s5;
	s9 =	simm.s32 $0x1;
	s3 =	sadd.s32 $0x8600, s7;
	vm2 =	vmmov $0xf;
	vm3 =	vmmov $0x1f;
	[tilespmem:$0x1FF80] =	vst v57;
	v0 =	vsel vm1, $0x41600000, v0  }
0xc3: {  	s4 =	sadd.s32 $0x8E00, s8;
	s7 =	simm.s32 $0x80;
	s8 =	simm.s32 $0x400;
	vm4 =	vmmov $0x3f;
	vm0 =	vmmov $0x3;
	vm1 =	vmmov $0x7;
	[tilespmem:$0x1FF70] =	vst v0  }
.LBB2_2:
0xc4: {  	[tilespmem:s2], [sflag:$0x1] =	stream.strided.gather [hbm4b:s5+s7], $0x4000, s8, s7, $0x38;
	[tilespmem:$0x5D00] =	vst v63  }
0xc5: {  	_ =	swait.ge [sflag:s9], $0x4000  }
0xc6: {  	[sflag:s9] =	ssyncset.done $0x0  }
0xc7: {  	[sflag:s9] =	ssyncadd.s32 $0xFFFFC000  }
0xc8: {  	[tilespmem:s10], [sflag:$0x1] =	stream.strided.gather [hbm4b:s3+s7], $0x400, s8, s7, $0x38;
	[tilespmem:$0x5D00] =	vst v63  }
0xc9: {  	_ =	swait.ge [sflag:s9], $0x400  }
0xca: {  	v9 =	vld [tilespmem:$0x1FFE0];
	_ =	sdelay $0x5  }
0xcb: {  	[sflag:s9] =	ssyncset.done $0x0  }
0xcc: {  	[sflag:s9] =	ssyncadd.s32 $0xFFFFFC00  }
0xcd: {  	v0 =	vld.idx.msk [tilespmem:v9+s10+$0x0], $0xffff  }
0xce: {  	v1 =	vld [tilespmem:$0x1FBD0];
	_ =	sdelay $0x3  }
0xcf: {  	vm7 =	vgt.s32 v0, $0x0  }
0xd0: {  	v0 =	vnsel vm7, $0x0, v0  }
0xd1: {  	v0 =	vmin.u32 v0, $0x3FFF;
	_ =	sdelay $0x1  }
0xd2: {  	v2 =	vld.idx.msk [tilespmem:v1+s10+$0x0], $0xffff  }
0xd3: {  	v22 =	vld [tilespmem:$0x1FBE0];
	_ =	sdelay $0x1  }
0xd4: {  	v20 =	vld.idx.msk [tilespmem:v0+s2+$0x0], $0xffff;
	_ =	sdelay $0x1  }
0xd5: {  	v21 =	vimm.f32 $0.0e+00;
	vm7 =	veq.s32 v2, $0x1  }
0xd6: {  	v14 =	vsel vm7, $0x3F800000, v21  }
0xd7: {  	[tilespmem:$0x5000] =	vst v14  }
0xd8: {  	[tilespmem:$0x4400] =	vst v20  }
0xd9: {  	v0 =	vld.idx.msk [tilespmem:v22+s10+$0x0], $0xffff  }
0xda: {  	v23 =	vld [tilespmem:$0x1FBF0];
	_ =	sdelay $0x3  }
0xdb: {  	vm7 =	vgt.s32 v0, $0x0  }
0xdc: {  	v0 =	vnsel vm7, $0x0, v0  }
0xdd: {  	v0 =	vmin.u32 v0, $0x3FFF  }
0xde: {  	v4 =	vld [tilespmem:$0x1FC00]  }
0xdf: {  	v24 =	vld.idx.msk [tilespmem:v23+s10+$0x0], $0xffff  }
0xe0: {  	v25 =	vld [tilespmem:$0x1FC10];
	_ =	sdelay $0x1  }
0xe1: {  	v0 =	vld.idx.msk [tilespmem:v0+s2+$0x0], $0xffff;
	_ =	sdelay $0x1  }
0xe2: {  	vm7 =	veq.s32 v24, $0x1  }
0xe3: {  	v13 =	vnsel vm7, $0x0, v4  }
0xe4: {  	[tilespmem:$0x5010] =	vst v13  }
0xe5: {  	[tilespmem:$0x4410] =	vst v0  }
0xe6: {  	[tilespmem:$0x1FB90] =	vst v0;
	v0 =	vld.idx.msk [tilespmem:v25+s10+$0x0], $0xffff  }
0xe7: {  	v26 =	vld [tilespmem:$0x1FC20];
	_ =	sdelay $0x3  }
0xe8: {  	vm7 =	vgt.s32 v0, $0x0  }
0xe9: {  	v0 =	vnsel vm7, $0x0, v0  }
0xea: {  	v0 =	vmin.u32 v0, $0x3FFF;
	_ =	sdelay $0x1  }
0xeb: {  	v27 =	vld.idx.msk [tilespmem:v26+s10+$0x0], $0xffff  }
0xec: {  	v28 =	vld [tilespmem:$0x1FC30];
	_ =	sdelay $0x1  }
0xed: {  	v0 =	vld.idx.msk [tilespmem:v0+s2+$0x0], $0xffff;
	_ =	sdelay $0x1  }
0xee: {  	v30 =	vimm.f32 $0.0e+00;
	vm7 =	veq.s32 v27, $0x1  }
0xef: {  	[tilespmem:$0x1FB70] =	vst v20;
	v20 =	vsel vm7, $0x3F800000, v30  }
0xf0: {  	[tilespmem:$0x5080] =	vst v20  }
0xf1: {  	[tilespmem:$0x4480] =	vst v0  }
0xf2: {  	[tilespmem:$0x1FB80] =	vst v0;
	v0 =	vld.idx.msk [tilespmem:v28+s10+$0x0], $0xffff  }
0xf3: {  	v29 =	vld [tilespmem:$0x1FC40];
	_ =	sdelay $0x3  }
0xf4: {  	vm7 =	vgt.s32 v0, $0x0  }
0xf5: {  	v0 =	vnsel vm7, $0x0, v0  }
0xf6: {  	v0 =	vmin.u32 v0, $0x3FFF;
	_ =	sdelay $0x1  }
0xf7: {  	v31 =	vld.idx.msk [tilespmem:v29+s10+$0x0], $0xffff  }
0xf8: {  	v32 =	vld [tilespmem:$0x1FC50];
	_ =	sdelay $0x1  }
0xf9: {  	v0 =	vld.idx.msk [tilespmem:v0+s2+$0x0], $0xffff;
	_ =	sdelay $0x1  }
0xfa: {  	vm7 =	veq.s32 v31, $0x1  }
0xfb: {  	v12 =	vnsel vm7, $0x0, v4  }
0xfc: {  	[tilespmem:$0x5090] =	vst v12  }
0xfd: {  	[tilespmem:$0x4490] =	vst v0  }
0xfe: {  	[tilespmem:$0x1FBA0] =	vst v0;
	v0 =	vld.idx.msk [tilespmem:v32+s10+$0x0], $0xffff  }
0xff: {  	v33 =	vld [tilespmem:$0x1FC60];
	_ =	sdelay $0x3  }
0x100: {  	vm7 =	vgt.s32 v0, $0x0  }
0x101: {  	v0 =	vnsel vm7, $0x0, v0  }
0x102: {  	v0 =	vmin.u32 v0, $0x3FFF;
	_ =	sdelay $0x1  }
0x103: {  	v34 =	vld.idx.msk [tilespmem:v33+s10+$0x0], $0xffff  }
0x104: {  	v35 =	vld [tilespmem:$0x1FC70];
	_ =	sdelay $0x1  }
0x105: {  	v23 =	vld.idx.msk [tilespmem:v0+s2+$0x0], $0xffff;
	_ =	sdelay $0x1  }
0x106: {  	vm7 =	veq.s32 v34, $0x1  }
0x107: {  	v24 =	vsel vm7, $0x3F800000, v30  }
0x108: {  	[tilespmem:$0x5100] =	vst v24  }
0x109: {  	[tilespmem:$0x4500] =	vst v23  }
0x10a: {  	v0 =	vld.idx.msk [tilespmem:v35+s10+$0x0], $0xffff  }
0x10b: {  	v36 =	vld [tilespmem:$0x1FC80];
	_ =	sdelay $0x3  }
0x10c: {  	vm7 =	vgt.s32 v0, $0x0  }
0x10d: {  	v0 =	vnsel vm7, $0x0, v0  }
0x10e: {  	v0 =	vmin.u32 v0, $0x3FFF;
	_ =	sdelay $0x1  }
0x10f: {  	v37 =	vld.idx.msk [tilespmem:v36+s10+$0x0], $0xffff  }
0x110: {  	v38 =	vld [tilespmem:$0x1FC90];
	_ =	sdelay $0x1  }
0x111: {  	v0 =	vld.idx.msk [tilespmem:v0+s2+$0x0], $0xffff;
	_ =	sdelay $0x1  }
0x112: {  	vm7 =	veq.s32 v37, $0x1  }
0x113: {  	v16 =	vnsel vm7, $0x0, v4  }
0x114: {  	[tilespmem:$0x5110] =	vst v16  }
0x115: {  	[tilespmem:$0x4510] =	vst v0  }
0x116: {  	[tilespmem:$0x1FBB0] =	vst v0;
	v0 =	vld.idx.msk [tilespmem:v38+s10+$0x0], $0xffff  }
0x117: {  	v39 =	vld [tilespmem:$0x1FCA0];
	_ =	sdelay $0x3  }
0x118: {  	vm7 =	vgt.s32 v0, $0x0  }
0x119: {  	v0 =	vnsel vm7, $0x0, v0  }
0x11a: {  	v0 =	vmin.u32 v0, $0x3FFF;
	_ =	sdelay $0x1  }
0x11b: {  	v40 =	vld.idx.msk [tilespmem:v39+s10+$0x0], $0xffff  }
0x11c: {  	v41 =	vld [tilespmem:$0x1FCB0];
	_ =	sdelay $0x1  }
0x11d: {  	v27 =	vld.idx.msk [tilespmem:v0+s2+$0x0], $0xffff;
	_ =	sdelay $0x1  }
0x11e: {  	vm7 =	veq.s32 v40, $0x1  }
0x11f: {  	v29 =	vsel vm7, $0x3F800000, v30  }
0x120: {  	[tilespmem:$0x5180] =	vst v29  }
0x121: {  	[tilespmem:$0x4580] =	vst v27  }
0x122: {  	v0 =	vld.idx.msk [tilespmem:v41+s10+$0x0], $0xffff  }
0x123: {  	v42 =	vld [tilespmem:$0x1FCC0];
	_ =	sdelay $0x3  }
0x124: {  	vm7 =	vgt.s32 v0, $0x0  }
0x125: {  	v0 =	vnsel vm7, $0x0, v0  }
0x126: {  	v0 =	vmin.u32 v0, $0x3FFF;
	_ =	sdelay $0x1  }
0x127: {  	v43 =	vld.idx.msk [tilespmem:v42+s10+$0x0], $0xffff  }
0x128: {  	v44 =	vld [tilespmem:$0x1FCD0];
	_ =	sdelay $0x1  }
0x129: {  	v0 =	vld.idx.msk [tilespmem:v0+s2+$0x0], $0xffff;
	_ =	sdelay $0x1  }
0x12a: {  	vm7 =	veq.s32 v43, $0x1  }
0x12b: {  	v17 =	vnsel vm7, $0x0, v4  }
0x12c: {  	[tilespmem:$0x5190] =	vst v17  }
0x12d: {  	[tilespmem:$0x4590] =	vst v0  }
0x12e: {  	[tilespmem:$0x1FBC0] =	vst v0;
	v0 =	vld.idx.msk [tilespmem:v44+s10+$0x0], $0xffff  }
0x12f: {  	v45 =	vld [tilespmem:$0x1FCE0];
	_ =	sdelay $0x3  }
0x130: {  	vm7 =	vgt.s32 v0, $0x0  }
0x131: {  	v0 =	vnsel vm7, $0x0, v0  }
0x132: {  	v0 =	vmin.u32 v0, $0x3FFF;
	_ =	sdelay $0x1  }
0x133: {  	v46 =	vld.idx.msk [tilespmem:v45+s10+$0x0], $0xffff  }
0x134: {  	v47 =	vld [tilespmem:$0x1FCF0];
	_ =	sdelay $0x1  }
0x135: {  	v33 =	vld.idx.msk [tilespmem:v0+s2+$0x0], $0xffff;
	_ =	sdelay $0x1  }
0x136: {  	vm7 =	veq.s32 v46, $0x1  }
0x137: {  	v34 =	vsel vm7, $0x3F800000, v30  }
0x138: {  	[tilespmem:$0x5200] =	vst v34  }
0x139: {  	[tilespmem:$0x4600] =	vst v33  }
0x13a: {  	v0 =	vld.idx.msk [tilespmem:v47+s10+$0x0], $0xffff  }
0x13b: {  	v48 =	vld [tilespmem:$0x1FD00];
	_ =	sdelay $0x3  }
0x13c: {  	vm7 =	vgt.s32 v0, $0x0  }
0x13d: {  	v0 =	vnsel vm7, $0x0, v0  }
0x13e: {  	v0 =	vmin.u32 v0, $0x3FFF;
	_ =	sdelay $0x1  }
0x13f: {  	v49 =	vld.idx.msk [tilespmem:v48+s10+$0x0], $0xffff  }
0x140: {  	v50 =	vld [tilespmem:$0x1FD10];
	_ =	sdelay $0x1  }
0x141: {  	v21 =	vld.idx.msk [tilespmem:v0+s2+$0x0], $0xffff;
	_ =	sdelay $0x1  }
0x142: {  	vm7 =	veq.s32 v49, $0x1  }
0x143: {  	v22 =	vnsel vm7, $0x0, v4  }
0x144: {  	[tilespmem:$0x5210] =	vst v22  }
0x145: {  	[tilespmem:$0x4610] =	vst v21  }
0x146: {  	v0 =	vld.idx.msk [tilespmem:v50+s10+$0x0], $0xffff  }
0x147: {  	v51 =	vld [tilespmem:$0x1FD20];
	_ =	sdelay $0x3  }
0x148: {  	vm7 =	vgt.s32 v0, $0x0  }
0x149: {  	v0 =	vnsel vm7, $0x0, v0  }
0x14a: {  	v0 =	vmin.u32 v0, $0x3FFF;
	_ =	sdelay $0x1  }
0x14b: {  	v52 =	vld.idx.msk [tilespmem:v51+s10+$0x0], $0xffff  }
0x14c: {  	v53 =	vld [tilespmem:$0x1FD30];
	_ =	sdelay $0x1  }
0x14d: {  	v37 =	vld.idx.msk [tilespmem:v0+s2+$0x0], $0xffff;
	_ =	sdelay $0x1  }
0x14e: {  	vm7 =	veq.s32 v52, $0x1  }
0x14f: {  	v38 =	vsel vm7, $0x3F800000, v30  }
0x150: {  	[tilespmem:$0x5280] =	vst v38  }
0x151: {  	[tilespmem:$0x4680] =	vst v37  }
0x152: {  	v0 =	vld.idx.msk [tilespmem:v53+s10+$0x0], $0xffff  }
0x153: {  	v54 =	vld [tilespmem:$0x1FD40];
	_ =	sdelay $0x3  }
0x154: {  	vm7 =	vgt.s32 v0, $0x0  }
0x155: {  	v0 =	vnsel vm7, $0x0, v0  }
0x156: {  	v0 =	vmin.u32 v0, $0x3FFF;
	_ =	sdelay $0x1  }
0x157: {  	v55 =	vld.idx.msk [tilespmem:v54+s10+$0x0], $0xffff  }
0x158: {  	v56 =	vld [tilespmem:$0x1FD50];
	_ =	sdelay $0x1  }
0x159: {  	v25 =	vld.idx.msk [tilespmem:v0+s2+$0x0], $0xffff;
	_ =	sdelay $0x1  }
0x15a: {  	vm7 =	veq.s32 v55, $0x1  }
0x15b: {  	v26 =	vnsel vm7, $0x0, v4  }
0x15c: {  	[tilespmem:$0x5290] =	vst v26  }
0x15d: {  	[tilespmem:$0x4690] =	vst v25  }
0x15e: {  	v0 =	vld.idx.msk [tilespmem:v56+s10+$0x0], $0xffff  }
0x15f: {  	v57 =	vld [tilespmem:$0x1FD60];
	_ =	sdelay $0x3  }
0x160: {  	vm7 =	vgt.s32 v0, $0x0  }
0x161: {  	v0 =	vnsel vm7, $0x0, v0  }
0x162: {  	v0 =	vmin.u32 v0, $0x3FFF;
	_ =	sdelay $0x1  }
0x163: {  	v58 =	vld.idx.msk [tilespmem:v57+s10+$0x0], $0xffff  }
0x164: {  	v59 =	vld [tilespmem:$0x1FD70];
	_ =	sdelay $0x1  }
0x165: {  	v41 =	vld.idx.msk [tilespmem:v0+s2+$0x0], $0xffff;
	_ =	sdelay $0x1  }
0x166: {  	vm7 =	veq.s32 v58, $0x1  }
0x167: {  	v42 =	vsel vm7, $0x3F800000, v30  }
0x168: {  	[tilespmem:$0x5300] =	vst v42  }
0x169: {  	[tilespmem:$0x4700] =	vst v41  }
0x16a: {  	v0 =	vld.idx.msk [tilespmem:v59+s10+$0x0], $0xffff  }
0x16b: {  	v60 =	vld [tilespmem:$0x1FD80];
	_ =	sdelay $0x3  }
0x16c: {  	vm7 =	vgt.s32 v0, $0x0  }
0x16d: {  	v0 =	vnsel vm7, $0x0, v0  }
0x16e: {  	v0 =	vmin.u32 v0, $0x3FFF;
	_ =	sdelay $0x1  }
0x16f: {  	v61 =	vld.idx.msk [tilespmem:v60+s10+$0x0], $0xffff  }
0x170: {  	v62 =	vld [tilespmem:$0x1FD90];
	_ =	sdelay $0x1  }
0x171: {  	v28 =	vld.idx.msk [tilespmem:v0+s2+$0x0], $0xffff;
	_ =	sdelay $0x1  }
0x172: {  	vm7 =	veq.s32 v61, $0x1  }
0x173: {  	v18 =	vnsel vm7, $0x0, v4  }
0x174: {  	[tilespmem:$0x5310] =	vst v18  }
0x175: {  	[tilespmem:$0x4710] =	vst v28  }
0x176: {  	v0 =	vld.idx.msk [tilespmem:v62+s10+$0x0], $0xffff  }
0x177: {  	v63 =	vld [tilespmem:$0x1FDA0];
	_ =	sdelay $0x3  }
0x178: {  	vm7 =	vgt.s32 v0, $0x0  }
0x179: {  	v0 =	vnsel vm7, $0x0, v0  }
0x17a: {  	v0 =	vmin.u32 v0, $0x3FFF;
	_ =	sdelay $0x1  }
0x17b: {  	v5 =	vld.idx.msk [tilespmem:v63+s10+$0x0], $0xffff  }
0x17c: {  	v6 =	vld [tilespmem:$0x1FDB0];
	_ =	sdelay $0x1  }
0x17d: {  	v45 =	vld.idx.msk [tilespmem:v0+s2+$0x0], $0xffff;
	_ =	sdelay $0x1  }
0x17e: {  	vm7 =	veq.s32 v5, $0x1  }
0x17f: {  	v46 =	vsel vm7, $0x3F800000, v30  }
0x180: {  	[tilespmem:$0x5380] =	vst v46  }
0x181: {  	[tilespmem:$0x4780] =	vst v45  }
0x182: {  	v0 =	vld.idx.msk [tilespmem:v6+s10+$0x0], $0xffff  }
0x183: {  	v7 =	vld [tilespmem:$0x1FDC0];
	_ =	sdelay $0x3  }
0x184: {  	vm7 =	vgt.s32 v0, $0x0  }
0x185: {  	v0 =	vnsel vm7, $0x0, v0  }
0x186: {  	v0 =	vmin.u32 v0, $0x3FFF;
	_ =	sdelay $0x1  }
0x187: {  	v8 =	vld.idx.msk [tilespmem:v7+s10+$0x0], $0xffff  }
0x188: {  	v10 =	vld [tilespmem:$0x1FDD0];
	_ =	sdelay $0x1  }
0x189: {  	v31 =	vld.idx.msk [tilespmem:v0+s2+$0x0], $0xffff;
	_ =	sdelay $0x1  }
0x18a: {  	vm7 =	veq.s32 v8, $0x1  }
0x18b: {  	v32 =	vnsel vm7, $0x0, v4  }
0x18c: {  	[tilespmem:$0x5390] =	vst v32  }
0x18d: {  	[tilespmem:$0x4790] =	vst v31  }
0x18e: {  	v0 =	vld.idx.msk [tilespmem:v10+s10+$0x0], $0xffff  }
0x18f: {  	v11 =	vld [tilespmem:$0x1FDE0];
	_ =	sdelay $0x3  }
0x190: {  	vm7 =	vgt.s32 v0, $0x0  }
0x191: {  	v0 =	vnsel vm7, $0x0, v0  }
0x192: {  	v0 =	vmin.u32 v0, $0x3FFF;
	_ =	sdelay $0x1  }
0x193: {  	v15 =	vld.idx.msk [tilespmem:v11+s10+$0x0], $0xffff  }
0x194: {  	v19 =	vld [tilespmem:$0x1FDF0];
	_ =	sdelay $0x1  }
0x195: {  	v49 =	vld.idx.msk [tilespmem:v0+s2+$0x0], $0xffff;
	_ =	sdelay $0x1  }
0x196: {  	vm7 =	veq.s32 v15, $0x1  }
0x197: {  	v50 =	vsel vm7, $0x3F800000, v30  }
0x198: {  	[tilespmem:$0x5400] =	vst v50  }
0x199: {  	[tilespmem:$0x4800] =	vst v49  }
0x19a: {  	v0 =	vld.idx.msk [tilespmem:v19+s10+$0x0], $0xffff  }
0x19b: {  	v35 =	vld [tilespmem:$0x1FE00];
	_ =	sdelay $0x3  }
0x19c: {  	vm7 =	vgt.s32 v0, $0x0  }
0x19d: {  	v0 =	vnsel vm7, $0x0, v0  }
0x19e: {  	v0 =	vmin.u32 v0, $0x3FFF;
	_ =	sdelay $0x1  }
0x19f: {  	v36 =	vld.idx.msk [tilespmem:v35+s10+$0x0], $0xffff  }
0x1a0: {  	v39 =	vld [tilespmem:$0x1FE10];
	_ =	sdelay $0x1  }
0x1a1: {  	v35 =	vld.idx.msk [tilespmem:v0+s2+$0x0], $0xffff;
	_ =	sdelay $0x1  }
0x1a2: {  	vm7 =	veq.s32 v36, $0x1  }
0x1a3: {  	v36 =	vnsel vm7, $0x0, v4  }
0x1a4: {  	[tilespmem:$0x5410] =	vst v36  }
0x1a5: {  	[tilespmem:$0x4810] =	vst v35  }
0x1a6: {  	v0 =	vld.idx.msk [tilespmem:v39+s10+$0x0], $0xffff  }
0x1a7: {  	v40 =	vld [tilespmem:$0x1FE20];
	_ =	sdelay $0x3  }
0x1a8: {  	vm7 =	vgt.s32 v0, $0x0  }
0x1a9: {  	v0 =	vnsel vm7, $0x0, v0  }
0x1aa: {  	v0 =	vmin.u32 v0, $0x3FFF;
	_ =	sdelay $0x1  }
0x1ab: {  	v43 =	vld.idx.msk [tilespmem:v40+s10+$0x0], $0xffff  }
0x1ac: {  	v44 =	vld [tilespmem:$0x1FE30];
	_ =	sdelay $0x1  }
0x1ad: {  	v53 =	vld.idx.msk [tilespmem:v0+s2+$0x0], $0xffff;
	_ =	sdelay $0x1  }
0x1ae: {  	vm7 =	veq.s32 v43, $0x1  }
0x1af: {  	v55 =	vsel vm7, $0x3F800000, v30  }
0x1b0: {  	[tilespmem:$0x5480] =	vst v55  }
0x1b1: {  	[tilespmem:$0x4880] =	vst v53  }
0x1b2: {  	v0 =	vld.idx.msk [tilespmem:v44+s10+$0x0], $0xffff  }
0x1b3: {  	v47 =	vld [tilespmem:$0x1FE40];
	_ =	sdelay $0x3  }
0x1b4: {  	vm7 =	vgt.s32 v0, $0x0  }
0x1b5: {  	v0 =	vnsel vm7, $0x0, v0  }
0x1b6: {  	v0 =	vmin.u32 v0, $0x3FFF;
	_ =	sdelay $0x1  }
0x1b7: {  	v48 =	vld.idx.msk [tilespmem:v47+s10+$0x0], $0xffff  }
0x1b8: {  	v51 =	vld [tilespmem:$0x1FE50];
	_ =	sdelay $0x1  }
0x1b9: {  	v39 =	vld.idx.msk [tilespmem:v0+s2+$0x0], $0xffff;
	_ =	sdelay $0x1  }
0x1ba: {  	vm7 =	veq.s32 v48, $0x1  }
0x1bb: {  	v40 =	vnsel vm7, $0x0, v4  }
0x1bc: {  	[tilespmem:$0x5490] =	vst v40  }
0x1bd: {  	[tilespmem:$0x4890] =	vst v39  }
0x1be: {  	v0 =	vld.idx.msk [tilespmem:v51+s10+$0x0], $0xffff  }
0x1bf: {  	v52 =	vld [tilespmem:$0x1FE60];
	_ =	sdelay $0x3  }
0x1c0: {  	vm7 =	vgt.s32 v0, $0x0  }
0x1c1: {  	v0 =	vnsel vm7, $0x0, v0  }
0x1c2: {  	v0 =	vmin.u32 v0, $0x3FFF;
	_ =	sdelay $0x1  }
0x1c3: {  	v54 =	vld.idx.msk [tilespmem:v52+s10+$0x0], $0xffff  }
0x1c4: {  	v58 =	vld [tilespmem:$0x1FE70];
	_ =	sdelay $0x1  }
0x1c5: {  	v59 =	vld.idx.msk [tilespmem:v0+s2+$0x0], $0xffff;
	_ =	sdelay $0x1  }
0x1c6: {  	vm7 =	veq.s32 v54, $0x1  }
0x1c7: {  	v60 =	vsel vm7, $0x3F800000, v30  }
0x1c8: {  	[tilespmem:$0x5500] =	vst v60  }
0x1c9: {  	[tilespmem:$0x4900] =	vst v59  }
0x1ca: {  	v0 =	vld.idx.msk [tilespmem:v58+s10+$0x0], $0xffff  }
0x1cb: {  	v61 =	vld [tilespmem:$0x1FE80];
	_ =	sdelay $0x3  }
0x1cc: {  	vm7 =	vgt.s32 v0, $0x0  }
0x1cd: {  	v0 =	vnsel vm7, $0x0, v0  }
0x1ce: {  	v0 =	vmin.u32 v0, $0x3FFF;
	_ =	sdelay $0x1  }
0x1cf: {  	v62 =	vld.idx.msk [tilespmem:v61+s10+$0x0], $0xffff  }
0x1d0: {  	v63 =	vld [tilespmem:$0x1FE90];
	_ =	sdelay $0x1  }
0x1d1: {  	v43 =	vld.idx.msk [tilespmem:v0+s2+$0x0], $0xffff;
	_ =	sdelay $0x1  }
0x1d2: {  	vm7 =	veq.s32 v62, $0x1  }
0x1d3: {  	v44 =	vnsel vm7, $0x0, v4  }
0x1d4: {  	[tilespmem:$0x5510] =	vst v44  }
0x1d5: {  	[tilespmem:$0x4910] =	vst v43  }
0x1d6: {  	v0 =	vld.idx.msk [tilespmem:v63+s10+$0x0], $0xffff  }
0x1d7: {  	v5 =	vld [tilespmem:$0x1FEA0];
	_ =	sdelay $0x3  }
0x1d8: {  	vm7 =	vgt.s32 v0, $0x0  }
0x1d9: {  	v0 =	vnsel vm7, $0x0, v0  }
0x1da: {  	v0 =	vmin.u32 v0, $0x3FFF;
	_ =	sdelay $0x1  }
0x1db: {  	v6 =	vld.idx.msk [tilespmem:v5+s10+$0x0], $0xffff  }
0x1dc: {  	v7 =	vld [tilespmem:$0x1FEB0];
	_ =	sdelay $0x1  }
0x1dd: {  	v62 =	vld.idx.msk [tilespmem:v0+s2+$0x0], $0xffff;
	_ =	sdelay $0x1  }
0x1de: {  	vm7 =	veq.s32 v6, $0x1  }
0x1df: {  	v3 =	vsel vm7, $0x3F800000, v30  }
0x1e0: {  	[tilespmem:$0x5580] =	vst v3  }
0x1e1: {  	[tilespmem:$0x4980] =	vst v62  }
0x1e2: {  	v0 =	vld.idx.msk [tilespmem:v7+s10+$0x0], $0xffff  }
0x1e3: {  	v8 =	vld [tilespmem:$0x1FEC0];
	_ =	sdelay $0x3  }
0x1e4: {  	vm7 =	vgt.s32 v0, $0x0  }
0x1e5: {  	v0 =	vnsel vm7, $0x0, v0  }
0x1e6: {  	v0 =	vmin.u32 v0, $0x3FFF;
	_ =	sdelay $0x1  }
0x1e7: {  	v10 =	vld.idx.msk [tilespmem:v8+s10+$0x0], $0xffff  }
0x1e8: {  	v11 =	vld [tilespmem:$0x1FF90];
	_ =	sdelay $0x1  }
0x1e9: {  	v47 =	vld.idx.msk [tilespmem:v0+s2+$0x0], $0xffff;
	_ =	sdelay $0x1  }
0x1ea: {  	vm7 =	veq.s32 v10, $0x1  }
0x1eb: {  	v48 =	vnsel vm7, $0x0, v4  }
0x1ec: {  	[tilespmem:$0x5590] =	vst v48  }
0x1ed: {  	[tilespmem:$0x4990] =	vst v47  }
0x1ee: {  	v0 =	vld.idx.msk [tilespmem:v11+s10+$0x0], $0xffff  }
0x1ef: {  	v15 =	vld [tilespmem:$0x1FFA0];
	_ =	sdelay $0x3  }
0x1f0: {  	vm7 =	vgt.s32 v0, $0x0  }
0x1f1: {  	v0 =	vnsel vm7, $0x0, v0  }
0x1f2: {  	v0 =	vmin.u32 v0, $0x3FFF;
	_ =	sdelay $0x1  }
0x1f3: {  	v19 =	vld.idx.msk [tilespmem:v15+s10+$0x0], $0xffff  }
0x1f4: {  	v51 =	vld [tilespmem:$0x1FED0];
	_ =	sdelay $0x1  }
0x1f5: {  	v0 =	vld.idx.msk [tilespmem:v0+s2+$0x0], $0xffff;
	_ =	sdelay $0x1  }
0x1f6: {  	vm7 =	veq.s32 v19, $0x1  }
0x1f7: {  	v2 =	vsel vm7, $0x3F800000, v30  }
0x1f8: {  	[tilespmem:$0x5600] =	vst v2  }
0x1f9: {  	[tilespmem:$0x4A00] =	vst v0  }
0x1fa: {  	v5 =	vld.idx.msk [tilespmem:v51+s10+$0x0], $0xffff  }
0x1fb: {  	v52 =	vld [tilespmem:$0x1FEE0];
	_ =	sdelay $0x3  }
0x1fc: {  	vm7 =	vgt.s32 v5, $0x0  }
0x1fd: {  	v5 =	vnsel vm7, $0x0, v5  }
0x1fe: {  	v5 =	vmin.u32 v5, $0x3FFF;
	_ =	sdelay $0x1  }
0x1ff: {  	v6 =	vld.idx.msk [tilespmem:v52+s10+$0x0], $0xffff  }
0x200: {  	v54 =	vld [tilespmem:$0x1FFB0];
	_ =	sdelay $0x1  }
0x201: {  	v51 =	vld.idx.msk [tilespmem:v5+s2+$0x0], $0xffff;
	_ =	sdelay $0x1  }
0x202: {  	vm7 =	veq.s32 v6, $0x1  }
0x203: {  	v52 =	vnsel vm7, $0x0, v4  }
0x204: {  	[tilespmem:$0x5610] =	vst v52  }
0x205: {  	[tilespmem:$0x4A10] =	vst v51  }
0x206: {  	v56 =	vld.idx.msk [tilespmem:v54+s10+$0x0], $0xffff  }
0x207: {  	v57 =	vld [tilespmem:$0x1FFC0];
	_ =	sdelay $0x3  }
0x208: {  	vm7 =	vgt.s32 v56, $0x0  }
0x209: {  	v5 =	vnsel vm7, $0x0, v56  }
0x20a: {  	v5 =	vmin.u32 v5, $0x3FFF;
	_ =	sdelay $0x1  }
0x20b: {  	v58 =	vld.idx.msk [tilespmem:v57+s10+$0x0], $0xffff  }
0x20c: {  	v61 =	vld [tilespmem:$0x1FEF0];
	_ =	sdelay $0x1  }
0x20d: {  	v5 =	vld.idx.msk [tilespmem:v5+s2+$0x0], $0xffff;
	_ =	sdelay $0x1  }
0x20e: {  	vm7 =	veq.s32 v58, $0x1  }
0x20f: {  	v6 =	vsel vm7, $0x3F800000, v30  }
0x210: {  	[tilespmem:$0x5680] =	vst v6  }
0x211: {  	[tilespmem:$0x4A80] =	vst v5  }
0x212: {  	v54 =	vld.idx.msk [tilespmem:v61+s10+$0x0], $0xffff  }
0x213: {  	v63 =	vld [tilespmem:$0x1FF00];
	_ =	sdelay $0x3  }
0x214: {  	vm7 =	vgt.s32 v54, $0x0  }
0x215: {  	v54 =	vnsel vm7, $0x0, v54  }
0x216: {  	v54 =	vmin.u32 v54, $0x3FFF;
	_ =	sdelay $0x1  }
0x217: {  	v56 =	vld.idx.msk [tilespmem:v63+s10+$0x0], $0xffff  }
0x218: {  	v7 =	vld [tilespmem:$0x1FFD0];
	_ =	sdelay $0x1  }
0x219: {  	v54 =	vld.idx.msk [tilespmem:v54+s2+$0x0], $0xffff;
	_ =	sdelay $0x1  }
0x21a: {  	vm7 =	veq.s32 v56, $0x1  }
0x21b: {  	v56 =	vnsel vm7, $0x0, v4  }
0x21c: {  	[tilespmem:$0x5690] =	vst v56  }
0x21d: {  	[tilespmem:$0x4A90] =	vst v54  }
0x21e: {  	v57 =	vld.idx.msk [tilespmem:v7+s10+$0x0], $0xffff  }
0x21f: {  	v8 =	vld [tilespmem:$0x1FFF0];
	_ =	sdelay $0x3  }
0x220: {  	vm7 =	vgt.s32 v57, $0x0  }
0x221: {  	v57 =	vnsel vm7, $0x0, v57  }
0x222: {  	v57 =	vmin.u32 v57, $0x3FFF;
	_ =	sdelay $0x1  }
0x223: {  	v58 =	vld.idx.msk [tilespmem:v8+s10+$0x0], $0xffff  }
0x224: {  	v7 =	vld [tilespmem:$0x1FF10];
	_ =	sdelay $0x1  }
0x225: {  	v8 =	vld.idx.msk [tilespmem:v57+s2+$0x0], $0xffff;
	_ =	sdelay $0x1  }
0x226: {  	vm7 =	veq.s32 v58, $0x1  }
0x227: {  	v1 =	vsel vm7, $0x3F800000, v30  }
0x228: {  	[tilespmem:$0x5700] =	vst v1  }
0x229: {  	[tilespmem:$0x4B00] =	vst v8  }
0x22a: {  	v10 =	vld.idx.msk [tilespmem:v7+s10+$0x0], $0xffff  }
0x22b: {  	v11 =	vld [tilespmem:$0x1FF20];
	_ =	sdelay $0x3  }
0x22c: {  	vm7 =	vgt.s32 v10, $0x0  }
0x22d: {  	v57 =	vnsel vm7, $0x0, v10  }
0x22e: {  	v57 =	vmin.u32 v57, $0x3FFF;
	_ =	sdelay $0x1  }
0x22f: {  	v15 =	vld.idx.msk [tilespmem:v11+s10+$0x0], $0xffff;
	_ =	sdelay $0x2  }
0x230: {  	v57 =	vld.idx.msk [tilespmem:v57+s2+$0x0], $0xffff  }
0x231: {  	v61 =	vadd.s32 $0x1E, v9  }
0x232: {  	vm7 =	veq.s32 v15, $0x1  }
0x233: {  	v58 =	vnsel vm7, $0x0, v4  }
0x234: {  	[tilespmem:$0x5710] =	vst v58  }
0x235: {  	[tilespmem:$0x4B10] =	vst v57  }
0x236: {  	v61 =	vld.idx.msk [tilespmem:v61+s10+$0x0], $0xffff;
	_ =	sdelay $0x3  }
0x237: {  	v63 =	vadd.s32 $0x1F, v9  }
0x238: {  	vm7 =	vgt.s32 v61, $0x0  }
0x239: {  	v61 =	vnsel vm7, $0x0, v61  }
0x23a: {  	v61 =	vmin.u32 v61, $0x3FFF;
	_ =	sdelay $0x1  }
0x23b: {  	v63 =	vld.idx.msk [tilespmem:v63+s10+$0x0], $0xffff  }
0x23c: {  	v10 =	vld [tilespmem:$0x1FF30];
	_ =	sdelay $0x1  }
0x23d: {  	v15 =	vld.idx.msk [tilespmem:v61+s2+$0x0], $0xffff;
	_ =	sdelay $0x1  }
0x23e: {  	vm7 =	veq.s32 v63, $0x1  }
0x23f: {  	v7 =	vsel vm7, $0x3F800000, v30  }
0x240: {  	[tilespmem:$0x5780] =	vst v7  }
0x241: {  	[tilespmem:$0x4B80] =	vst v15  }
0x242: {  	v19 =	vld.idx.msk [tilespmem:v10+s10+$0x0], $0xffff  }
0x243: {  	v63 =	vld [tilespmem:$0x1FF40];
	_ =	sdelay $0x3  }
0x244: {  	vm7 =	vgt.s32 v19, $0x0  }
0x245: {  	v61 =	vnsel vm7, $0x0, v19  }
0x246: {  	v61 =	vmin.u32 v61, $0x3FFF;
	_ =	sdelay $0x1  }
0x247: {  	v63 =	vld.idx.msk [tilespmem:v63+s10+$0x0], $0xffff;
	_ =	sdelay $0x2  }
0x248: {  	v61 =	vld.idx.msk [tilespmem:v61+s2+$0x0], $0xffff  }
0x249: {  	v19 =	vadd.s32 $0x20, v9  }
0x24a: {  	vm7 =	veq.s32 v63, $0x1  }
0x24b: {  	v63 =	vnsel vm7, $0x0, v4  }
0x24c: {  	v11 =	vadd.f32 v20, v14;
	[tilespmem:$0x5790] =	vst v63  }
0x24d: {  	[tilespmem:$0x4B90] =	vst v61  }
0x24e: {  	v11 =	vadd.f32 v24, v11;
	v10 =	vld.idx.msk [tilespmem:v19+s10+$0x0], $0xffff  }
0x24f: {  	v19 =	vld [tilespmem:$0x1FB70]  }
0x250: {  	v11 =	vadd.f32 v29, v11;
	_ =	sdelay $0x1  }
0x251: {  	v11 =	vadd.f32 v34, v11;
	_ =	sdelay $0x1  }
0x252: {  	v11 =	vadd.f32 v38, v11;
	v14 =	vmul.f32 v14, v19;
	v19 =	vld [tilespmem:$0x1FB80];
	_ =	sdelay $0x1  }
0x253: {  	v33 =	vmul.f32 v34, v33;
	v34 =	vmul.f32 v38, v37;
	v37 =	vld [tilespmem:$0x1FB90];
	v11 =	vadd.f32 v42, v11;
	_ =	sdelay $0x1  }
0x254: {  	v42 =	vmul.f32 v42, v41;
	v41 =	vmul.f32 v46, v45;
	v11 =	vadd.f32 v46, v11;
	v46 =	vld [tilespmem:$0x1FBB0]  }
0x255: {  	v14 =	vadd.f32 $0.0e+00, v14;
	v19 =	vmul.f32 v20, v19  }
0x256: {  	v24 =	vmul.f32 v24, v23;
	v11 =	vadd.f32 v50, v11  }
0x257: {  	v38 =	vmul.f32 v13, v37;
	v37 =	vadd.f32 v12, v13;
	v14 =	vadd.f32 v19, v14  }
0x258: {  	v29 =	vmul.f32 v29, v27;
	v11 =	vadd.f32 v55, v11;
	v20 =	vadd.s32 $0x21, v9  }
0x259: {  	v13 =	vmul.f32 v16, v46;
	v9 =	vadd.f32 v16, v37;
	v14 =	vadd.f32 v24, v14  }
0x25a: {  	v27 =	vld [tilespmem:$0x4400];
	v46 =	vmul.f32 v32, v31;
	v11 =	vadd.f32 v60, v11;
	vm7 =	vgt.s32 v10, $0x0  }
0x25b: {  	v10 =	vnsel vm7, $0x0, v10;
	v9 =	vadd.f32 v17, v9;
	v14 =	vadd.f32 v29, v14;
	v29 =	vld [tilespmem:$0x1FBA0]  }
0x25c: {  	v31 =	vmul.f32 v40, v39;
	v39 =	vld [tilespmem:$0x4780];
	v11 =	vadd.f32 v3, v11;
	v10 =	vmin.u32 v10, $0x3FFF  }
0x25d: {  	v9 =	vadd.f32 v22, v9;
	v20 =	vld.idx.msk [tilespmem:v20+s10+$0x0], $0xffff;
	v14 =	vadd.f32 v33, v14  }
0x25e: {  	v53 =	vmul.f32 v55, v53;
	v55 =	vmul.f32 v60, v59;
	v60 =	vld [tilespmem:$0x1FBC0];
	v11 =	vadd.f32 v2, v11  }
0x25f: {  	v3 =	vmul.f32 v3, v62;
	v62 =	vld [tilespmem:$0x4600];
	v9 =	vadd.f32 v26, v9;
	v14 =	vadd.f32 v34, v14  }
0x260: {  	v11 =	vadd.f32 v6, v11;
	v37 =	vld [tilespmem:$0x5300];
	v19 =	vadd.f32 $0.0e+00, v38;
	v33 =	vmul.f32 v12, v29  }
0x261: {  	v10 =	vld.idx.msk [tilespmem:v10+s2+$0x0], $0xffff;
	v9 =	vadd.f32 v18, v9;
	v14 =	vadd.f32 v42, v14  }
0x262: {  	vm7 =	veq.s32 v20, $0x1;
	v20 =	vmul.f32 v22, v21;
	v21 =	vld [tilespmem:$0x1FF60];
	v38 =	vadd.f32 v33, v19  }
0x263: {  	v49 =	vmul.f32 v50, v49;
	v11 =	vadd.f32 v1, v11;
	v42 =	vld [tilespmem:$0x1FF50];
	v14 =	vadd.f32 v41, v14  }
0x264: {  	v17 =	vmul.f32 v17, v60;
	v9 =	vadd.f32 v32, v9;
	v32 =	vld [tilespmem:$0x5200];
	v12 =	vadd.f32 v13, v38  }
0x265: {  	v25 =	vmul.f32 v26, v25;
	v11 =	vadd.f32 v7, v11;
	v29 =	vld [tilespmem:$0x5000];
	v50 =	vadd.f32 v49, v14  }
0x266: {  	v34 =	vsel vm7, $0x3F800000, v30;
	v26 =	vadd.f32 v36, v9;
	v33 =	vld [tilespmem:$0x4680];
	v12 =	vadd.f32 v17, v12  }
0x267: {  	v0 =	vmul.f32 v2, v0;
	v11 =	vadd.f32 v34, v11;
	v19 =	vld [tilespmem:$0x5600];
	v13 =	vadd.f32 v53, v50  }
0x268: {  	v23 =	vmul.f32 v6, v5;
	v6 =	vadd.f32 v40, v26;
	v40 =	vld [tilespmem:$0x5380];
	v2 =	vadd.f32 v20, v12  }
0x269: {  	[tilespmem:$0x4C00] =	vst v10;
	v22 =	vmax.f32 v11, $1.000000000e+00;
	v41 =	vmul.f32 v18, v28;
	v28 =	vld [tilespmem:$0x4810];
	v13 =	vadd.f32 v55, v13  }
0x26a: {  	[tilespmem:$0x5800] =	vst v34;
	(erf) = vrcp.f32 v22;
	v22 =	vld [tilespmem:$0x5580];
	v6 =	vadd.f32 v44, v6;
	v2 =	vadd.f32 v25, v2  }
0x26b: {  	v45 =	vld.idx.msk [tilespmem:v42+s10+$0x0], $0xffff;
	v3 =	vadd.f32 v3, v13  }
0x26c: {  	v49 =	vld [tilespmem:$0x4500];
	v6 =	vadd.f32 v48, v6;
	v2 =	vadd.f32 v41, v2  }
0x26d: {  	v50 =	vmul.f32 v34, v10;
	v10 =	vld [tilespmem:$0x5100];
	v0 =	vadd.f32 v0, v3  }
0x26e: {  	v53 =	vmul.f32 v36, v35;
	v35 =	vld [tilespmem:$0x5280];
	v60 =	vadd.f32 v52, v6;
	v2 =	vadd.f32 v46, v2  }
0x26f: {  	v1 =	vmul.f32 v1, v8;
	v34 =	vmul.f32 v44, v43;
	v36 =	vld [tilespmem:$0x4700];
	v0 =	vadd.f32 v23, v0  }
0x270: {  	v43 =	vld [tilespmem:$0x5400];
	v5 =	vadd.f32 v56, v60;
	vm7 =	vgt.s32 v45, $0x0;
	v2 =	vadd.f32 v53, v2  }
0x271: {  	v13 =	vld.idx.msk [tilespmem:v21+s10+$0x0], $0xffff;
	v59 =	vnsel vm7, $0x0, v45;
	v45 =	vmul.f32 v7, v15;
	v0 =	vadd.f32 v1, v0  }
0x272: {  	v44 =	vmul.f32 v56, v54;
	v54 =	vld [tilespmem:$0x4980];
	v2 =	vadd.f32 v31, v2  }
0x273: {  	v38 =	vmul.f32 v48, v47;
	v42 =	vld [tilespmem:$0x4480];
	v5 =	vadd.f32 v58, v5;
	v0 =	vadd.f32 v45, v0  }
0x274: {  	v55 =	vld [tilespmem:$0x4580];
	v41 =	vmul.f32 v52, v51;
	v16 =	vmin.u32 v59, $0x3FFF;
	v2 =	vadd.f32 v34, v2  }
0x275: {  	v21 =	vld [tilespmem:$0x5680];
	vm7 =	vgt.f32 v11, $0.0e+00;
	v5 =	vadd.f32 v63, v5;
	v0 =	vadd.f32 v50, v0  }
0x276: {  	v52 =	vld [tilespmem:$0x5500];
	v9 =	vsel vm7, $0x3F800000, v30;
	vm7 =	veq.s32 v13, $0x1;
	v1 =	vpop (erf);
	v2 =	vadd.f32 v38, v2  }
0x277: {  	v46 =	vld [tilespmem:$0x4880];
	v23 =	vnsel vm7, $0x0, v4;
	v0 =	vmul.f32 v1, v0  }
0x278: {  	v15 =	vld [tilespmem:$0x5080];
	v5 =	vadd.f32 v23, v5;
	v2 =	vadd.f32 v41, v2  }
0x279: {  	vm8 =	vmmov $0xff;
	vm9 =	vmmov $0x3ff;
	v14 =	vld.idx.msk [tilespmem:v16+s2+$0x0], $0xffff;
	v16 =	vmul.f32 v0, v9  }
0x27a: {  	v26 =	vimm.s32 $0x3;
	v59 =	vld [tilespmem:$0x5180];
	v45 =	vmax.f32 v5, $1.000000000e+00;
	v2 =	vadd.f32 v44, v2  }
0x27b: {  	v31 =	vld [tilespmem:$0x4890];
	(erf) = vrcp.f32 v45;
	v12 =	vsub.f32 v27, v16;
	v8 =	vsub.f32 v42, v16  }
0x27c: {  	v34 =	vld [tilespmem:$0x4490];
	v50 =	vmul.f32 v58, v57;
	v7 =	vsub.f32 v49, v16;
	v48 =	vsub.f32 v55, v16  }
0x27d: {  	v58 =	vld [tilespmem:$0x4A00];
	v6 =	vsub.f32 v62, v16;
	v55 =	vmul.f32 v63, v61;
	v57 =	vsub.f32 v33, v16  }
0x27e: {  	v45 =	vld [tilespmem:$0x5110];
	v62 =	vsub.f32 v36, v16;
	v12 =	vmul.f32 v12, v12;
	v8 =	vmul.f32 v8, v8  }
0x27f: {  	v42 =	vld [tilespmem:$0x4800];
	v41 =	vsub.f32 v46, v16;
	v7 =	vmul.f32 v7, v7;
	v53 =	vmul.f32 v48, v48  }
0x280: {  	vm7 =	vgt.f32 v5, $0.0e+00;
	v49 =	vld [tilespmem:$0x4900];
	v6 =	vmul.f32 v6, v6;
	v61 =	vmul.f32 v57, v57  }
0x281: {  	v2 =	vadd.f32 v50, v2;
	v50 =	vld [tilespmem:$0x4690];
	v63 =	vmul.f32 v62, v62;
	v44 =	vmul.f32 v41, v41  }
0x282: {  	v4 =	vsel vm7, $0x3F800000, v30;
	v48 =	vld [tilespmem:$0x5190];
	v3 =	vmul.f32 v12, v29;
	v47 =	vmul.f32 v8, v15  }
0x283: {  	v41 =	vld [tilespmem:$0x4A10];
	v2 =	vadd.f32 v55, v2;
	v51 =	vmul.f32 v7, v10;
	v56 =	vmul.f32 v53, v59  }
0x284: {  	v59 =	vmul.f32 v23, v14;
	v60 =	vmul.f32 v6, v32;
	v10 =	vld [tilespmem:$0x4A80];
	v15 =	vsub.f32 v39, v16  }
0x285: {  	v0 =	vmul.f32 v61, v35;
	v6 =	vld [tilespmem:$0x4B00];
	v33 =	vsub.f32 v42, v16;
	v3 =	vadd.f32 $0.0e+00, v3  }
0x286: {  	v8 =	vld [tilespmem:$0x5480];
	v5 =	vmul.f32 v63, v37;
	v17 =	vsub.f32 v49, v16;
	v2 =	vadd.f32 v59, v2  }
0x287: {  	v32 =	vld [tilespmem:$0x4410];
	v12 =	vpop (erf);
	v11 =	vmul.f32 v15, v15;
	v36 =	vmul.f32 v33, v33;
	v3 =	vadd.f32 v47, v3  }
0x288: {  	v30 =	vadd.f32 v4, v9;
	v39 =	vld [tilespmem:$0x4510];
	v17 =	vmul.f32 v17, v17;
	v2 =	vmul.f32 v12, v2  }
0x289: {  	v59 =	vld [tilespmem:$0x4790];
	v35 =	vmul.f32 v11, v40;
	v40 =	vmul.f32 v36, v43;
	v3 =	vadd.f32 v51, v3  }
0x28a: {  	v37 =	vld [tilespmem:$0x5010];
	v10 =	vsub.f32 v10, v16;
	v6 =	vsub.f32 v6, v16;
	v13 =	vmul.f32 v2, v4  }
0x28b: {  	v43 =	vld [tilespmem:$0x4590];
	v7 =	vmul.f32 v17, v52;
	v51 =	vsub.f32 v54, v16;
	v3 =	vadd.f32 v56, v3  }
0x28c: {  	v47 =	vld [tilespmem:$0x4610];
	v10 =	vmul.f32 v10, v10;
	v38 =	vsub.f32 v32, v13;
	v25 =	vsub.f32 v34, v13  }
0x28d: {  	v2 =	vld [tilespmem:$0x4B80];
	v6 =	vmul.f32 v6, v6;
	v29 =	vsub.f32 v39, v13;
	v56 =	vsub.f32 v58, v16  }
0x28e: {  	(xrf2) =	vadd.scan.msk.f32 $0xffff, v30;
	v42 =	vld [tilespmem:$0x5090];
	v55 =	vmul.f32 v51, v51;
	v30 =	vsub.f32 v59, v13;
	v36 =	vsub.f32 v28, v13  }
0x28f: {  	[tilespmem:$0x5810] =	vst v23;
	v54 =	vld [tilespmem:$0x4710];
	v10 =	vmul.f32 v10, v21;
	v3 =	vadd.f32 v60, v3;
	v24 =	vmul.f32 v38, v38  }
0x290: {  	[tilespmem:$0x4C10] =	vst v14;
	v63 =	vld [tilespmem:$0x5390];
	v46 =	vmul.f32 v25, v25;
	v49 =	vmul.f32 v29, v29;
	v27 =	vsub.f32 v43, v13  }
0x291: {  	[tilespmem:$0x5C00] =	vst v16;
	v61 =	vld [tilespmem:$0x5310];
	v25 =	vsub.f32 v47, v13;
	v17 =	vmul.f32 v56, v56;
	v60 =	vsub.f32 v50, v13  }
0x292: {  	v52 =	vld [tilespmem:$0x5210];
	[tilespmem:$0x5C10] =	vst v13;
	v18 =	vmul.f32 v30, v30;
	v2 =	vsub.f32 v2, v16;
	v20 =	vmul.f32 v24, v37  }
0x293: {  	v32 =	vld.msk [tilespmem:s11+$0x0], $0xffff;
	v0 =	vadd.f32 v0, v3;
	v24 =	vmul.f32 v46, v42;
	v53 =	vmul.f32 v27, v27  }
0x294: {  	v39 =	vld [tilespmem:$0x5490];
	v58 =	vmul.f32 v25, v25;
	v27 =	vsub.f32 v54, v13;
	v17 =	vmul.f32 v17, v19  }
0x295: {  	v51 =	vld [tilespmem:$0x4A90];
	v38 =	vmul.f32 v18, v63;
	v19 =	vsub.f32 v31, v13;
	v2 =	vmul.f32 v2, v2  }
0x296: {  	v3 =	vld [tilespmem:$0x5700];
	v0 =	vadd.f32 v5, v0;
	v5 =	vmul.f32 v44, v8;
	v11 =	vmul.f32 v53, v48  }
0x297: {  	v37 =	vld [tilespmem:$0x4990];
	v20 =	vadd.f32 $0.0e+00, v20;
	v62 =	vmul.f32 v58, v52;
	v14 =	vmul.f32 v27, v27  }
0x298: {  	v8 =	vld [tilespmem:$0x5780];
	v42 =	vsub.f32 v32, v16;
	v43 =	vmul.f32 v19, v19;
	v59 =	vsub.f32 v32, v13  }
0x299: {  	v58 =	vld [tilespmem:$0x4B10];
	v19 =	vimm.s32 $0x2;
	v32 =	vimm.s32 $0x4;
	v0 =	vadd.f32 v35, v0  }
0x29a: {  	v33, _, _ =	vpop (xrf2);
	v27 =	vld.idx.msk [tilespmem:v26+s11+$0x0], $0xffff;
	v20 =	vadd.f32 v24, v20;
	v24 =	vmul.f32 v60, v60;
	v34 =	vmul.f32 v14, v61  }
0x29b: {  	v35 =	vld [tilespmem:$0x4910];
	v14 =	vbroadcast v33, $0xF;
	v47 =	vmul.f32 v43, v39;
	v61 =	vsub.f32 v51, v13  }
0x29c: {  	v57 =	vld [tilespmem:$0x5290];
	v3 =	vmul.f32 v6, v3;
	v21 =	vsub.f32 v37, v13;
	v6 =	vsub.f32 v41, v13  }
0x29d: {  	v46 =	vld [tilespmem:$0x4C00];
	v0 =	vadd.f32 v40, v0;
	(erf) = vrcp.f32 v14;
	v63 =	vmul.f32 v61, v61  }
0x29e: {  	v40 =	vld [tilespmem:$0x5510];
	v2 =	vmul.f32 v2, v8;
	v50 =	vmul.f32 v21, v21;
	v23 =	vsub.f32 v58, v13  }
0x29f: {  	v37 =	vsub.f32 v27, v16;
	v0 =	vadd.f32 v5, v0;
	v5 =	vmul.f32 v49, v45;
	v45 =	vld [tilespmem:$0x5590]  }
0x2a0: {  	v6 =	vmul.f32 v6, v6;
	v39 =	vsub.f32 v27, v13;
	v49 =	vld [tilespmem:$0x5610];
	v44 =	vsub.f32 v35, v13  }
0x2a1: {  	v0 =	vadd.f32 v7, v0;
	v5 =	vadd.f32 v5, v20;
	v7 =	vmul.f32 v55, v22  }
0x2a2: {  	v28 =	vmul.f32 v23, v23;
	v55 =	vimm.s32 $0x1;
	v22 =	vld [tilespmem:$0x5710];
	v48 =	vmul.f32 v44, v44  }
0x2a3: {  	v5 =	vadd.f32 v11, v5;
	v0 =	vadd.f32 v7, v0;
	v7 =	vmul.f32 v24, v57;
	v11 =	vld.idx.msk [tilespmem:v19+s11+$0x0], $0xffff  }
0x2a4: {  	v57 =	vsub.f32 v46, v16;
	v53 =	vmul.f32 v48, v40;
	v54 =	vmul.f32 v50, v45  }
0x2a5: {  	v60 =	vmul.f32 v6, v49;
	v5 =	vadd.f32 v62, v5;
	v0 =	vadd.f32 v17, v0  }
0x2a6: {  	v29 =	vld [tilespmem:$0x5410];
	v40 =	vmul.f32 v37, v37;
	v45 =	vimm.s32 $0x6;
	v62 =	vmul.f32 v57, v57  }
0x2a7: {  	v8 =	vld.idx.msk [tilespmem:v55+s11+$0x0], $0xffff;
	v19 =	vmul.f32 v28, v22;
	v5 =	vadd.f32 v7, v5;
	v0 =	vadd.f32 v10, v0  }
0x2a8: {  	v52 =	vld [tilespmem:$0x5800];
	v10 =	vmul.f32 v36, v36;
	v7 =	vmul.f32 v42, v42;
	v31 =	vsub.f32 v11, v16  }
0x2a9: {  	v42 =	vimm.s32 $0x5;
	v35 =	vsub.f32 v11, v13;
	v5 =	vadd.f32 v34, v5  }
0x2aa: {  	v7 =	vsub.f32 $0.0e+00, v7;
	v0 =	vadd.f32 v3, v0;
	v34 =	vlaneseq.u32  }
0x2ab: {  	v10 =	vmul.f32 v10, v29;
	vm7 =	veq.s32 v34, $0x0;
	v5 =	vadd.f32 v38, v5  }
0x2ac: {  	v7 =	vmul.f32 $1.442695020e+00, v7;
	v0 =	vadd.f32 v2, v0;
	v15 =	vsub.f32 v8, v16  }
0x2ad: {  	v2 =	vmul.f32 v62, v52;
	v8 =	vsub.f32 v8, v13;
	v52 =	vimm.s32 $0x7  }
0x2ae: {  	v5 =	vadd.f32 v10, v5;
	(erf) = vpow2.f32 v7;
	v7 =	vmul.f32 v59, v59  }
0x2af: {  	v6 =	vmul.f32 v15, v15;
	v17 =	vadd.f32 v2, v0;
	v25 =	vmul.f32 v8, v8  }
0x2b0: {  	v56 =	vld [tilespmem:$0x5690];
	v2 =	vmul.f32 v31, v31;
	v8 =	vsub.f32 $0.0e+00, v40;
	v5 =	vadd.f32 v47, v5  }
0x2b1: {  	v36 =	vmul.f32 v35, v35;
	v7 =	vsub.f32 $0.0e+00, v7;
	v29 =	vsub.f32 $0.0e+00, v6;
	v6 =	vld.idx.msk [tilespmem:v32+s11+$0x0], $0xffff  }
0x2b2: {  	v30 =	vsub.f32 $0.0e+00, v25;
	v38 =	vsub.f32 $0.0e+00, v2;
	v2 =	vmul.f32 v39, v39;
	v11 =	vld.idx.msk [tilespmem:v52+s11+$0x0], $0xffff  }
0x2b3: {  	v34 =	vimm.s32 $0xB;
	v5 =	vadd.f32 v53, v5;
	v24 =	vmul.f32 $1.442695020e+00, v7  }
0x2b4: {  	v47 =	vmul.f32 $1.442695020e+00, v8;
	v0 =	vmul.f32 $1.442695020e+00, v30;
	v43 =	vsub.f32 $0.0e+00, v2  }
0x2b5: {  	v3 =	vadd.f32 v54, v5;
	v5 =	vmul.f32 v63, v56;
	(erf) = vpow2.f32 v24  }
0x2b6: {  	v63 =	vimm.s32 $0x9;
	v41 =	vsub.f32 v6, v16;
	v44 =	vsub.f32 v6, v13;
	v6 =	vld.idx.msk [tilespmem:v45+s11+$0x0], $0xffff  }
0x2b7: {  	v7 =	vpop (erf);
	v3 =	vadd.f32 v60, v3;
	v59 =	vsub.f32 v11, v16;
	v60 =	vimm.s32 $0x8  }
0x2b8: {  	v25 =	vsub.f32 v11, v13;
	v33 =	vpop (erf);
	v10 =	vmul.f32 v41, v41;
	v2 =	vmul.f32 v44, v44  }
0x2b9: {  	v18 =	vadd.f32 v5, v3;
	v5 =	vmul.f32 $1.442695020e+00, v29;
	v3 =	vsel vm7, $0x0, v33  }
0x2ba: {  	v41 =	vimm.s32 $0xC;
	v20 =	vadd.f32 $0.0e+00, v3;
	v48 =	vsub.f32 $0.0e+00, v10  }
0x2bb: {  	v3 =	vld.idx.msk [tilespmem:v42+s11+$0x0], $0xffff;
	(erf) = vpow2.f32 v5;
	v5 =	vsub.f32 $0.0e+00, v36;
	v57 =	vsub.f32 v6, v16  }
0x2bc: {  	v6 =	vsub.f32 v6, v13;
	(erf) = vpow2.f32 v0;
	v0 =	vmul.f32 $1.442695020e+00, v38  }
0x2bd: {  	v29 =	vimm.s32 $0xA;
	v15 =	vld.idx.msk [tilespmem:v63+s11+$0x0], $0xffff;
	v50 =	vmul.f32 $1.442695020e+00, v48;
	v5 =	vmul.f32 $1.442695020e+00, v5  }
0x2be: {  	v35 =	vld.idx.msk [tilespmem:v34+s11+$0x0], $0xffff;
	v53 =	vsub.f32 $0.0e+00, v2;
	v8 =	vmul.f32 v57, v57;
	v6 =	vmul.f32 v6, v6  }
0x2bf: {  	v42 =	vld.idx.msk [tilespmem:v41+s11+$0x0], $0xffff;
	v41 =	vimm.s32 $0x11;
	(erf) = vpow2.f32 v0;
	v46 =	vpop (erf);
	v0 =	vmul.f32 $1.442695020e+00, v43  }
0x2c0: {  	v61 =	vld.idx.msk [tilespmem:v60+s11+$0x0], $0xffff;
	(erf) = vpow2.f32 v5;
	v49 =	vadd.f32 $0.0e+00, v46;
	v51 =	vsub.f32 v3, v16  }
0x2c1: {  	v54 =	vsub.f32 v3, v13;
	v8 =	vsub.f32 $0.0e+00, v8;
	(erf) = vpow2.f32 v47  }
0x2c2: {  	v6 =	vsub.f32 $0.0e+00, v6;
	v32 =	vsub.f32 v15, v16;
	(erf) = vpow2.f32 v0  }
0x2c3: {  	v22 =	vsub.f32 v15, v13;
	v56 =	vmul.f32 v51, v51;
	v0 =	vmul.f32 $1.442695020e+00, v53  }
0x2c4: {  	v30 =	vld.idx.msk [tilespmem:v29+s11+$0x0], $0xffff;
	v46 =	vsub.f32 v35, v16;
	v2 =	vmul.f32 v54, v54;
	v8 =	vmul.f32 $1.442695020e+00, v8  }
0x2c5: {  	v6 =	vmul.f32 $1.442695020e+00, v6;
	v27 =	vsub.f32 v61, v16;
	v28 =	vsub.f32 v61, v13  }
0x2c6: {  	v22 =	vmul.f32 v22, v22;
	(erf) = vpow2.f32 v50;
	v50 =	vsub.f32 v42, v16  }
0x2c7: {  	v51 =	vimm.s32 $0xD;
	v54 =	vsub.f32 v42, v13;
	v5 =	vsub.f32 $0.0e+00, v56  }
0x2c8: {  	(erf) = vpow2.f32 v0;
	v58 =	vsub.f32 $0.0e+00, v2;
	v2 =	vmul.f32 v59, v59  }
0x2c9: {  	v11 =	vmul.f32 v28, v28;
	v37 =	vsub.f32 v30, v16;
	v40 =	vsub.f32 $0.0e+00, v22  }
0x2ca: {  	v44 =	vsub.f32 v30, v13;
	v56 =	vimm.s32 $0xE;
	v55 =	vpop (erf);
	v21 =	vmul.f32 v50, v50  }
0x2cb: {  	v3 =	vsel vm0, $0x0, v55;
	v5 =	vmul.f32 $1.442695020e+00, v5;
	v0 =	vmul.f32 $1.442695020e+00, v58  }
0x2cc: {  	v42 =	vld.idx.msk [tilespmem:v41+s11+$0x0], $0xffff;
	v62 =	vpop (erf);
	v24 =	vsub.f32 $0.0e+00, v2;
	v2 =	vmul.f32 v25, v25;
	v11 =	vsub.f32 $0.0e+00, v11  }
0x2cd: {  	v43 =	vmul.f32 $1.442695020e+00, v40;
	v48 =	vmul.f32 v44, v44;
	v10 =	vadd.f32 v62, v49  }
0x2ce: {  	v49 =	vsub.f32 v35, v13;
	v59 =	vsub.f32 $0.0e+00, v21;
	v62 =	vimm.s32 $0xF  }
0x2cf: {  	(erf) = vpow2.f32 v5;
	v31 =	vsub.f32 $0.0e+00, v2;
	v2 =	vmul.f32 v32, v32  }
0x2d0: {  	v20 =	vadd.f32 v3, v20;
	v39 =	vmul.f32 $1.442695020e+00, v11;
	(erf) = vpow2.f32 v0  }
0x2d1: {  	v23 =	vsub.f32 v42, v13;
	v0 =	vmul.f32 $1.442695020e+00, v24;
	v11 =	vmul.f32 v49, v49  }
0x2d2: {  	v52 =	vld.idx.msk [tilespmem:v51+s11+$0x0], $0xffff;
	v42 =	vimm.s32 $0x17;
	v5 =	vpop (erf);
	(erf) = vpow2.f32 v8;
	v8 =	vmul.f32 v27, v27  }
0x2d3: {  	v57 =	vld.idx.msk [tilespmem:v56+s11+$0x0], $0xffff;
	v36 =	vsub.f32 $0.0e+00, v2;
	v2 =	vmul.f32 v37, v37;
	v56 =	vmul.f32 v23, v23  }
0x2d4: {  	v26 =	vpop (erf);
	(erf) = vpow2.f32 v6;
	v11 =	vsub.f32 $0.0e+00, v11;
	v5 =	vsel vm1, $0x0, v5  }
0x2d5: {  	v10 =	vadd.f32 v26, v10;
	(erf) = vpow2.f32 v0;
	v8 =	vsub.f32 $0.0e+00, v8  }
0x2d6: {  	v0 =	vmul.f32 $1.442695020e+00, v31;
	v45 =	vsub.f32 $0.0e+00, v2;
	v2 =	vmul.f32 v46, v46  }
0x2d7: {  	v6 =	vpop (erf);
	v61 =	vsub.f32 v52, v16;
	v34 =	vsub.f32 v52, v13;
	v52 =	vimm.s32 $0x12  }
0x2d8: {  	v5 =	vadd.f32 v5, v20;
	v31 =	vimm.s32 $0x14;
	v33 =	vpop (erf);
	v58 =	vmul.f32 $1.442695020e+00, v11  }
0x2d9: {  	v6 =	vsel vm2, $0x0, v6;
	v10 =	vadd.f32 v33, v10;
	v8 =	vmul.f32 $1.442695020e+00, v8  }
0x2da: {  	(erf) = vpow2.f32 v0;
	v0 =	vmul.f32 $1.442695020e+00, v36;
	v53 =	vsub.f32 $0.0e+00, v2  }
0x2db: {  	v24 =	vpop (erf);
	v2 =	vmul.f32 v54, v54;
	v33 =	vmul.f32 $1.442695020e+00, v59;
	v37 =	vsub.f32 v57, v16  }
0x2dc: {  	v36 =	vmul.f32 v34, v34;
	v22 =	vsub.f32 v57, v13;
	v57 =	vadd.f32 v19, v18;
	v38 =	vpop (erf)  }
0x2dd: {  	v59 =	vsub.f32 $0.0e+00, v56;
	(erf) = vpow2.f32 v8;
	v10 =	vadd.f32 v38, v10  }
0x2de: {  	v63 =	vld.idx.msk [tilespmem:v62+s11+$0x0], $0xffff;
	v60 =	vsub.f32 $0.0e+00, v2;
	v2 =	vmul.f32 v61, v61;
	v38 =	vimm.s32 $0x10  }
0x2df: {  	v8 =	vsub.f32 $0.0e+00, v48;
	v11 =	vmul.f32 v37, v37;
	(erf) = vpow2.f32 v39  }
0x2e0: {  	v5 =	vadd.f32 v6, v5;
	v22 =	vmul.f32 v22, v22;
	(erf) = vpow2.f32 v0  }
0x2e1: {  	v24 =	vsel vm3, $0x0, v24;
	v25 =	vpop (erf);
	v0 =	vmul.f32 $1.442695020e+00, v45;
	v8 =	vmul.f32 $1.442695020e+00, v8  }
0x2e2: {  	v5 =	vadd.f32 v24, v5;
	v47 =	vpop (erf);
	v35 =	vmul.f32 $1.442695020e+00, v60;
	(erf) = vpow2.f32 v43  }
0x2e3: {  	v21 =	vsub.f32 v63, v13;
	v26 =	vpop (erf);
	(erf) = vpow2.f32 v0;
	v0 =	vmul.f32 $1.442695020e+00, v53;
	v39 =	vld.idx.msk [tilespmem:v38+s11+$0x0], $0xffff  }
0x2e4: {  	v2 =	vsub.f32 $0.0e+00, v2;
	v11 =	vsub.f32 $0.0e+00, v11;
	(erf) = vpow2.f32 v8  }
0x2e5: {  	v22 =	vsub.f32 $0.0e+00, v22;
	v60 =	vimm.s32 $0x13;
	v55 =	vpop (erf);
	(erf) = vpow2.f32 v0  }
0x2e6: {  	v2 =	vmul.f32 $1.442695020e+00, v2;
	v27 =	vpop (erf);
	v8 =	vsub.f32 $0.0e+00, v36;
	(erf) = vpow2.f32 v58  }
0x2e7: {  	v10 =	vadd.f32 v47, v10;
	v21 =	vmul.f32 v21, v21;
	v43 =	vld [tilespmem:$0x4B90];
	v32 =	vpop (erf);
	(erf) = vpow2.f32 v33  }
0x2e8: {  	v53 =	vld.idx.msk [tilespmem:v52+s11+$0x0], $0xffff;
	v8 =	vmul.f32 $1.442695020e+00, v8;
	v0 =	vpop (erf);
	(erf) = vpow2.f32 v35;
	v16 =	vsub.f32 v39, v13  }
0x2e9: {  	v44 =	vmul.f32 $1.442695020e+00, v11;
	v45 =	vsub.f32 $0.0e+00, v21;
	v40 =	vpop (erf);
	(erf) = vpow2.f32 v2  }
0x2ea: {  	v10 =	vadd.f32 v55, v10;
	v2 =	vpop (erf);
	(erf) = vpow2.f32 v8;
	v16 =	vmul.f32 v16, v16  }
0x2eb: {  	v47 =	vmul.f32 $1.442695020e+00, v22;
	v37 =	vsel vm5, $0x0, v26;
	v49 =	vmul.f32 $1.442695020e+00, v45;
	v46 =	vpop (erf)  }
0x2ec: {  	v61 =	vld.idx.msk [tilespmem:v60+s11+$0x0], $0xffff;
	v10 =	vadd.f32 v32, v10;
	v54 =	vsub.f32 v43, v13;
	v32 =	vsel vm4, $0x0, v25;
	v3 =	vpop (erf)  }
0x2ed: {  	v48 =	vld [tilespmem:$0x5790];
	v63 =	vsub.f32 v53, v13;
	v35 =	vimm.s32 $0x15;
	v5 =	vadd.f32 v32, v5;
	v50 =	vpop (erf)  }
0x2ee: {  	v11 =	vmul.f32 v54, v54;
	v10 =	vadd.f32 v40, v10;
	v51 =	vsub.f32 $0.0e+00, v16;
	v16 =	vpop (erf)  }
0x2ef: {  	v39 =	vimm.s32 $0x16;
	v8 =	vmul.f32 $1.442695020e+00, v59;
	(erf) = vpow2.f32 v44;
	v58 =	vpop (erf)  }
0x2f0: {  	v10 =	vadd.f32 v46, v10;
	(erf) = vpow2.f32 v47;
	v55 =	vmul.f32 $1.442695020e+00, v51;
	v18 =	vpop (erf)  }
0x2f1: {  	v43 =	vld.idx.msk [tilespmem:v42+s11+$0x0], $0xffff;
	v30 =	vmul.f32 v63, v63;
	v34 =	vsub.f32 v61, v13;
	(erf) = vpow2.f32 v49;
	v62 =	vpop (erf)  }
0x2f2: {  	v11 =	vmul.f32 v11, v48;
	v10 =	vadd.f32 v50, v10;
	(erf) = vpow2.f32 v55;
	v19 =	vpop (erf)  }
0x2f3: {  	v5 =	vadd.f32 v37, v5;
	v23 =	vmul.f32 v34, v34;
	v29 =	vpop (erf);
	(erf) = vpow2.f32 v8;
	v8 =	vld.idx.msk [tilespmem:v31+s11+$0x0], $0xffff  }
0x2f4: {  	v59 =	vimm.s32 $0x1C;
	v22 =	vsub.f32 $0.0e+00, v30;
	v36 =	vld.idx.msk [tilespmem:v35+s11+$0x0], $0xffff;
	v10 =	vadd.f32 v58, v10  }
0x2f5: {  	v44 =	vimm.s32 $0x18;
	v21 =	vadd.f32 v11, v57;
	v41 =	vsub.f32 $0.0e+00, v23  }
0x2f6: {  	v46 =	vsel vm8, $0x0, v27;
	v23 =	vsub.f32 v43, v13;
	v15 =	vadd.f32 v62, v10;
	v10 =	vld.idx.msk [tilespmem:v39+s11+$0x0], $0xffff  }
0x2f7: {  	v5 =	vadd.f32 v46, v5;
	v49 =	vimm.s32 $0x19;
	v51 =	vimm.s32 $0x1A  }
0x2f8: {  	v23 =	vmul.f32 v23, v23;
	v6 =	vadd.f32 v29, v15;
	v20 =	vpop (erf);
	v8 =	vsub.f32 v8, v13  }
0x2f9: {  	v22 =	vmul.f32 $1.442695020e+00, v22;
	v60 =	vld.idx.msk [tilespmem:v59+s11+$0x0], $0xffff;
	v55 =	vimm.s32 $0x1B;
	v24 =	vsub.f32 v36, v13;
	v33 =	vpop (erf)  }
0x2fa: {  	v45 =	vld.idx.msk [tilespmem:v44+s11+$0x0], $0xffff;
	v23 =	vsub.f32 $0.0e+00, v23;
	v6 =	vadd.f32 v33, v6;
	v8 =	vmul.f32 v8, v8  }
0x2fb: {  	(erf) = vpow2.f32 v22;
	v22 =	vmul.f32 $1.442695020e+00, v41;
	v38 =	vpop (erf);
	v10 =	vsub.f32 v10, v13  }
0x2fc: {  	v47 =	vmul.f32 v24, v24;
	v52 =	vld.idx.msk [tilespmem:v51+s11+$0x0], $0xffff;
	v6 =	vadd.f32 v38, v6;
	v40 =	vpop (erf);
	v8 =	vsub.f32 $0.0e+00, v8  }
0x2fd: {  	v50 =	vld.idx.msk [tilespmem:v49+s11+$0x0], $0xffff;
	(erf) = vpow2.f32 v22;
	v10 =	vmul.f32 v10, v10;
	v11 =	vsel vm7, $0x0, v40  }
0x2fe: {  	v56 =	vld.idx.msk [tilespmem:v55+s11+$0x0], $0xffff;
	v6 =	vadd.f32 v11, v6;
	v11 =	vsub.f32 $0.0e+00, v47;
	v8 =	vmul.f32 $1.442695020e+00, v8  }
0x2ff: {  	vm15 =	vmmov $0x1fff;
	v28 =	vsub.f32 v60, v13;
	v25 =	vsub.f32 v45, v13  }
0x300: {  	v53 =	vsub.f32 $0.0e+00, v10;
	v11 =	vmul.f32 $1.442695020e+00, v11;
	(erf) = vpow2.f32 v8  }
0x301: {  	v58 =	vmul.f32 $1.442695020e+00, v23;
	v54 =	vmul.f32 v25, v25;
	v62 =	vsub.f32 v52, v13  }
0x302: {  	v22 =	vsub.f32 v50, v13;
	v8 =	vmul.f32 $1.442695020e+00, v53;
	(erf) = vpow2.f32 v11  }
0x303: {  	v15 =	vsub.f32 v56, v13;
	vm7 =	vmmov $0x1ff;
	v10 =	vsub.f32 $0.0e+00, v54;
	v48 =	vpop (erf)  }
0x304: {  	v22 =	vmul.f32 v22, v22;
	v24 =	vsel vm0, $0x0, v48;
	(erf) = vpow2.f32 v8  }
0x305: {  	v57 =	vpop (erf);
	v61 =	vmul.f32 $1.442695020e+00, v10;
	v10 =	vmul.f32 v62, v62;
	v6 =	vadd.f32 v24, v6  }
0x306: {  	v22 =	vsub.f32 $0.0e+00, v22;
	v11 =	vsel vm1, $0x0, v57;
	(erf) = vpow2.f32 v58  }
0x307: {  	v27 =	vmul.f32 v15, v15;
	v10 =	vsub.f32 $0.0e+00, v10;
	v6 =	vadd.f32 v11, v6;
	v63 =	vpop (erf)  }
0x308: {  	v26 =	vmul.f32 $1.442695020e+00, v22;
	v25 =	vsel vm2, $0x0, v63;
	(erf) = vpow2.f32 v61  }
0x309: {  	v22 =	vmul.f32 v28, v28;
	v10 =	vmul.f32 $1.442695020e+00, v10;
	v6 =	vadd.f32 v25, v6;
	v29 =	vpop (erf)  }
0x30a: {  	v11 =	vsub.f32 $0.0e+00, v27;
	(erf) = vpow2.f32 v26;
	v8 =	vsel vm3, $0x0, v29  }
0x30b: {  	v33 =	vld [tilespmem:$0x4C10];
	v0 =	vsel vm7, $0x0, v0;
	v34 =	vsub.f32 $0.0e+00, v22;
	v31 =	vpop (erf);
	v30 =	vadd.f32 v8, v6  }
0x30c: {  	v32 =	vmul.f32 $1.442695020e+00, v11;
	(erf) = vpow2.f32 v10;
	v6 =	vsel vm4, $0x0, v31  }
0x30d: {  	v1 =	vmul.f32 v17, v1;
	v0 =	vadd.f32 v0, v5;
	v35 =	vpop (erf);
	v5 =	vadd.f32 v6, v30  }
0x30e: {  	v36 =	vmul.f32 $1.442695020e+00, v34;
	(erf) = vpow2.f32 v32;
	v6 =	vsel vm5, $0x0, v35  }
0x30f: {  	v1 =	vmul.f32 v1, v9;
	v2 =	vsel vm9, $0x0, v2;
	v39 =	vld [tilespmem:$0x5810];
	v38 =	vpop (erf);
	v37 =	vadd.f32 v6, v5  }
0x310: {  	v40 =	vsub.f32 v33, v13;
	(erf) = vpow2.f32 v36;
	v5 =	vsel vm8, $0x0, v38  }
0x311: {  	v0 =	vadd.f32 v2, v0;
	v41 =	vpop (erf);
	vm8 =	vmmov $0x7ff;
	v2 =	vadd.f32 v5, v37  }
0x312: {  	v44 =	vmul.f32 v40, v40;
	v42 =	vsel vm7, $0x0, v41;
	v3 =	vsel vm8, $0x0, v3  }
0x313: {  	vm7 =	vmmov $0xfff;
	v43 =	vpop (erf);
	v0 =	vadd.f32 v3, v0;
	v2 =	vadd.f32 v42, v2  }
0x314: {  	v45 =	vsel vm7, $0x0, v16;
	v3 =	vsel vm9, $0x0, v43;
	v5 =	vmul.f32 v44, v39  }
0x315: {  	v55 =	vimm.f32 $0.0e+00;
	v53 =	vld [tilespmem:$0x1FF80];
	v46 =	vpop (erf);
	v0 =	vadd.f32 v45, v0;
	v2 =	vadd.f32 v3, v2  }
0x316: {  	v52 =	vld [tilespmem:$0x1FF70];
	v47 =	vsel vm15, $0x0, v18;
	v5 =	vadd.f32 v5, v21;
	v3 =	vsel vm8, $0x0, v46  }
0x317: {  	v49 =	vpop (erf);
	v0 =	vadd.f32 v47, v0;
	vm8 =	vmmov $0x3fff;
	v2 =	vadd.f32 v3, v2  }
0x318: {  	v5 =	vmul.f32 v5, v12;
	v48 =	vsel vm8, $0x0, v19;
	v3 =	vsel vm7, $0x0, v49  }
0x319: {  	v51 =	vpop (erf);
	v0 =	vadd.f32 v48, v0;
	vm7 =	vmmov $0x7fff;
	v2 =	vadd.f32 v3, v2  }
0x31a: {  	vm8 =	vgt.f32 v14, v53;
	v50 =	vsel vm7, $0x0, v20;
	v3 =	vsel vm15, $0x0, v51  }
0x31b: {  	vm7 =	vgt.f32 v14, v52;
	v0 =	vadd.f32 v50, v0;
	v2 =	vadd.f32 v3, v2  }
0x31c: {  	v54 =	vmul.f32 v5, v4;
	v5 =	vsel vm8, $0x3F800000, v55;
	v56 =	vsel vm7, $0x3F800000, v55  }
0x31d: {  	v57 =	vadd.f32 $-1.000000000e+00, v14;
	v0 =	vmul.f32 v0, v56;
	v2 =	vmul.f32 v2, v5  }
0x31e: {  	v1 =	vadd.f32 v54, v1  }
0x31f: {  	v58 =	vmul.f32 v57, v14;
	v0 =	vadd.f32 v2, v0  }
0x320: {  	(xrf2) =	vadd.scan.msk.f32 $0xffff, v1  }
0x321: {  	v59 =	vmax.f32 v58, $1.000000000e+00;
	(xrf2) =	vadd.scan.msk.f32 $0xffff, v0  }
0x322: {  	v0 =	vmul.f32 $5.000000000e-01, v59;
	_ =	sdelay $0x1  }
0x323: {  	(erf) = vrcp.f32 v0;
	_ =	sdelay $0x5  }
0x324: {  	v60, _, _ =	vpop (xrf2)  }
0x325: {  	v61, _, _ =	vpop (xrf2)  }
0x326: {  	v1 =	vbroadcast v61, $0xF  }
0x327: {  	v0 =	vbroadcast v60, $0xF;
	v62 =	vpop (erf)  }
0x328: {  	v2 =	vmul.f32 v1, v62  }
0x329: {  	vm7 =	vgt.f32 v14, $1.000000000e+00;
	v63 =	vmul.f32 v0, v7  }
0x32a: {  	vm8 =	vgt.f32 v14, $0.0e+00;
	v1 =	vsel vm7, v2, v1  }
0x32b: {  	v0 =	vsel vm8, v63, v0;
	v1 =	vmul.f32 $5.000000000e-01, v1  }
0x32c: {  	v0 =	vsel vm6, $0x0, v0;
	vm7 =	vmmov $0x1  }
0x32d: {  	p0 =	sne.s32 s6, $0x1;
	v0 =	vsel vm7, v1, v0  }
.Ltmp1:
0x32e: {  	[tilespmem:$0x5C80] =	vst v0;
	(pc) =	sbr.rel @p0 .LBB2_2-.Ltmp1, $4  }
0x32f: {  	[hbm4b:s4+s2] =	stream.linear.scatter [tilespmem:s12], [sflag:$0x1], $0x80, $0x38;
	[tilespmem:$0x5D00] =	vst v63  }
0x330: {  	_ =	swait.ge [sflag:s9], $0x80  }
0x331: {  	[sflag:s9] =	ssyncset.done $0x0  }
0x332: {  	s6 =	sadd.s32 $0xFFFFFFFF, s6;
	[sflag:s9] =	ssyncadd.s32 $0xFFFFFF80  }
.LBB2_3:
0x333: {  	_ =	sfence.sel $0x180000  }
0x334: {  	[bflag:$0x0] =	sbarrier.arrive $0xFFFF  }
0x335: {  	p0 =	sne.s32 s1, $0x0;
	_ =	strace $0x90000047  }
0x336: {  	s0 =	sadd.s32 @!p0 $0x100000, s0;
	[bflag:$0x2] =	sbarrier.arrive $0xFFFF  }
0x337: {  	[sflag:s0] =	ssyncadd.tile.s32 @!p0 $0x1;
	_ =	shalt  }
.Lfunc_end2:
_tile_overlayer_lowered:
.L_overlay_start_2:
0x338: {  	(tag) =	ssettag $0x2  }
0x339: {  	s0 =	rddreg [dreg:$0x0];
	s2 =	stileid.u32  }
0x33a: {  	s1 =	rddreg [dreg:$0x1];
	p0 =	sne.s32 s2, $0x0  }
0x33b: {  	s3 =	rddreg [dreg:$0x2];
	[bflag:$0x3] =	sbarrier.arrive $0xFFFF;
	s2 =	simm.s32 @!p0 $0x1C01  }
0x33c: {  	[timem:s3], [sflag:s2] =	dma.local @!p0 [hbm:s0], s1  }
0x33d: {  	s0 =	simm.s32 @!p0 $0x1  }
0x33e: {  	_ =	swait.ge @!p0 [sflag:s0], s1  }
0x33f: {  	s1 =	ssub.s32 @!p0 $0x0, s1;
	[sflag:s0] =	ssyncset.done @!p0 $0x0  }
0x340: {  	[sflag:s0] =	ssyncadd.s32 @!p0 s1  }
0x341: {  	[bflag:$0x3] =	sbarrier.arrive $0xFFFF  }
0x342: {  	_ =	shalt  }

</sc_bundles>
